<compile_context>
chip_gen: v7x
topology: tpu7x:2x2x1
jax: 0.10.2.dev20260603
libtpu: 0.0.44.dev20260713+nightly
codegen_flags: <defaults>
</compile_context>

<pallas_src>
import functools
import jax
import jax.numpy as jnp
from jax import lax
from jax.experimental import pallas as pl
from jax.experimental.pallas import tpu as pltpu
from jax.experimental.pallas import tpu_sc as plsc

D = 768
I = 1536
H = 12
P = 128
N = 64
DCONV = 4
CH = 256
E = 8
TOPK = 2
FF = 768
EPS = 1e-6
RM = 0.22
CONV_DIM = I + 2 * N
PROJ = 2 * I + 2 * N + H
PROJ_PAD = 3328
BK = 256
HI = jax.lax.Precision.HIGHEST


def _rmsnorm(x, w):
    v = jnp.mean(x * x, axis=-1, keepdims=True)
    return x * jax.lax.rsqrt(v + EPS) * w


def _silu(x):
    return x * jax.nn.sigmoid(x)


def _mixer_body(hs_ref, res_ref, iln_ref, pln_ref, wproj_ref, convw_ref,
                convb_ref, alog_ref, dtb_ref, dpar_ref, snw_ref, wout_ref,
                rw_ref,
                res2_ref, tok_ref, gate_ref, pos_ref, be_ref, act_ref,
                conv_carry, state_carry, cnt_carry, expsc, ranksc,
                wp_bf, wo_bf):
    c = pl.program_id(0)
    nc = pl.num_programs(0)
    S = nc * CH
    NB = (TOPK * S + E * BK) // BK

    @pl.when(c == 0)
    def _init():
        conv_carry[...] = jnp.zeros_like(conv_carry)
        state_carry[...] = jnp.zeros_like(state_carry)
        cnt_carry[...] = jnp.zeros_like(cnt_carry)
        wp_bf[...] = wproj_ref[...].astype(jnp.bfloat16)
        wo_bf[...] = wout_ref[...].astype(jnp.bfloat16)

    x = hs_ref[...] + res_ref[...]
    h = _rmsnorm(x, iln_ref[...])

    zxbcdt = jax.lax.dot_general(
        h.astype(jnp.bfloat16), wp_bf[...],
        (((1,), (1,)), ((), ())),
        preferred_element_type=jnp.float32)
    z = zxbcdt[:, :I]
    xBC_r = zxbcdt[:, I:I + CONV_DIM]
    dt_raw = zxbcdt[:, I + CONV_DIM:I + CONV_DIM + H]

    tail = conv_carry[...]
    xbc_bf = xBC_r.astype(jnp.bfloat16)
    xfull = jnp.concatenate([tail[DCONV + 1:, :], xbc_bf], axis=0)
    acc = jnp.broadcast_to(convb_ref[...], (CH, CONV_DIM))
    cw_bf = convw_ref[...].astype(jnp.bfloat16)
    for k in range(DCONV - 1):
        acc = acc + (xfull[k:k + CH, :] * cw_bf[k:k + 1, :]).astype(jnp.float32)
    acc = acc + xBC_r * convw_ref[DCONV - 1:DCONV, :]
    conv_carry[...] = xbc_bf[CH - 8:, :]
    xBC = _silu(acc)

    xin = xBC[:, :I]
    Bm = xBC[:, I:I + N]
    Cm = xBC[:, I + N:]

    dt = jax.nn.softplus(dt_raw + dtb_ref[...])
    A = -jnp.exp(alog_ref[...])
    dA = dt * A

    rid = lax.broadcasted_iota(jnp.int32, (CH, CH), 0)
    cid = lax.broadcasted_iota(jnp.int32, (CH, CH), 1)
    tril_i = (rid >= cid).astype(jnp.float32)
    tril_e = (rid > cid).astype(jnp.float32)
    A_cs = jax.lax.dot_general(tril_i, dA, (((1,), (0,)), ((), ())),
                               precision=HI,
                               preferred_element_type=jnp.float32)

    CBT = jax.lax.dot_general(Cm, Bm, (((1,), (1,)), ((), ())),
                              precision=HI,
                              preferred_element_type=jnp.float32)
    mask = rid >= cid
    A_csT = A_cs.T

    y_parts = []
    for hh in range(H):
        a_h = A_cs[:, hh:hh + 1]
        diff = jnp.where(mask, a_h - A_csT[hh:hh + 1, :], -1e9)
        L = jnp.exp(diff)
        xin_h = xin[:, hh * P:(hh + 1) * P]
        X_h = xin_h * dt[:, hh:hh + 1]
        Yd = jax.lax.dot_general(
            (CBT * L).astype(jnp.bfloat16), X_h.astype(jnp.bfloat16),
            (((1,), (0,)), ((), ())), preferred_element_type=jnp.float32)
        a_sum = A_cs[CH - 1:CH, hh:hh + 1]
        decay = jnp.exp(a_sum - a_h)
        S_old = state_carry[hh]
        chunk_state = jax.lax.dot_general(
            Bm.astype(jnp.bfloat16), (X_h * decay).astype(jnp.bfloat16),
            (((0,), (0,)), ((), ())), preferred_element_type=jnp.float32)
        state_carry[hh] = jnp.exp(a_sum) * S_old + chunk_state
        Yo = jax.lax.dot_general(
            Cm.astype(jnp.bfloat16), S_old.astype(jnp.bfloat16),
            (((1,), (0,)), ((), ())), preferred_element_type=jnp.float32)
        Yo = Yo * jnp.exp(a_h)
        y_parts.append(Yd + Yo + dpar_ref[0, hh] * xin_h)
    y = jnp.concatenate(y_parts, axis=1)

    y = _rmsnorm(y * _silu(z), snw_ref[...])
    attn = jax.lax.dot_general(
        y.astype(jnp.bfloat16), wo_bf[...],
        (((1,), (1,)), ((), ())), preferred_element_type=jnp.float32)

    h1 = x + attn * RM
    res2_ref[...] = h1
    h2 = _rmsnorm(h1, pln_ref[...])
    tok_ref[...] = h2

    logits = jax.lax.dot_general(h2, rw_ref[...], (((1,), (1,)), ((), ())),
                                 precision=HI,
                                 preferred_element_type=jnp.float32)
    eid = lax.broadcasted_iota(jnp.int32, (CH, E), 1)
    m1 = jnp.max(logits, axis=1, keepdims=True)
    i1 = jnp.min(jnp.where(logits == m1, eid, E), axis=1, keepdims=True)
    lg2 = jnp.where(eid == i1, -jnp.inf, logits)
    m2 = jnp.max(lg2, axis=1, keepdims=True)
    i2 = jnp.min(jnp.where(lg2 == m2, eid, E), axis=1, keepdims=True)
    ex = jnp.exp(m2 - m1)
    g1 = 1.0 / (1.0 + ex)
    g2 = ex * g1

    oh1 = (eid == i1).astype(jnp.float32)
    oh2 = (eid == i2).astype(jnp.float32)
    cnts = cnt_carry[...]
    cum1 = jax.lax.dot_general(tril_e, oh1, (((1,), (0,)), ((), ())),
                               precision=HI,
                               preferred_element_type=jnp.float32) + cnts
    rank1 = jnp.sum(cum1 * oh1, axis=1, keepdims=True)
    cnts = cnts + jnp.sum(oh1, axis=0, keepdims=True)
    cum2 = jax.lax.dot_general(tril_e, oh2, (((1,), (0,)), ((), ())),
                               precision=HI,
                               preferred_element_type=jnp.float32) + cnts
    rank2 = jnp.sum(cum2 * oh2, axis=1, keepdims=True)
    cnts = cnts + jnp.sum(oh2, axis=0, keepdims=True)
    cnt_carry[...] = cnts

    gate_ref[...] = (jnp.concatenate([g1, g2], axis=1) * RM).T
    expsc[:, pl.ds(c * CH, CH)] = jnp.concatenate(
        [i1.astype(jnp.float32), i2.astype(jnp.float32)], axis=1).T
    ranksc[:, pl.ds(c * CH, CH)] = jnp.concatenate([rank1, rank2], axis=1).T

    @pl.when(c == nc - 1)
    def _fin():
        pc = jnp.floor((cnts + (BK - 1.0)) * (1.0 / BK)) * BK
        lid = lax.broadcasted_iota(jnp.int32, (1, E), 1)
        cum = jnp.zeros((1, E), jnp.float32)
        for k in range(E):
            cum = cum + jnp.where(lid >= k, pc[0:1, k:k + 1], 0.0)
        poff = cum - pc
        ev = expsc[...]
        pos = ranksc[...]
        for k in range(E):
            pos = pos + jnp.where(ev == k, poff[0:1, k:k + 1], 0.0)
        pos_ref[...] = pos.astype(jnp.int32)
        bstart = lax.broadcasted_iota(
            jnp.int32, (1, 128), 1).astype(jnp.float32) * BK
        bacc = jnp.zeros((1, 128), jnp.float32)
        for k in range(E):
            bacc = bacc + (bstart >= cum[0:1, k:k + 1]).astype(jnp.float32)
        be_ref[...] = jnp.minimum(bacc, E - 1.0).astype(jnp.int32)[:, :NB]
        act_ref[...] = (bstart < cum[0:1, E - 1:E]).astype(jnp.int32)[:, :NB]


def _run_mixer(hs, res, iln, pln, wproj_p, convwT, convb, alog, dtb, dpar,
               snw, wout, rw, S, interpret=False):
    nc = S // CH
    NB = (TOPK * S + E * BK) // BK
    grid = (nc,)
    full = lambda *shape: pl.BlockSpec(shape, lambda c: tuple(0 for _ in shape))
    seq = pl.BlockSpec((CH, D), lambda c: (c, 0))
    out_shapes = [
        jax.ShapeDtypeStruct((S, D), jnp.float32),
        jax.ShapeDtypeStruct((S, D), jnp.float32),
        jax.ShapeDtypeStruct((2, S), jnp.float32),
        jax.ShapeDtypeStruct((2, S), jnp.int32),
        jax.ShapeDtypeStruct((1, NB), jnp.int32),
        jax.ShapeDtypeStruct((1, NB), jnp.int32),
    ]
    out_specs = [
        seq, seq,
        pl.BlockSpec((2, CH), lambda c: (0, c)),
        full(2, S),
        full(1, NB),
        full(1, NB),
    ]
    in_specs = [
        seq, seq,
        full(1, D), full(1, D),
        full(PROJ, D),
        full(DCONV, CONV_DIM), full(1, CONV_DIM),
        full(1, H), full(1, H), full(1, H),
        full(1, I),
        full(D, I),
        full(E, D),
    ]
    return pl.pallas_call(
        _mixer_body,
        grid=grid,
        in_specs=in_specs,
        out_specs=out_specs,
        out_shape=out_shapes,
        scratch_shapes=[
            pltpu.VMEM((8, CONV_DIM), jnp.bfloat16),
            pltpu.VMEM((H, N, P), jnp.float32),
            pltpu.VMEM((1, E), jnp.float32),
            pltpu.VMEM((2, S), jnp.float32),
            pltpu.VMEM((2, S), jnp.float32),
            pltpu.VMEM((PROJ, D), jnp.bfloat16),
            pltpu.VMEM((D, I), jnp.bfloat16),
        ],
        compiler_params=pltpu.CompilerParams(
            dimension_semantics=("arbitrary",)),
        interpret=interpret,
    )(hs, res, iln, pln, wproj_p, convwT, convb, alog, dtb, dpar, snw,
      wout, rw)


def _make_sc_dispatch(S, NPAD):
    NPAIR = TOPK * S
    NW = 32
    PW = NPAIR // NW

    mesh = plsc.VectorSubcoreMesh(core_axis_name="c", subcore_axis_name="s")

    @functools.partial(
        pl.kernel,
        out_type=jax.ShapeDtypeStruct((NPAD, D), jnp.float32),
        mesh=mesh,
        scratch_types=[
            pltpu.VMEM((PW,), jnp.int32),
            pltpu.VMEM((PW, D), jnp.float32),
            pltpu.SemaphoreType.DMA,
        ],
    )
    def sc_dispatch(pos_hbm, t_hbm, xs_hbm, pos_v, rows_v, sem):
        wid = lax.axis_index("s") * 2 + lax.axis_index("c")
        base = wid * PW
        tokbase = base % S
        pltpu.sync_copy(pos_hbm.at[pl.ds(base, PW)], pos_v)
        pltpu.sync_copy(t_hbm.at[pl.ds(tokbase, PW)], rows_v)
        pltpu.async_copy(rows_v, xs_hbm.at[pos_v], sem).wait()

    return sc_dispatch


def _make_sc_combine(S, NPAD):
    NW = 32
    TW = S // NW
    GCH = min(TW, 128)

    mesh = plsc.VectorSubcoreMesh(core_axis_name="c", subcore_axis_name="s")

    @functools.partial(
        pl.kernel,
        out_type=[
            jax.ShapeDtypeStruct((S, D), jnp.float32),
            jax.ShapeDtypeStruct((S, D), jnp.float32),
        ],
        mesh=mesh,
        scratch_types=[
            pltpu.VMEM((GCH,), jnp.int32),
            pltpu.VMEM((GCH, D), jnp.float32),
            pltpu.SemaphoreType.DMA,
        ],
    )
    def sc_combine(pos_hbm, y_hbm, g0_hbm, g1_hbm, idx_v, rows_v, sem):
        wid = lax.axis_index("s") * 2 + lax.axis_index("c")
        for slot in range(TOPK):
            for sub in range(TW // GCH):
                base = wid * TW + sub * GCH
                pltpu.sync_copy(pos_hbm.at[pl.ds(slot * S + base, GCH)], idx_v)
                pltpu.async_copy(y_hbm.at[idx_v], rows_v, sem).wait()
                out = g0_hbm if slot == 0 else g1_hbm
                pltpu.sync_copy(rows_v, out.at[pl.ds(base, GCH)])

    return sc_combine


def _moe_body(be_ref, act_ref, x_ref, w13_ref, w2_ref, y_ref):
    i = pl.program_id(0)

    @pl.when(act_ref[i] == 1)
    def _():
        x = x_ref[...].astype(jnp.bfloat16)
        g = jax.lax.dot_general(
            x, w13_ref[0].astype(jnp.bfloat16),
            (((1,), (1,)), ((), ())),
            preferred_element_type=jnp.float32)
        a = (_silu(g[:, :FF]) * g[:, FF:]).astype(jnp.bfloat16)
        y_ref[...] = jax.lax.dot_general(
            a, w2_ref[0].astype(jnp.bfloat16),
            (((1,), (1,)), ((), ())),
            preferred_element_type=jnp.float32)


def _run_moe(be, act, x_sorted, w13, w2, NPAD, interpret=False):
    NB = NPAD // BK
    grid_spec = pltpu.PrefetchScalarGridSpec(
        num_scalar_prefetch=2,
        grid=(NB,),
        in_specs=[
            pl.BlockSpec((BK, D), lambda i, be, act: (i, 0)),
            pl.BlockSpec((1, 2 * FF, D), lambda i, be, act: (be[i], 0, 0)),
            pl.BlockSpec((1, D, FF), lambda i, be, act: (be[i], 0, 0)),
        ],
        out_specs=pl.BlockSpec((BK, D), lambda i, be, act: (i, 0)),
    )
    return pl.pallas_call(
        _moe_body,
        grid_spec=grid_spec,
        out_shape=jax.ShapeDtypeStruct((NPAD, D), jnp.float32),
        compiler_params=pltpu.CompilerParams(
            dimension_semantics=("arbitrary",)),
        interpret=interpret,
    )(be, act, x_sorted, w13, w2)


def _add_body(r_ref, a_ref, b_ref, g_ref, o_ref):
    gc = g_ref[...].T
    o_ref[...] = (r_ref[...] + a_ref[...] * gc[:, 0:1]
                  + b_ref[...] * gc[:, 1:2])


def _run_add(res2, g0, g1, gatef, S, interpret=False):
    seq = pl.BlockSpec((CH, D), lambda c: (c, 0))
    return pl.pallas_call(
        _add_body,
        grid=(S // CH,),
        in_specs=[seq, seq, seq, pl.BlockSpec((2, CH), lambda c: (0, c))],
        out_specs=seq,
        out_shape=jax.ShapeDtypeStruct((S, D), jnp.float32),
        interpret=interpret,
    )(res2, g0, g1, gatef)


def kernel(hidden_states, residual, input_ln_w, post_ln_w, in_proj_w, conv_w,
           conv_b, A_log, dt_bias, D_param, ssm_norm_w, out_proj_w,
           router_w, w13, w2):
    b, S, d = hidden_states.shape
    NPAIR = TOPK * S
    NPAD = NPAIR + E * BK
    NB = NPAD // BK
    hs = hidden_states.reshape(S, D)
    res = residual.reshape(S, D)
    convwT = conv_w.T
    r2 = lambda a: a.reshape(1, -1)

    res2, tok, gatef, posf, bef, actf = _run_mixer(
        hs, res, r2(input_ln_w), r2(post_ln_w), in_proj_w, convwT, r2(conv_b),
        r2(A_log), r2(dt_bias), r2(D_param), r2(ssm_norm_w),
        out_proj_w, router_w, S)

    be = bef.reshape(NB)
    act = actf.reshape(NB)
    pos = posf.reshape(NPAIR)

    sc_dispatch = _make_sc_dispatch(S, NPAD)
    x_sorted = sc_dispatch(pos, tok)

    y_sorted = _run_moe(be, act, x_sorted, w13, w2, NPAD)

    sc_combine = _make_sc_combine(S, NPAD)
    g0, g1 = sc_combine(pos, y_sorted)

    h = _run_add(res2, g0, g1, gatef, S)
    return h.reshape(b, S, d), res2.reshape(b, S, d)

# --- scband reference (transcript-rebuilt; emitter-appended) ---
"""Pipeline reference for scband-granite-moe-hybrid-mixer-decoder-layer-91147795956114 (READ-ONLY COPY).

The authoritative reference and input builder live on the scoring server;
editing this copy changes nothing except your own understanding.
"""

import jax, jax.numpy as jnp
import numpy as np

D = 768; S = 2048; BT = 1
I = 1536; H = 12; P = 128; N = 64; G = 1; DCONV = 4; CH = 256
E = 8; TOPK = 2; FF = 768; EPS = 1e-6; RM = 0.22
CONV_DIM = I + 2 * G * N
PROJ = 2 * I + 2 * G * N + H


def setup_inputs(seed: int = 0) -> dict:
    key = jax.random.key(seed)
    ks = jax.random.split(key, 12)
    s = 0.02
    return {
        "hidden_states": jax.random.normal(ks[0], (BT, S, D), jnp.float32),
        "residual": jax.random.normal(ks[1], (BT, S, D), jnp.float32),
        "input_ln_w": jnp.ones((D,), jnp.float32),
        "post_ln_w": jnp.ones((D,), jnp.float32),
        "in_proj_w": jax.random.normal(ks[2], (PROJ, D), jnp.float32) * s,
        "conv_w": jax.random.normal(ks[3], (CONV_DIM, DCONV), jnp.float32) * s,
        "conv_b": jnp.zeros((CONV_DIM,), jnp.float32),
        "A_log": jnp.log(jnp.linspace(1.0, 16.0, H)).astype(jnp.float32),
        "dt_bias": jax.random.normal(ks[4], (H,), jnp.float32) * s,
        "D_param": jnp.ones((H,), jnp.float32),
        "ssm_norm_w": jnp.ones((I,), jnp.float32),
        "out_proj_w": jax.random.normal(ks[5], (D, I), jnp.float32) * s,
        "router_w": jax.random.normal(ks[6], (E, D), jnp.float32) * s,
        "w13": jax.random.normal(ks[7], (E, 2 * FF, D), jnp.float32) * s,
        "w2": jax.random.normal(ks[8], (E, D, FF), jnp.float32) * s,
    }


def rmsnorm(x, w):
    v = jnp.mean(x * x, axis=-1, keepdims=True)
    return x * jax.lax.rsqrt(v + EPS) * w


def segsum(x):
    T = x.shape[-1]
    cs = jnp.cumsum(x, axis=-1)
    ss = cs[..., :, None] - cs[..., None, :]
    mask = jnp.tril(jnp.ones((T, T), dtype=bool))
    return jnp.where(mask, ss, -1e9)


def ssd(X, A, B, C, chunk):
    # X:[b,s,h,p] (already dt-scaled), A:[b,s,h] (dt*A), B,C:[b,s,h,n]
    b, s, h, p = X.shape
    nc = s // chunk
    X = X.reshape(b, nc, chunk, h, p)
    B = B.reshape(b, nc, chunk, h, -1)
    C = C.reshape(b, nc, chunk, h, -1)
    A = A.reshape(b, nc, chunk, h).transpose(0, 3, 1, 2)
    A_cs = jnp.cumsum(A, axis=-1)
    L = jnp.exp(segsum(A))
    Y_diag = jnp.einsum('bclhn,bcshn,bhcls,bcshp->bclhp', C, B, L, X)
    decay_states = jnp.exp(A_cs[..., -1:] - A_cs)
    states = jnp.einsum('bclhn,bhcl,bclhp->bchpn', B, decay_states, X)
    states = jnp.concatenate([jnp.zeros_like(states[:, :1]), states], axis=1)
    A_chunk = jnp.pad(A_cs[..., -1], ((0, 0), (0, 0), (1, 0)))
    decay_chunk = jnp.exp(segsum(A_chunk))
    new_states = jnp.einsum('bhzc,bchpn->bzhpn', decay_chunk, states)
    states_prev = new_states[:, :-1]
    out_decay = jnp.exp(A_cs)
    Y_off = jnp.einsum('bclhn,bchpn,bhcl->bclhp', C, states_prev, out_decay)
    return (Y_diag + Y_off).reshape(b, s, h, p)


def _forward(hidden_states, residual, input_ln_w, post_ln_w, in_proj_w, conv_w,
             conv_b, A_log, dt_bias, D_param, ssm_norm_w, out_proj_w,
             router_w, w13, w2):
    b, s, d = hidden_states.shape
    # fused input_layernorm(hidden, residual)
    x = hidden_states + residual
    residual = x
    h = rmsnorm(x, input_ln_w)
    # ---- Mamba2 mixer (prefill, no cache) ----
    zxbcdt = h @ in_proj_w.T
    z = zxbcdt[..., :I]
    xBC = zxbcdt[..., I:I + CONV_DIM]
    dt = zxbcdt[..., I + CONV_DIM:]
    xp = jnp.pad(xBC, ((0, 0), (DCONV - 1, 0), (0, 0)))
    acc = jnp.broadcast_to(conv_b, xBC.shape)
    for k in range(DCONV):
        acc = acc + xp[:, k:k + s, :] * conv_w[:, k]
    xBC = jax.nn.silu(acc)
    xin = xBC[..., :I].reshape(b, s, H, P)
    Bm = xBC[..., I:I + G * N].reshape(b, s, G, N)
    Cm = xBC[..., I + G * N:].reshape(b, s, G, N)
    Bm = jnp.repeat(Bm, H // G, axis=2)
    Cm = jnp.repeat(Cm, H // G, axis=2)
    dt = jax.nn.softplus(dt + dt_bias)
    A = -jnp.exp(A_log)
    y = ssd(xin * dt[..., None], dt * A, Bm, Cm, CH)
    y = y + D_param[None, None, :, None] * xin
    y = y.reshape(b, s, I)
    y = rmsnorm(y * jax.nn.silu(z), ssm_norm_w)
    attn_out = y @ out_proj_w.T
    # ---- residual + post norm ----
    h = residual + attn_out * RM
    residual = h
    h2 = rmsnorm(h, post_ln_w)
    # ---- block-sparse MoE (top-k routed SwiGLU experts) ----
    t = h2.reshape(-1, d)
    logits = t @ router_w.T
    topv, topi = jax.lax.top_k(logits, TOPK)
    gatev = jax.nn.softmax(topv, axis=-1)
    gates = jnp.zeros_like(logits).at[jnp.arange(t.shape[0])[:, None], topi].set(gatev)
    moe_out = jnp.zeros_like(t)
    for e in range(E):
        g = t @ w13[e].T
        g1, g3 = g[:, :FF], g[:, FF:]
        moe_out = moe_out + gates[:, e:e + 1] * ((jax.nn.silu(g1) * g3) @ w2[e].T)
    h = residual + moe_out.reshape(b, s, d) * RM
    return h, residual


def reference(hidden_states, residual, input_ln_w, post_ln_w, in_proj_w, conv_w,
              conv_b, A_log, dt_bias, D_param, ssm_norm_w, out_proj_w,
              router_w, w13, w2):
    return _forward(hidden_states, residual, input_ln_w, post_ln_w, in_proj_w,
                    conv_w, conv_b, A_log, dt_bias, D_param, ssm_norm_w,
                    out_proj_w, router_w, w13, w2)

if __name__ == "__main__":
    import jax
    _d = setup_inputs()
    print(jax.jit(kernel)(*tuple(_d.values())))

</pallas_src>

<mosaic_0001>
#map = affine_map<(d0, d1) -> (0)>
#map1 = affine_map<(d0, d1) -> (0, 0)>
module attributes {stable_mosaic.version = 14 : i64} {
  func.func @sc_dispatch(%arg0: i32, %arg1: i32, %arg2: memref<4096xi32, #tpu.memory_space<hbm>>, %arg3: memref<2048x768xf32, #tpu.memory_space<hbm>>, %arg4: memref<6144x768xf32, #tpu.memory_space<hbm>>, %arg5: memref<128xi32, #tpu.memory_space<vmem>>, %arg6: memref<128x768xf32, #tpu.memory_space<vmem>>, %arg7: memref<!tpu.dma_semaphore, #tpu.memory_space<semaphore_mem>>) attributes {dimension_semantics = [#tpu.dimension_semantics<core_parallel>, #tpu.dimension_semantics<subcore_parallel>], iteration_bounds = array<i64: 2, 16>, scalar_prefetch = 0 : i64, scratch_operands = 3 : i64, tpu.core_type = #tpu.core_type<sc_vector_subcore>, window_params = [{transform_indices = #map}, {transform_indices = #map1}, {transform_indices = #map1}]} {
    %mul3A = arith.constant 2 : i32
    %mul3A_0 = arith.muli %arg1, %mul3A : i32
    %add3A = arith.addi %mul3A_0, %arg0 : i32
    %mul3A_1 = arith.constant 128 : i32
    %mul3A_2 = arith.muli %add3A, %mul3A_1 : i32
    %jit3A = arith.constant 2048 : i32
    %eq3A = arith.constant 0 : i32
    %eq3A_3 = arith.cmpi eq, %jit3A, %eq3A : i32
    %jit3A_4 = arith.constant 1 : i32
    %select_n3A = arith.select %eq3A_3, %jit3A_4, %jit3A : i32
    %rem3A = arith.remsi %mul3A_2, %select_n3A : i32
    %ne3A = arith.constant 0 : i32
    %ne3A_5 = arith.cmpi ne, %rem3A, %ne3A : i32
    %lt3A = arith.constant 0 : i32
    %lt3A_6 = arith.cmpi slt, %rem3A, %lt3A : i32
    %lt3A_7 = arith.constant 0 : i32
    %lt3A_8 = arith.cmpi slt, %select_n3A, %lt3A_7 : i32
    %ne3A_9 = arith.xori %lt3A_6, %lt3A_8 : i1
    %and3A = arith.andi %ne3A_9, %ne3A_5 : i1
    %add3A_10 = arith.addi %rem3A, %select_n3A : i32
    %select_n3A_11 = arith.select %and3A, %add3A_10, %rem3A : i32
    "tpu.region"() ({
      %run_scoped3A = tpu.sem_alloc : memref<!tpu.dma_semaphore, #tpu.memory_space<semaphore_mem>>
      %dma_start3A_16 = tpu.memref_slice %arg2[%mul3A_2] : memref<4096xi32, #tpu.memory_space<hbm>> -> memref<128xi32, #tpu.memory_space<hbm>>
      %dma_start3A_17 = tpu.memref_slice %arg2[%mul3A_2] : memref<4096xi32, #tpu.memory_space<hbm>> -> memref<128xi32, #tpu.memory_space<hbm>>
      tpu.enqueue_dma source(%dma_start3A_17 : memref<128xi32, #tpu.memory_space<hbm>>) target(%arg5 : memref<128xi32, #tpu.memory_space<vmem>>) target_semaphore(%run_scoped3A : memref<!tpu.dma_semaphore, #tpu.memory_space<semaphore_mem>>)
      %dma_wait3A_18 = tpu.memref_slice %arg2[%mul3A_2] : memref<4096xi32, #tpu.memory_space<hbm>> -> memref<128xi32, #tpu.memory_space<hbm>>
      %dma_wait3A_19 = tpu.memref_slice %arg2[%mul3A_2] : memref<4096xi32, #tpu.memory_space<hbm>> -> memref<128xi32, #tpu.memory_space<hbm>>
      tpu.wait_dma2 semaphore(%run_scoped3A : memref<!tpu.dma_semaphore, #tpu.memory_space<semaphore_mem>>) src(%dma_wait3A_19 : memref<128xi32, #tpu.memory_space<hbm>>) dst(%arg5 : memref<128xi32, #tpu.memory_space<vmem>>)
      tpu.yield
    }) : () -> ()
    "tpu.region"() ({
      %run_scoped3A = tpu.sem_alloc : memref<!tpu.dma_semaphore, #tpu.memory_space<semaphore_mem>>
      %dma_start3A_16 = arith.constant 0 : i32
      %dma_start3A_17 = tpu.memref_slice %arg3[%select_n3A_11, %dma_start3A_16] : memref<2048x768xf32, #tpu.memory_space<hbm>> -> memref<128x768xf32, #tpu.memory_space<hbm>>
      %dma_start3A_18 = arith.constant 0 : i32
      %dma_start3A_19 = tpu.memref_slice %arg3[%select_n3A_11, %dma_start3A_18] : memref<2048x768xf32, #tpu.memory_space<hbm>> -> memref<128x768xf32, #tpu.memory_space<hbm>>
      tpu.enqueue_dma source(%dma_start3A_19 : memref<128x768xf32, #tpu.memory_space<hbm>>) target(%arg6 : memref<128x768xf32, #tpu.memory_space<vmem>>) target_semaphore(%run_scoped3A : memref<!tpu.dma_semaphore, #tpu.memory_space<semaphore_mem>>)
      %dma_wait3A_20 = arith.constant 0 : i32
      %dma_wait3A_21 = tpu.memref_slice %arg3[%select_n3A_11, %dma_wait3A_20] : memref<2048x768xf32, #tpu.memory_space<hbm>> -> memref<128x768xf32, #tpu.memory_space<hbm>>
      %dma_wait3A_22 = arith.constant 0 : i32
      %dma_wait3A_23 = tpu.memref_slice %arg3[%select_n3A_11, %dma_wait3A_22] : memref<2048x768xf32, #tpu.memory_space<hbm>> -> memref<128x768xf32, #tpu.memory_space<hbm>>
      tpu.wait_dma2 semaphore(%run_scoped3A : memref<!tpu.dma_semaphore, #tpu.memory_space<semaphore_mem>>) src(%dma_wait3A_23 : memref<128x768xf32, #tpu.memory_space<hbm>>) dst(%arg6 : memref<128x768xf32, #tpu.memory_space<vmem>>)
      tpu.yield
    }) : () -> ()
    %dma_start3A = arith.constant 0 : i32
    %dma_start3A_12 = arith.constant 0 : i32
    %dma_start3A_13 = tpu.memref_slice %arg4[%dma_start3A, %dma_start3A_12] : memref<6144x768xf32, #tpu.memory_space<hbm>> -> memref<6144x768xf32, #tpu.memory_space<hbm>>
    tpu.enqueue_indirect_dma source(%arg6 : memref<128x768xf32, #tpu.memory_space<vmem>>) target(%dma_start3A_13 : memref<6144x768xf32, #tpu.memory_space<hbm>>) offsets(%arg5 : memref<128xi32, #tpu.memory_space<vmem>>) semaphore(%arg7 : memref<!tpu.dma_semaphore, #tpu.memory_space<semaphore_mem>>)
    %dma_wait3A = arith.constant 0 : i32
    %dma_wait3A_14 = arith.constant 0 : i32
    %dma_wait3A_15 = tpu.memref_slice %arg4[%dma_wait3A, %dma_wait3A_14] : memref<6144x768xf32, #tpu.memory_space<hbm>> -> memref<6144x768xf32, #tpu.memory_space<hbm>>
    tpu.wait_indirect_dma semaphore(%arg7 : memref<!tpu.dma_semaphore, #tpu.memory_space<semaphore_mem>>) src(%arg6 : memref<128x768xf32, #tpu.memory_space<vmem>>) dst(%dma_wait3A_15 : memref<6144x768xf32, #tpu.memory_space<hbm>>)
    return
  }
}

#map = affine_map<(d0, d1) -> (0)>
#map1 = affine_map<(d0, d1) -> (0, 0)>
module attributes {stable_mosaic.version = 14 : i64} {
  func.func @sc_combine(%arg0: i32, %arg1: i32, %arg2: memref<4096xi32, #tpu.memory_space<hbm>>, %arg3: memref<6144x768xf32, #tpu.memory_space<hbm>>, %arg4: memref<2048x768xf32, #tpu.memory_space<hbm>>, %arg5: memref<2048x768xf32, #tpu.memory_space<hbm>>, %arg6: memref<64xi32, #tpu.memory_space<vmem>>, %arg7: memref<64x768xf32, #tpu.memory_space<vmem>>, %arg8: memref<!tpu.dma_semaphore, #tpu.memory_space<semaphore_mem>>) attributes {dimension_semantics = [#tpu.dimension_semantics<core_parallel>, #tpu.dimension_semantics<subcore_parallel>], iteration_bounds = array<i64: 2, 16>, scalar_prefetch = 0 : i64, scratch_operands = 3 : i64, tpu.core_type = #tpu.core_type<sc_vector_subcore>, window_params = [{transform_indices = #map}, {transform_indices = #map1}, {transform_indices = #map1}, {transform_indices = #map1}]} {
    %mul3A = arith.constant 2 : i32
    %mul3A_0 = arith.muli %arg1, %mul3A : i32
    %add3A = arith.addi %mul3A_0, %arg0 : i32
    %mul3A_1 = arith.constant 64 : i32
    %mul3A_2 = arith.muli %add3A, %mul3A_1 : i32
    %add3A_3 = arith.constant 0 : i32
    %add3A_4 = arith.addi %mul3A_2, %add3A_3 : i32
    %add3A_5 = arith.constant 0 : i32
    %add3A_6 = arith.addi %add3A_5, %add3A_4 : i32
    "tpu.region"() ({
      %run_scoped3A = tpu.sem_alloc : memref<!tpu.dma_semaphore, #tpu.memory_space<semaphore_mem>>
      %dma_start3A_23 = tpu.memref_slice %arg2[%add3A_6] : memref<4096xi32, #tpu.memory_space<hbm>> -> memref<64xi32, #tpu.memory_space<hbm>>
      %dma_start3A_24 = tpu.memref_slice %arg2[%add3A_6] : memref<4096xi32, #tpu.memory_space<hbm>> -> memref<64xi32, #tpu.memory_space<hbm>>
      tpu.enqueue_dma source(%dma_start3A_24 : memref<64xi32, #tpu.memory_space<hbm>>) target(%arg6 : memref<64xi32, #tpu.memory_space<vmem>>) target_semaphore(%run_scoped3A : memref<!tpu.dma_semaphore, #tpu.memory_space<semaphore_mem>>)
      %dma_wait3A_25 = tpu.memref_slice %arg2[%add3A_6] : memref<4096xi32, #tpu.memory_space<hbm>> -> memref<64xi32, #tpu.memory_space<hbm>>
      %dma_wait3A_26 = tpu.memref_slice %arg2[%add3A_6] : memref<4096xi32, #tpu.memory_space<hbm>> -> memref<64xi32, #tpu.memory_space<hbm>>
      tpu.wait_dma2 semaphore(%run_scoped3A : memref<!tpu.dma_semaphore, #tpu.memory_space<semaphore_mem>>) src(%dma_wait3A_26 : memref<64xi32, #tpu.memory_space<hbm>>) dst(%arg6 : memref<64xi32, #tpu.memory_space<vmem>>)
      tpu.yield
    }) : () -> ()
    %dma_start3A = arith.constant 0 : i32
    %dma_start3A_7 = arith.constant 0 : i32
    %dma_start3A_8 = tpu.memref_slice %arg3[%dma_start3A, %dma_start3A_7] : memref<6144x768xf32, #tpu.memory_space<hbm>> -> memref<6144x768xf32, #tpu.memory_space<hbm>>
    tpu.enqueue_indirect_dma source(%dma_start3A_8 : memref<6144x768xf32, #tpu.memory_space<hbm>>) target(%arg7 : memref<64x768xf32, #tpu.memory_space<vmem>>) offsets(%arg6 : memref<64xi32, #tpu.memory_space<vmem>>) semaphore(%arg8 : memref<!tpu.dma_semaphore, #tpu.memory_space<semaphore_mem>>)
    %dma_wait3A = arith.constant 0 : i32
    %dma_wait3A_9 = arith.constant 0 : i32
    %dma_wait3A_10 = tpu.memref_slice %arg3[%dma_wait3A, %dma_wait3A_9] : memref<6144x768xf32, #tpu.memory_space<hbm>> -> memref<6144x768xf32, #tpu.memory_space<hbm>>
    tpu.wait_indirect_dma semaphore(%arg8 : memref<!tpu.dma_semaphore, #tpu.memory_space<semaphore_mem>>) src(%dma_wait3A_10 : memref<6144x768xf32, #tpu.memory_space<hbm>>) dst(%arg7 : memref<64x768xf32, #tpu.memory_space<vmem>>)
    "tpu.region"() ({
      %run_scoped3A = tpu.sem_alloc : memref<!tpu.dma_semaphore, #tpu.memory_space<semaphore_mem>>
      %dma_start3A_23 = arith.constant 0 : i32
      %dma_start3A_24 = tpu.memref_slice %arg4[%add3A_4, %dma_start3A_23] : memref<2048x768xf32, #tpu.memory_space<hbm>> -> memref<64x768xf32, #tpu.memory_space<hbm>>
      %dma_start3A_25 = arith.constant 0 : i32
      %dma_start3A_26 = tpu.memref_slice %arg4[%add3A_4, %dma_start3A_25] : memref<2048x768xf32, #tpu.memory_space<hbm>> -> memref<64x768xf32, #tpu.memory_space<hbm>>
      tpu.enqueue_dma source(%arg7 : memref<64x768xf32, #tpu.memory_space<vmem>>) target(%dma_start3A_26 : memref<64x768xf32, #tpu.memory_space<hbm>>) target_semaphore(%run_scoped3A : memref<!tpu.dma_semaphore, #tpu.memory_space<semaphore_mem>>)
      %dma_wait3A_27 = arith.constant 0 : i32
      %dma_wait3A_28 = tpu.memref_slice %arg4[%add3A_4, %dma_wait3A_27] : memref<2048x768xf32, #tpu.memory_space<hbm>> -> memref<64x768xf32, #tpu.memory_space<hbm>>
      %dma_wait3A_29 = arith.constant 0 : i32
      %dma_wait3A_30 = tpu.memref_slice %arg4[%add3A_4, %dma_wait3A_29] : memref<2048x768xf32, #tpu.memory_space<hbm>> -> memref<64x768xf32, #tpu.memory_space<hbm>>
      tpu.wait_dma2 semaphore(%run_scoped3A : memref<!tpu.dma_semaphore, #tpu.memory_space<semaphore_mem>>) src(%arg7 : memref<64x768xf32, #tpu.memory_space<vmem>>) dst(%dma_wait3A_30 : memref<64x768xf32, #tpu.memory_space<hbm>>)
      tpu.yield
    }) : () -> ()
    %mul3A_11 = arith.constant 64 : i32
    %mul3A_12 = arith.muli %add3A, %mul3A_11 : i32
    %add3A_13 = arith.constant 0 : i32
    %add3A_14 = arith.addi %mul3A_12, %add3A_13 : i32
    %add3A_15 = arith.constant 2048 : i32
    %add3A_16 = arith.addi %add3A_15, %add3A_14 : i32
    "tpu.region"() ({
      %run_scoped3A = tpu.sem_alloc : memref<!tpu.dma_semaphore, #tpu.memory_space<semaphore_mem>>
      %dma_start3A_23 = tpu.memref_slice %arg2[%add3A_16] : memref<4096xi32, #tpu.memory_space<hbm>> -> memref<64xi32, #tpu.memory_space<hbm>>
      %dma_start3A_24 = tpu.memref_slice %arg2[%add3A_16] : memref<4096xi32, #tpu.memory_space<hbm>> -> memref<64xi32, #tpu.memory_space<hbm>>
      tpu.enqueue_dma source(%dma_start3A_24 : memref<64xi32, #tpu.memory_space<hbm>>) target(%arg6 : memref<64xi32, #tpu.memory_space<vmem>>) target_semaphore(%run_scoped3A : memref<!tpu.dma_semaphore, #tpu.memory_space<semaphore_mem>>)
      %dma_wait3A_25 = tpu.memref_slice %arg2[%add3A_16] : memref<4096xi32, #tpu.memory_space<hbm>> -> memref<64xi32, #tpu.memory_space<hbm>>
      %dma_wait3A_26 = tpu.memref_slice %arg2[%add3A_16] : memref<4096xi32, #tpu.memory_space<hbm>> -> memref<64xi32, #tpu.memory_space<hbm>>
      tpu.wait_dma2 semaphore(%run_scoped3A : memref<!tpu.dma_semaphore, #tpu.memory_space<semaphore_mem>>) src(%dma_wait3A_26 : memref<64xi32, #tpu.memory_space<hbm>>) dst(%arg6 : memref<64xi32, #tpu.memory_space<vmem>>)
      tpu.yield
    }) : () -> ()
    %dma_start3A_17 = arith.constant 0 : i32
    %dma_start3A_18 = arith.constant 0 : i32
    %dma_start3A_19 = tpu.memref_slice %arg3[%dma_start3A_17, %dma_start3A_18] : memref<6144x768xf32, #tpu.memory_space<hbm>> -> memref<6144x768xf32, #tpu.memory_space<hbm>>
    tpu.enqueue_indirect_dma source(%dma_start3A_19 : memref<6144x768xf32, #tpu.memory_space<hbm>>) target(%arg7 : memref<64x768xf32, #tpu.memory_space<vmem>>) offsets(%arg6 : memref<64xi32, #tpu.memory_space<vmem>>) semaphore(%arg8 : memref<!tpu.dma_semaphore, #tpu.memory_space<semaphore_mem>>)
    %dma_wait3A_20 = arith.constant 0 : i32
    %dma_wait3A_21 = arith.constant 0 : i32
    %dma_wait3A_22 = tpu.memref_slice %arg3[%dma_wait3A_20, %dma_wait3A_21] : memref<6144x768xf32, #tpu.memory_space<hbm>> -> memref<6144x768xf32, #tpu.memory_space<hbm>>
    tpu.wait_indirect_dma semaphore(%arg8 : memref<!tpu.dma_semaphore, #tpu.memory_space<semaphore_mem>>) src(%dma_wait3A_22 : memref<6144x768xf32, #tpu.memory_space<hbm>>) dst(%arg7 : memref<64x768xf32, #tpu.memory_space<vmem>>)
    "tpu.region"() ({
      %run_scoped3A = tpu.sem_alloc : memref<!tpu.dma_semaphore, #tpu.memory_space<semaphore_mem>>
      %dma_start3A_23 = arith.constant 0 : i32
      %dma_start3A_24 = tpu.memref_slice %arg5[%add3A_14, %dma_start3A_23] : memref<2048x768xf32, #tpu.memory_space<hbm>> -> memref<64x768xf32, #tpu.memory_space<hbm>>
      %dma_start3A_25 = arith.constant 0 : i32
      %dma_start3A_26 = tpu.memref_slice %arg5[%add3A_14, %dma_start3A_25] : memref<2048x768xf32, #tpu.memory_space<hbm>> -> memref<64x768xf32, #tpu.memory_space<hbm>>
      tpu.enqueue_dma source(%arg7 : memref<64x768xf32, #tpu.memory_space<vmem>>) target(%dma_start3A_26 : memref<64x768xf32, #tpu.memory_space<hbm>>) target_semaphore(%run_scoped3A : memref<!tpu.dma_semaphore, #tpu.memory_space<semaphore_mem>>)
      %dma_wait3A_27 = arith.constant 0 : i32
      %dma_wait3A_28 = tpu.memref_slice %arg5[%add3A_14, %dma_wait3A_27] : memref<2048x768xf32, #tpu.memory_space<hbm>> -> memref<64x768xf32, #tpu.memory_space<hbm>>
      %dma_wait3A_29 = arith.constant 0 : i32
      %dma_wait3A_30 = tpu.memref_slice %arg5[%add3A_14, %dma_wait3A_29] : memref<2048x768xf32, #tpu.memory_space<hbm>> -> memref<64x768xf32, #tpu.memory_space<hbm>>
      tpu.wait_dma2 semaphore(%run_scoped3A : memref<!tpu.dma_semaphore, #tpu.memory_space<semaphore_mem>>) src(%arg7 : memref<64x768xf32, #tpu.memory_space<vmem>>) dst(%dma_wait3A_30 : memref<64x768xf32, #tpu.memory_space<hbm>>)
      tpu.yield
    }) : () -> ()
    return
  }
}

module attributes {stable_mosaic.version = 14 : i64} {
  func.func @_add_body(%arg0: i32, %arg1: memref<256x768xf32, #tpu.memory_space<vmem>>, %arg2: memref<256x768xf32, #tpu.memory_space<vmem>>, %arg3: memref<256x768xf32, #tpu.memory_space<vmem>>, %arg4: memref<2x256xf32, #tpu.memory_space<vmem>>, %arg5: memref<256x768xf32, #tpu.memory_space<vmem>>) attributes {dimension_semantics = [#tpu.dimension_semantics<arbitrary>], iteration_bounds = array<i64: 8>, scalar_prefetch = 0 : i64, scratch_operands = 0 : i64, tpu.core_type = #tpu.core_type<tc>, window_params = [{transform_indices = @transform_0, window_bounds = array<i64: 256, 768>}, {transform_indices = @transform_1, window_bounds = array<i64: 256, 768>}, {transform_indices = @transform_2, window_bounds = array<i64: 256, 768>}, {transform_indices = @transform_3, window_bounds = array<i64: 2, 256>}, {transform_indices = @transform_4, window_bounds = array<i64: 256, 768>}]} {
    %get3A = arith.constant 0 : index
    %get3A_0 = arith.constant 0 : index
    %get3A_1 = vector.load %arg4[%get3A, %get3A_0] : memref<2x256xf32, #tpu.memory_space<vmem>>, vector<2x256xf32>
    %transpose3A = tpu.transpose %get3A_1, [1, 0] : vector<2x256xf32> -> vector<256x2xf32>
    %get3A_2 = arith.constant 0 : index
    %get3A_3 = arith.constant 0 : index
    %get3A_4 = vector.load %arg1[%get3A_2, %get3A_3] : memref<256x768xf32, #tpu.memory_space<vmem>>, vector<256x768xf32>
    %get3A_5 = arith.constant 0 : index
    %get3A_6 = arith.constant 0 : index
    %get3A_7 = vector.load %arg2[%get3A_5, %get3A_6] : memref<256x768xf32, #tpu.memory_space<vmem>>, vector<256x768xf32>
    %slice3A = vector.extract_strided_slice %transpose3A {offsets = [0, 0], sizes = [256, 1], strides = [1, 1]} : vector<256x2xf32> to vector<256x1xf32>
    %mul3A = vector.broadcast %slice3A : vector<256x1xf32> to vector<256x768xf32>
    %mul3A_8 = arith.mulf %get3A_7, %mul3A : vector<256x768xf32>
    %add3A = arith.addf %get3A_4, %mul3A_8 : vector<256x768xf32>
    %get3A_9 = arith.constant 0 : index
    %get3A_10 = arith.constant 0 : index
    %get3A_11 = vector.load %arg3[%get3A_9, %get3A_10] : memref<256x768xf32, #tpu.memory_space<vmem>>, vector<256x768xf32>
    %slice3A_12 = vector.extract_strided_slice %transpose3A {offsets = [0, 1], sizes = [256, 1], strides = [1, 1]} : vector<256x2xf32> to vector<256x1xf32>
    %mul3A_13 = vector.broadcast %slice3A_12 : vector<256x1xf32> to vector<256x768xf32>
    %mul3A_14 = arith.mulf %get3A_11, %mul3A_13 : vector<256x768xf32>
    %add3A_15 = arith.addf %add3A, %mul3A_14 : vector<256x768xf32>
    %swap3A = arith.constant 0 : index
    %swap3A_16 = arith.constant 0 : index
    %swap3A_17 = vector.load %arg5[%swap3A, %swap3A_16] : memref<256x768xf32, #tpu.memory_space<vmem>>, vector<256x768xf32>
    tpu.vector_store %arg5[%swap3A, %swap3A_16], %add3A_15 {strides = array<i32>} : memref<256x768xf32, #tpu.memory_space<vmem>>, vector<256x768xf32>,
    return
  }
  func.func @transform_0(%arg0: i32) -> (i32, i32) {
    %c0_i32 = arith.constant 0 : i32
    %c0_i32_0 = arith.constant 0 : i32
    return %arg0, %c0_i32 : i32, i32
  }
  func.func @transform_1(%arg0: i32) -> (i32, i32) {
    %c0_i32 = arith.constant 0 : i32
    %c0_i32_0 = arith.constant 0 : i32
    return %arg0, %c0_i32 : i32, i32
  }
  func.func @transform_2(%arg0: i32) -> (i32, i32) {
    %c0_i32 = arith.constant 0 : i32
    %c0_i32_0 = arith.constant 0 : i32
    return %arg0, %c0_i32 : i32, i32
  }
  func.func @transform_3(%arg0: i32) -> (i32, i32) {
    %c0_i32 = arith.constant 0 : i32
    %c0_i32_0 = arith.constant 0 : i32
    return %c0_i32, %arg0 : i32, i32
  }
  func.func @transform_4(%arg0: i32) -> (i32, i32) {
    %c0_i32 = arith.constant 0 : i32
    %c0_i32_0 = arith.constant 0 : i32
    return %arg0, %c0_i32 : i32, i32
  }
}

module attributes {stable_mosaic.version = 14 : i64} {
  func.func @_moe_body(%arg0: i32, %arg1: memref<24xi32, #tpu.memory_space<smem>>, %arg2: memref<24xi32, #tpu.memory_space<smem>>, %arg3: memref<256x768xf32, #tpu.memory_space<vmem>>, %arg4: memref<1x1536x768xf32, #tpu.memory_space<vmem>>, %arg5: memref<1x768x768xf32, #tpu.memory_space<vmem>>, %arg6: memref<256x768xf32, #tpu.memory_space<vmem>>) attributes {dimension_semantics = [#tpu.dimension_semantics<arbitrary>], iteration_bounds = array<i64: 24>, scalar_prefetch = 2 : i64, scratch_operands = 0 : i64, tpu.core_type = #tpu.core_type<tc>, window_params = [{transform_indices = @transform_0, window_bounds = array<i64: 256, 768>}, {transform_indices = @transform_1, window_bounds = array<i64: 1, 1536, 768>}, {transform_indices = @transform_2, window_bounds = array<i64: 1, 768, 768>}, {transform_indices = @transform_3, window_bounds = array<i64: 256, 768>}]} {
    %get3A = arith.index_cast %arg0 : i32 to index
    %get3A_0 = memref.load %arg2[%get3A] : memref<24xi32, #tpu.memory_space<smem>>
    %eq3A = arith.constant 1 : i32
    %eq3A_1 = arith.cmpi eq, %get3A_0, %eq3A : i32
    %convert_element_type3A = arith.extui %eq3A_1 : i1 to i32
    %cond3A = arith.constant 0 : i32
    %cond3A_2 = arith.cmpi ne, %convert_element_type3A, %cond3A : i32
    scf.if %cond3A_2 {
      %get3A_3 = arith.constant 0 : index
      %get3A_4 = arith.constant 0 : index
      %get3A_5 = vector.load %arg3[%get3A_3, %get3A_4] : memref<256x768xf32, #tpu.memory_space<vmem>>, vector<256x768xf32>
      %convert_element_type3A_6 = arith.truncf %get3A_5 : vector<256x768xf32> to vector<256x768xbf16>
      %get3A_7 = arith.constant 0 : index
      %get3A_8 = arith.constant 0 : index
      %get3A_9 = arith.constant 0 : index
      %get3A_10 = vector.load %arg4[%get3A_7, %get3A_8, %get3A_9] : memref<1x1536x768xf32, #tpu.memory_space<vmem>>, vector<1x1536x768xf32>
      %get3A_11 = vector.shape_cast %get3A_10 : vector<1x1536x768xf32> to vector<1536x768xf32>
      %convert_element_type3A_12 = arith.truncf %get3A_11 : vector<1536x768xf32> to vector<1536x768xbf16>
      %dot_general3A = arith.constant dense<0.000000e+00> : vector<256x1536xf32>
      %dot_general3A_13 = tpu.matmul %convert_element_type3A_6, %convert_element_type3A_12, %dot_general3A {dimension_numbers = #tpu.dot_dimension_numbers<[1], [1], [0], [0], [0, 0, 1, 0], [], []>, transpose_lhs_hint = false} : vector<256x768xbf16>, vector<1536x768xbf16>, vector<256x1536xf32> -> vector<256x1536xf32>
      %slice3A = vector.extract_strided_slice %dot_general3A_13 {offsets = [0, 0], sizes = [256, 768], strides = [1, 1]} : vector<256x1536xf32> to vector<256x768xf32>
      %logistic3A = arith.negf %slice3A : vector<256x768xf32>
      %logistic3A_14 = math.exp %logistic3A : vector<256x768xf32>
      %logistic3A_15 = arith.constant 1.000000e+00 : f32
      %logistic3A_16 = vector.broadcast %logistic3A_15 : f32 to vector<256x768xf32>
      %logistic3A_17 = arith.addf %logistic3A_16, %logistic3A_14 : vector<256x768xf32>
      %logistic3A_18 = arith.divf %logistic3A_16, %logistic3A_17 : vector<256x768xf32>
      %mul3A = arith.mulf %slice3A, %logistic3A_18 : vector<256x768xf32>
      %slice3A_19 = vector.extract_strided_slice %dot_general3A_13 {offsets = [0, 768], sizes = [256, 768], strides = [1, 1]} : vector<256x1536xf32> to vector<256x768xf32>
      %mul3A_20 = arith.mulf %mul3A, %slice3A_19 : vector<256x768xf32>
      %convert_element_type3A_21 = arith.truncf %mul3A_20 : vector<256x768xf32> to vector<256x768xbf16>
      %get3A_22 = arith.constant 0 : index
      %get3A_23 = arith.constant 0 : index
      %get3A_24 = arith.constant 0 : index
      %get3A_25 = vector.load %arg5[%get3A_22, %get3A_23, %get3A_24] : memref<1x768x768xf32, #tpu.memory_space<vmem>>, vector<1x768x768xf32>
      %get3A_26 = vector.shape_cast %get3A_25 : vector<1x768x768xf32> to vector<768x768xf32>
      %convert_element_type3A_27 = arith.truncf %get3A_26 : vector<768x768xf32> to vector<768x768xbf16>
      %dot_general3A_28 = arith.constant dense<0.000000e+00> : vector<256x768xf32>
      %dot_general3A_29 = tpu.matmul %convert_element_type3A_21, %convert_element_type3A_27, %dot_general3A_28 {dimension_numbers = #tpu.dot_dimension_numbers<[1], [1], [0], [0], [0, 0, 1, 0], [], []>, transpose_lhs_hint = false} : vector<256x768xbf16>, vector<768x768xbf16>, vector<256x768xf32> -> vector<256x768xf32>
      %swap3A = arith.constant 0 : index
      %swap3A_30 = arith.constant 0 : index
      %swap3A_31 = vector.load %arg6[%swap3A, %swap3A_30] : memref<256x768xf32, #tpu.memory_space<vmem>>, vector<256x768xf32>
      tpu.vector_store %arg6[%swap3A, %swap3A_30], %dot_general3A_29 {strides = array<i32>} : memref<256x768xf32, #tpu.memory_space<vmem>>, vector<256x768xf32>,
    } else {
    }
    return
  }
  func.func @transform_0(%arg0: i32, %arg1: memref<24xi32, #tpu.memory_space<smem>>, %arg2: memref<24xi32, #tpu.memory_space<smem>>) -> (i32, i32) {
    %c0_i32 = arith.constant 0 : i32
    %c0_i32_0 = arith.constant 0 : i32
    return %arg0, %c0_i32 : i32, i32
  }
  func.func @transform_1(%arg0: i32, %arg1: memref<24xi32, #tpu.memory_space<smem>>, %arg2: memref<24xi32, #tpu.memory_space<smem>>) -> (i32, i32, i32) {
    %get3A = arith.index_cast %arg0 : i32 to index
    %get3A_0 = memref.load %arg1[%get3A] : memref<24xi32, #tpu.memory_space<smem>>
    %c0_i32 = arith.constant 0 : i32
    %c0_i32_1 = arith.constant 0 : i32
    %c0_i32_2 = arith.constant 0 : i32
    return %get3A_0, %c0_i32, %c0_i32_1 : i32, i32, i32
  }
  func.func @transform_2(%arg0: i32, %arg1: memref<24xi32, #tpu.memory_space<smem>>, %arg2: memref<24xi32, #tpu.memory_space<smem>>) -> (i32, i32, i32) {
    %get3A = arith.index_cast %arg0 : i32 to index
    %get3A_0 = memref.load %arg1[%get3A] : memref<24xi32, #tpu.memory_space<smem>>
    %c0_i32 = arith.constant 0 : i32
    %c0_i32_1 = arith.constant 0 : i32
    %c0_i32_2 = arith.constant 0 : i32
    return %get3A_0, %c0_i32, %c0_i32_1 : i32, i32, i32
  }
  func.func @transform_3(%arg0: i32, %arg1: memref<24xi32, #tpu.memory_space<smem>>, %arg2: memref<24xi32, #tpu.memory_space<smem>>) -> (i32, i32) {
    %c0_i32 = arith.constant 0 : i32
    %c0_i32_0 = arith.constant 0 : i32
    return %arg0, %c0_i32 : i32, i32
  }
}

module attributes {stable_mosaic.version = 14 : i64} {
  func.func @_mixer_body(%arg0: i32, %arg1: memref<256x768xf32, #tpu.memory_space<vmem>>, %arg2: memref<256x768xf32, #tpu.memory_space<vmem>>, %arg3: memref<1x768xf32, #tpu.memory_space<vmem>>, %arg4: memref<1x768xf32, #tpu.memory_space<vmem>>, %arg5: memref<3212x768xf32, #tpu.memory_space<vmem>>, %arg6: memref<4x1664xf32, #tpu.memory_space<vmem>>, %arg7: memref<1x1664xf32, #tpu.memory_space<vmem>>, %arg8: memref<1x12xf32, #tpu.memory_space<vmem>>, %arg9: memref<1x12xf32, #tpu.memory_space<vmem>>, %arg10: memref<1x12xf32, #tpu.memory_space<vmem>>, %arg11: memref<1x1536xf32, #tpu.memory_space<vmem>>, %arg12: memref<768x1536xf32, #tpu.memory_space<vmem>>, %arg13: memref<8x768xf32, #tpu.memory_space<vmem>>, %arg14: memref<256x768xf32, #tpu.memory_space<vmem>>, %arg15: memref<256x768xf32, #tpu.memory_space<vmem>>, %arg16: memref<2x256xf32, #tpu.memory_space<vmem>>, %arg17: memref<2x2048xi32, #tpu.memory_space<vmem>>, %arg18: memref<1x24xi32, #tpu.memory_space<vmem>>, %arg19: memref<1x24xi32, #tpu.memory_space<vmem>>, %arg20: memref<8x1664xbf16, #tpu.memory_space<vmem>>, %arg21: memref<12x64x128xf32, #tpu.memory_space<vmem>>, %arg22: memref<1x8xf32, #tpu.memory_space<vmem>>, %arg23: memref<2x2048xf32, #tpu.memory_space<vmem>>, %arg24: memref<2x2048xf32, #tpu.memory_space<vmem>>, %arg25: memref<3212x768xbf16, #tpu.memory_space<vmem>>, %arg26: memref<768x1536xbf16, #tpu.memory_space<vmem>>) attributes {dimension_semantics = [#tpu.dimension_semantics<arbitrary>], iteration_bounds = array<i64: 8>, scalar_prefetch = 0 : i64, scratch_operands = 7 : i64, tpu.core_type = #tpu.core_type<tc>, window_params = [{transform_indices = @transform_0, window_bounds = array<i64: 256, 768>}, {transform_indices = @transform_1, window_bounds = array<i64: 256, 768>}, {pipeline_mode = #tpu.pipeline_mode<synchronous>, transform_indices = @transform_2, window_bounds = array<i64: 1, 768>}, {pipeline_mode = #tpu.pipeline_mode<synchronous>, transform_indices = @transform_3, window_bounds = array<i64: 1, 768>}, {pipeline_mode = #tpu.pipeline_mode<synchronous>, transform_indices = @transform_4, window_bounds = array<i64: 3212, 768>}, {pipeline_mode = #tpu.pipeline_mode<synchronous>, transform_indices = @transform_5, window_bounds = array<i64: 4, 1664>}, {pipeline_mode = #tpu.pipeline_mode<synchronous>, transform_indices = @transform_6, window_bounds = array<i64: 1, 1664>}, {pipeline_mode = #tpu.pipeline_mode<synchronous>, transform_indices = @transform_7, window_bounds = array<i64: 1, 12>}, {pipeline_mode = #tpu.pipeline_mode<synchronous>, transform_indices = @transform_8, window_bounds = array<i64: 1, 12>}, {pipeline_mode = #tpu.pipeline_mode<synchronous>, transform_indices = @transform_9, window_bounds = array<i64: 1, 12>}, {pipeline_mode = #tpu.pipeline_mode<synchronous>, transform_indices = @transform_10, window_bounds = array<i64: 1, 1536>}, {pipeline_mode = #tpu.pipeline_mode<synchronous>, transform_indices = @transform_11, window_bounds = array<i64: 768, 1536>}, {pipeline_mode = #tpu.pipeline_mode<synchronous>, transform_indices = @transform_12, window_bounds = array<i64: 8, 768>}, {transform_indices = @transform_13, window_bounds = array<i64: 256, 768>}, {transform_indices = @transform_14, window_bounds = array<i64: 256, 768>}, {transform_indices = @transform_15, window_bounds = array<i64: 2, 256>}, {pipeline_mode = #tpu.pipeline_mode<synchronous>, transform_indices = @transform_16, window_bounds = array<i64: 2, 2048>}, {pipeline_mode = #tpu.pipeline_mode<synchronous>, transform_indices = @transform_17, window_bounds = array<i64: 1, 24>}, {pipeline_mode = #tpu.pipeline_mode<synchronous>, transform_indices = @transform_18, window_bounds = array<i64: 1, 24>}]} {
    %eq3A = arith.constant 0 : i32
    %eq3A_0 = arith.cmpi eq, %arg0, %eq3A : i32
    %convert_element_type3A = arith.extui %eq3A_0 : i1 to i32
    %cond3A = arith.constant 0 : i32
    %cond3A_1 = arith.cmpi ne, %convert_element_type3A, %cond3A : i32
    scf.if %cond3A_1 {
      %broadcast_in_dim3A_971 = arith.constant 0.000000e+00 : bf16
      %broadcast_in_dim3A_972 = vector.broadcast %broadcast_in_dim3A_971 : bf16 to vector<8x1664xbf16>
      %swap3A_973 = arith.constant 0 : index
      %swap3A_974 = arith.constant 0 : index
      %swap3A_975 = vector.load %arg20[%swap3A_973, %swap3A_974] : memref<8x1664xbf16, #tpu.memory_space<vmem>>, vector<8x1664xbf16>
      tpu.vector_store %arg20[%swap3A_973, %swap3A_974], %broadcast_in_dim3A_972 {strides = array<i32>} : memref<8x1664xbf16, #tpu.memory_space<vmem>>, vector<8x1664xbf16>,
      %broadcast_in_dim3A_976 = arith.constant 0.000000e+00 : f32
      %broadcast_in_dim3A_977 = vector.broadcast %broadcast_in_dim3A_976 : f32 to vector<12x64x128xf32>
      %swap3A_978 = arith.constant 0 : index
      %swap3A_979 = arith.constant 0 : index
      %swap3A_980 = arith.constant 0 : index
      %swap3A_981 = vector.load %arg21[%swap3A_978, %swap3A_979, %swap3A_980] : memref<12x64x128xf32, #tpu.memory_space<vmem>>, vector<12x64x128xf32>
      tpu.vector_store %arg21[%swap3A_978, %swap3A_979, %swap3A_980], %broadcast_in_dim3A_977 {strides = array<i32>} : memref<12x64x128xf32, #tpu.memory_space<vmem>>, vector<12x64x128xf32>,
      %broadcast_in_dim3A_982 = arith.constant 0.000000e+00 : f32
      %broadcast_in_dim3A_983 = vector.broadcast %broadcast_in_dim3A_982 : f32 to vector<1x8xf32>
      %swap3A_984 = arith.constant 0 : index
      %swap3A_985 = arith.constant 0 : index
      %swap3A_986 = vector.load %arg22[%swap3A_984, %swap3A_985] : memref<1x8xf32, #tpu.memory_space<vmem>>, vector<1x8xf32>
      tpu.vector_store %arg22[%swap3A_984, %swap3A_985], %broadcast_in_dim3A_983 {strides = array<i32>} : memref<1x8xf32, #tpu.memory_space<vmem>>, vector<1x8xf32>,
      %get3A_987 = arith.constant 0 : index
      %get3A_988 = arith.constant 0 : index
      %get3A_989 = vector.load %arg5[%get3A_987, %get3A_988] : memref<3212x768xf32, #tpu.memory_space<vmem>>, vector<3212x768xf32>
      %convert_element_type3A_990 = arith.truncf %get3A_989 : vector<3212x768xf32> to vector<3212x768xbf16>
      %swap3A_991 = arith.constant 0 : index
      %swap3A_992 = arith.constant 0 : index
      %swap3A_993 = vector.load %arg25[%swap3A_991, %swap3A_992] : memref<3212x768xbf16, #tpu.memory_space<vmem>>, vector<3212x768xbf16>
      tpu.vector_store %arg25[%swap3A_991, %swap3A_992], %convert_element_type3A_990 {strides = array<i32>} : memref<3212x768xbf16, #tpu.memory_space<vmem>>, vector<3212x768xbf16>,
      %get3A_994 = arith.constant 0 : index
      %get3A_995 = arith.constant 0 : index
      %get3A_996 = vector.load %arg12[%get3A_994, %get3A_995] : memref<768x1536xf32, #tpu.memory_space<vmem>>, vector<768x1536xf32>
      %convert_element_type3A_997 = arith.truncf %get3A_996 : vector<768x1536xf32> to vector<768x1536xbf16>
      %swap3A_998 = arith.constant 0 : index
      %swap3A_999 = arith.constant 0 : index
      %swap3A_1000 = vector.load %arg26[%swap3A_998, %swap3A_999] : memref<768x1536xbf16, #tpu.memory_space<vmem>>, vector<768x1536xbf16>
      tpu.vector_store %arg26[%swap3A_998, %swap3A_999], %convert_element_type3A_997 {strides = array<i32>} : memref<768x1536xbf16, #tpu.memory_space<vmem>>, vector<768x1536xbf16>,
    } else {
    }
    %get3A = arith.constant 0 : index
    %get3A_2 = arith.constant 0 : index
    %get3A_3 = vector.load %arg1[%get3A, %get3A_2] : memref<256x768xf32, #tpu.memory_space<vmem>>, vector<256x768xf32>
    %get3A_4 = arith.constant 0 : index
    %get3A_5 = arith.constant 0 : index
    %get3A_6 = vector.load %arg2[%get3A_4, %get3A_5] : memref<256x768xf32, #tpu.memory_space<vmem>>, vector<256x768xf32>
    %add3A = arith.addf %get3A_3, %get3A_6 : vector<256x768xf32>
    %get3A_7 = arith.constant 0 : index
    %get3A_8 = arith.constant 0 : index
    %get3A_9 = vector.load %arg3[%get3A_7, %get3A_8] : memref<1x768xf32, #tpu.memory_space<vmem>>, vector<1x768xf32>
    %mul3A = arith.mulf %add3A, %add3A : vector<256x768xf32>
    %reduce_sum3A = arith.constant dense<0.000000e+00> : vector<256xf32>
    %reduce_sum3A_10 = vector.multi_reduction <add>, %mul3A, %reduce_sum3A [1] : vector<256x768xf32> to vector<256xf32>
    %broadcast_in_dim3A = vector.shape_cast %reduce_sum3A_10 : vector<256xf32> to vector<256x1xf32>
    %div3A = arith.constant 7.680000e+02 : f32
    %div3A_11 = vector.broadcast %div3A : f32 to vector<256x1xf32>
    %div3A_12 = arith.divf %broadcast_in_dim3A, %div3A_11 : vector<256x1xf32>
    %add3A_13 = arith.constant 9.99999997E-7 : f32
    %add3A_14 = vector.broadcast %add3A_13 : f32 to vector<256x1xf32>
    %add3A_15 = arith.addf %div3A_12, %add3A_14 : vector<256x1xf32>
    %rsqrt3A = math.rsqrt %add3A_15 : vector<256x1xf32>
    %mul3A_16 = vector.broadcast %rsqrt3A : vector<256x1xf32> to vector<256x768xf32>
    %mul3A_17 = arith.mulf %add3A, %mul3A_16 : vector<256x768xf32>
    %mul3A_18 = vector.broadcast %get3A_9 : vector<1x768xf32> to vector<256x768xf32>
    %mul3A_19 = arith.mulf %mul3A_17, %mul3A_18 : vector<256x768xf32>
    %convert_element_type3A_20 = arith.truncf %mul3A_19 : vector<256x768xf32> to vector<256x768xbf16>
    %get3A_21 = arith.constant 0 : index
    %get3A_22 = arith.constant 0 : index
    %get3A_23 = vector.load %arg25[%get3A_21, %get3A_22] : memref<3212x768xbf16, #tpu.memory_space<vmem>>, vector<3212x768xbf16>
    %dot_general3A = arith.constant dense<0.000000e+00> : vector<256x3212xf32>
    %dot_general3A_24 = tpu.matmul %convert_element_type3A_20, %get3A_23, %dot_general3A {dimension_numbers = #tpu.dot_dimension_numbers<[1], [1], [0], [0], [0, 0, 1, 0], [], []>, transpose_lhs_hint = false} : vector<256x768xbf16>, vector<3212x768xbf16>, vector<256x3212xf32> -> vector<256x3212xf32>
    %slice3A = vector.extract_strided_slice %dot_general3A_24 {offsets = [0, 0], sizes = [256, 1536], strides = [1, 1]} : vector<256x3212xf32> to vector<256x1536xf32>
    %slice3A_25 = vector.extract_strided_slice %dot_general3A_24 {offsets = [0, 1536], sizes = [256, 1664], strides = [1, 1]} : vector<256x3212xf32> to vector<256x1664xf32>
    %slice3A_26 = vector.extract_strided_slice %dot_general3A_24 {offsets = [0, 3200], sizes = [256, 12], strides = [1, 1]} : vector<256x3212xf32> to vector<256x12xf32>
    %get3A_27 = arith.constant 0 : index
    %get3A_28 = arith.constant 0 : index
    %get3A_29 = vector.load %arg20[%get3A_27, %get3A_28] : memref<8x1664xbf16, #tpu.memory_space<vmem>>, vector<8x1664xbf16>
    %convert_element_type3A_30 = arith.truncf %slice3A_25 : vector<256x1664xf32> to vector<256x1664xbf16>
    %slice3A_31 = vector.extract_strided_slice %get3A_29 {offsets = [5, 0], sizes = [3, 1664], strides = [1, 1]} : vector<8x1664xbf16> to vector<3x1664xbf16>
    %concatenate3A = tpu.concatenate %slice3A_31, %convert_element_type3A_30 in 0 : vector<3x1664xbf16>, vector<256x1664xbf16> -> vector<259x1664xbf16>
    %get3A_32 = arith.constant 0 : index
    %get3A_33 = arith.constant 0 : index
    %get3A_34 = vector.load %arg7[%get3A_32, %get3A_33] : memref<1x1664xf32, #tpu.memory_space<vmem>>, vector<1x1664xf32>
    %broadcast_in_dim3A_35 = vector.shape_cast %get3A_34 : vector<1x1664xf32> to vector<1x1664xf32>
    %broadcast_in_dim3A_36 = vector.broadcast %broadcast_in_dim3A_35 : vector<1x1664xf32> to vector<256x1664xf32>
    %get3A_37 = arith.constant 0 : index
    %get3A_38 = arith.constant 0 : index
    %get3A_39 = vector.load %arg6[%get3A_37, %get3A_38] : memref<4x1664xf32, #tpu.memory_space<vmem>>, vector<4x1664xf32>
    %convert_element_type3A_40 = arith.truncf %get3A_39 : vector<4x1664xf32> to vector<4x1664xbf16>
    %slice3A_41 = vector.extract_strided_slice %concatenate3A {offsets = [0, 0], sizes = [256, 1664], strides = [1, 1]} : vector<259x1664xbf16> to vector<256x1664xbf16>
    %slice3A_42 = vector.extract_strided_slice %convert_element_type3A_40 {offsets = [0, 0], sizes = [1, 1664], strides = [1, 1]} : vector<4x1664xbf16> to vector<1x1664xbf16>
    %mul3A_43 = vector.broadcast %slice3A_42 : vector<1x1664xbf16> to vector<256x1664xbf16>
    %mul3A_44 = arith.mulf %slice3A_41, %mul3A_43 : vector<256x1664xbf16>
    %convert_element_type3A_45 = arith.extf %mul3A_44 : vector<256x1664xbf16> to vector<256x1664xf32>
    %add3A_46 = arith.addf %broadcast_in_dim3A_36, %convert_element_type3A_45 : vector<256x1664xf32>
    %slice3A_47 = vector.extract_strided_slice %concatenate3A {offsets = [1, 0], sizes = [256, 1664], strides = [1, 1]} : vector<259x1664xbf16> to vector<256x1664xbf16>
    %slice3A_48 = vector.extract_strided_slice %convert_element_type3A_40 {offsets = [1, 0], sizes = [1, 1664], strides = [1, 1]} : vector<4x1664xbf16> to vector<1x1664xbf16>
    %mul3A_49 = vector.broadcast %slice3A_48 : vector<1x1664xbf16> to vector<256x1664xbf16>
    %mul3A_50 = arith.mulf %slice3A_47, %mul3A_49 : vector<256x1664xbf16>
    %convert_element_type3A_51 = arith.extf %mul3A_50 : vector<256x1664xbf16> to vector<256x1664xf32>
    %add3A_52 = arith.addf %add3A_46, %convert_element_type3A_51 : vector<256x1664xf32>
    %slice3A_53 = vector.extract_strided_slice %concatenate3A {offsets = [2, 0], sizes = [256, 1664], strides = [1, 1]} : vector<259x1664xbf16> to vector<256x1664xbf16>
    %slice3A_54 = vector.extract_strided_slice %convert_element_type3A_40 {offsets = [2, 0], sizes = [1, 1664], strides = [1, 1]} : vector<4x1664xbf16> to vector<1x1664xbf16>
    %mul3A_55 = vector.broadcast %slice3A_54 : vector<1x1664xbf16> to vector<256x1664xbf16>
    %mul3A_56 = arith.mulf %slice3A_53, %mul3A_55 : vector<256x1664xbf16>
    %convert_element_type3A_57 = arith.extf %mul3A_56 : vector<256x1664xbf16> to vector<256x1664xf32>
    %add3A_58 = arith.addf %add3A_52, %convert_element_type3A_57 : vector<256x1664xf32>
    %get3A_59 = arith.constant 3 : index
    %get3A_60 = arith.constant 0 : index
    %get3A_61 = vector.load %arg6[%get3A_59, %get3A_60] : memref<4x1664xf32, #tpu.memory_space<vmem>>, vector<1x1664xf32>
    %mul3A_62 = vector.broadcast %get3A_61 : vector<1x1664xf32> to vector<256x1664xf32>
    %mul3A_63 = arith.mulf %slice3A_25, %mul3A_62 : vector<256x1664xf32>
    %add3A_64 = arith.addf %add3A_58, %mul3A_63 : vector<256x1664xf32>
    %slice3A_65 = vector.extract_strided_slice %convert_element_type3A_30 {offsets = [248, 0], sizes = [8, 1664], strides = [1, 1]} : vector<256x1664xbf16> to vector<8x1664xbf16>
    %swap3A = arith.constant 0 : index
    %swap3A_66 = arith.constant 0 : index
    %swap3A_67 = vector.load %arg20[%swap3A, %swap3A_66] : memref<8x1664xbf16, #tpu.memory_space<vmem>>, vector<8x1664xbf16>
    tpu.vector_store %arg20[%swap3A, %swap3A_66], %slice3A_65 {strides = array<i32>} : memref<8x1664xbf16, #tpu.memory_space<vmem>>, vector<8x1664xbf16>,
    %logistic3A = arith.negf %add3A_64 : vector<256x1664xf32>
    %logistic3A_68 = math.exp %logistic3A : vector<256x1664xf32>
    %logistic3A_69 = arith.constant 1.000000e+00 : f32
    %logistic3A_70 = vector.broadcast %logistic3A_69 : f32 to vector<256x1664xf32>
    %logistic3A_71 = arith.addf %logistic3A_70, %logistic3A_68 : vector<256x1664xf32>
    %logistic3A_72 = arith.divf %logistic3A_70, %logistic3A_71 : vector<256x1664xf32>
    %mul3A_73 = arith.mulf %add3A_64, %logistic3A_72 : vector<256x1664xf32>
    %slice3A_74 = vector.extract_strided_slice %mul3A_73 {offsets = [0, 0], sizes = [256, 1536], strides = [1, 1]} : vector<256x1664xf32> to vector<256x1536xf32>
    %slice3A_75 = vector.extract_strided_slice %mul3A_73 {offsets = [0, 1536], sizes = [256, 64], strides = [1, 1]} : vector<256x1664xf32> to vector<256x64xf32>
    %slice3A_76 = vector.extract_strided_slice %mul3A_73 {offsets = [0, 1600], sizes = [256, 64], strides = [1, 1]} : vector<256x1664xf32> to vector<256x64xf32>
    %get3A_77 = arith.constant 0 : index
    %get3A_78 = arith.constant 0 : index
    %get3A_79 = vector.load %arg9[%get3A_77, %get3A_78] : memref<1x12xf32, #tpu.memory_space<vmem>>, vector<1x12xf32>
    %add3A_80 = vector.broadcast %get3A_79 : vector<1x12xf32> to vector<256x12xf32>
    %add3A_81 = arith.addf %slice3A_26, %add3A_80 : vector<256x12xf32>
    %custom_jvp_call3A = arith.constant 0.000000e+00 : f32
    %max3A = vector.broadcast %custom_jvp_call3A : f32 to vector<256x12xf32>
    %max3A_82 = arith.maximumf %add3A_81, %max3A : vector<256x12xf32>
    %sub3A = vector.broadcast %custom_jvp_call3A : f32 to vector<256x12xf32>
    %sub3A_83 = arith.subf %add3A_81, %sub3A : vector<256x12xf32>
    %ne3A = arith.cmpf one, %sub3A_83, %sub3A_83 : vector<256x12xf32>
    %add3A_84 = vector.broadcast %custom_jvp_call3A : f32 to vector<256x12xf32>
    %add3A_85 = arith.addf %add3A_81, %add3A_84 : vector<256x12xf32>
    %abs3A = math.absf %sub3A_83 : vector<256x12xf32>
    %neg3A = arith.constant 0.000000e+00 : f32
    %neg3A_86 = vector.broadcast %neg3A : f32 to vector<256x12xf32>
    %neg3A_87 = arith.subf %neg3A_86, %abs3A : vector<256x12xf32>
    %exp3A = math.exp %neg3A_87 : vector<256x12xf32>
    %log1p3A = math.log1p %exp3A : vector<256x12xf32>
    %add3A_88 = arith.addf %max3A_82, %log1p3A : vector<256x12xf32>
    %select_n3A = arith.select %ne3A, %add3A_85, %add3A_88 : vector<256x12xi1>, vector<256x12xf32>
    %get3A_89 = arith.constant 0 : index
    %get3A_90 = arith.constant 0 : index
    %get3A_91 = vector.load %arg8[%get3A_89, %get3A_90] : memref<1x12xf32, #tpu.memory_space<vmem>>, vector<1x12xf32>
    %exp3A_92 = math.exp %get3A_91 : vector<1x12xf32>
    %neg3A_93 = arith.constant 0.000000e+00 : f32
    %neg3A_94 = vector.broadcast %neg3A_93 : f32 to vector<1x12xf32>
    %neg3A_95 = arith.subf %neg3A_94, %exp3A_92 : vector<1x12xf32>
    %mul3A_96 = vector.broadcast %neg3A_95 : vector<1x12xf32> to vector<256x12xf32>
    %mul3A_97 = arith.mulf %select_n3A, %mul3A_96 : vector<256x12xf32>
    %iota3A = tpu.iota {dimensions = array<i32: 0>} : vector<256x256xi32>
    %iota3A_98 = tpu.iota {dimensions = array<i32: 1>} : vector<256x256xi32>
    %ge3A = arith.cmpi sge, %iota3A, %iota3A_98 : vector<256x256xi32>
    %convert_element_type3A_99 = arith.extui %ge3A : vector<256x256xi1> to vector<256x256xi32>
    %convert_element_type3A_100 = arith.sitofp %convert_element_type3A_99 : vector<256x256xi32> to vector<256x256xf32>
    %gt3A = arith.cmpi sgt, %iota3A, %iota3A_98 : vector<256x256xi32>
    %convert_element_type3A_101 = arith.extui %gt3A : vector<256x256xi1> to vector<256x256xi32>
    %convert_element_type3A_102 = arith.sitofp %convert_element_type3A_101 : vector<256x256xi32> to vector<256x256xf32>
    %dot_general3A_103 = arith.constant dense<0.000000e+00> : vector<256x12xf32>
    %dot_general3A_104 = tpu.matmul %convert_element_type3A_100, %mul3A_97, %dot_general3A_103 {dimension_numbers = #tpu.dot_dimension_numbers<[1], [0], [0], [1], [0, 0, 1, 1], [], []>, precision = #tpu.contract_precision<fp32>, transpose_lhs_hint = false} : vector<256x256xf32>, vector<256x12xf32>, vector<256x12xf32> -> vector<256x12xf32>
    %dot_general3A_105 = arith.constant dense<0.000000e+00> : vector<256x256xf32>
    %dot_general3A_106 = tpu.matmul %slice3A_76, %slice3A_75, %dot_general3A_105 {dimension_numbers = #tpu.dot_dimension_numbers<[1], [1], [0], [0], [0, 0, 1, 0], [], []>, precision = #tpu.contract_precision<fp32>, transpose_lhs_hint = false} : vector<256x64xf32>, vector<256x64xf32>, vector<256x256xf32> -> vector<256x256xf32>
    %ge3A_107 = arith.cmpi sge, %iota3A, %iota3A_98 : vector<256x256xi32>
    %transpose3A = tpu.transpose %dot_general3A_104, [1, 0] : vector<256x12xf32> -> vector<12x256xf32>
    %slice3A_108 = vector.extract_strided_slice %dot_general3A_104 {offsets = [0, 0], sizes = [256, 1], strides = [1, 1]} : vector<256x12xf32> to vector<256x1xf32>
    %slice3A_109 = vector.extract_strided_slice %transpose3A {offsets = [0, 0], sizes = [1, 256], strides = [1, 1]} : vector<12x256xf32> to vector<1x256xf32>
    %sub3A_110 = vector.broadcast %slice3A_108 : vector<256x1xf32> to vector<256x256xf32>
    %sub3A_111 = vector.broadcast %slice3A_109 : vector<1x256xf32> to vector<256x256xf32>
    %sub3A_112 = arith.subf %sub3A_110, %sub3A_111 : vector<256x256xf32>
    %jit3A = arith.constant -1.000000e+09 : f32
    %broadcast_in_dim3A_113 = vector.broadcast %jit3A : f32 to vector<256x256xf32>
    %select_n3A_114 = arith.select %ge3A_107, %sub3A_112, %broadcast_in_dim3A_113 : vector<256x256xi1>, vector<256x256xf32>
    %exp3A_115 = math.exp %select_n3A_114 : vector<256x256xf32>
    %slice3A_116 = vector.extract_strided_slice %slice3A_74 {offsets = [0, 0], sizes = [256, 128], strides = [1, 1]} : vector<256x1536xf32> to vector<256x128xf32>
    %slice3A_117 = vector.extract_strided_slice %select_n3A {offsets = [0, 0], sizes = [256, 1], strides = [1, 1]} : vector<256x12xf32> to vector<256x1xf32>
    %mul3A_118 = vector.broadcast %slice3A_117 : vector<256x1xf32> to vector<256x128xf32>
    %mul3A_119 = arith.mulf %slice3A_116, %mul3A_118 : vector<256x128xf32>
    %mul3A_120 = arith.mulf %dot_general3A_106, %exp3A_115 : vector<256x256xf32>
    %convert_element_type3A_121 = arith.truncf %mul3A_120 : vector<256x256xf32> to vector<256x256xbf16>
    %convert_element_type3A_122 = arith.truncf %mul3A_119 : vector<256x128xf32> to vector<256x128xbf16>
    %dot_general3A_123 = arith.constant dense<0.000000e+00> : vector<256x128xf32>
    %dot_general3A_124 = tpu.matmul %convert_element_type3A_121, %convert_element_type3A_122, %dot_general3A_123 {dimension_numbers = #tpu.dot_dimension_numbers<[1], [0], [0], [1], [0, 0, 1, 1], [], []>, transpose_lhs_hint = false} : vector<256x256xbf16>, vector<256x128xbf16>, vector<256x128xf32> -> vector<256x128xf32>
    %slice3A_125 = vector.extract_strided_slice %dot_general3A_104 {offsets = [255, 0], sizes = [1, 1], strides = [1, 1]} : vector<256x12xf32> to vector<1x1xf32>
    %sub3A_126 = vector.broadcast %slice3A_125 : vector<1x1xf32> to vector<256x1xf32>
    %sub3A_127 = arith.subf %sub3A_126, %slice3A_108 : vector<256x1xf32>
    %exp3A_128 = math.exp %sub3A_127 : vector<256x1xf32>
    %get3A_129 = arith.constant 0 : index
    %get3A_130 = arith.constant 0 : index
    %get3A_131 = arith.constant 0 : index
    %get3A_132 = vector.load %arg21[%get3A_129, %get3A_130, %get3A_131] : memref<12x64x128xf32, #tpu.memory_space<vmem>>, vector<1x64x128xf32>
    %get3A_133 = vector.shape_cast %get3A_132 : vector<1x64x128xf32> to vector<64x128xf32>
    %convert_element_type3A_134 = arith.truncf %slice3A_75 : vector<256x64xf32> to vector<256x64xbf16>
    %mul3A_135 = vector.broadcast %exp3A_128 : vector<256x1xf32> to vector<256x128xf32>
    %mul3A_136 = arith.mulf %mul3A_119, %mul3A_135 : vector<256x128xf32>
    %convert_element_type3A_137 = arith.truncf %mul3A_136 : vector<256x128xf32> to vector<256x128xbf16>
    %dot_general3A_138 = arith.constant dense<0.000000e+00> : vector<64x128xf32>
    %dot_general3A_139 = tpu.matmul %convert_element_type3A_134, %convert_element_type3A_137, %dot_general3A_138 {dimension_numbers = #tpu.dot_dimension_numbers<[0], [0], [1], [1], [0, 1, 1, 1], [], []>, transpose_lhs_hint = false} : vector<256x64xbf16>, vector<256x128xbf16>, vector<64x128xf32> -> vector<64x128xf32>
    %exp3A_140 = math.exp %slice3A_125 : vector<1x1xf32>
    %mul3A_141 = vector.broadcast %exp3A_140 : vector<1x1xf32> to vector<64x128xf32>
    %mul3A_142 = arith.mulf %mul3A_141, %get3A_133 : vector<64x128xf32>
    %add3A_143 = arith.addf %mul3A_142, %dot_general3A_139 : vector<64x128xf32>
    %swap3A_144 = arith.constant 0 : index
    %swap3A_145 = arith.constant 0 : index
    %swap3A_146 = arith.constant 0 : index
    %swap3A_147 = vector.load %arg21[%swap3A_144, %swap3A_145, %swap3A_146] : memref<12x64x128xf32, #tpu.memory_space<vmem>>, vector<1x64x128xf32>
    %swap3A_148 = vector.shape_cast %swap3A_147 : vector<1x64x128xf32> to vector<64x128xf32>
    %swap3A_149 = vector.shape_cast %add3A_143 : vector<64x128xf32> to vector<1x64x128xf32>
    tpu.vector_store %arg21[%swap3A_144, %swap3A_145, %swap3A_146], %swap3A_149 {strides = array<i32>} : memref<12x64x128xf32, #tpu.memory_space<vmem>>, vector<1x64x128xf32>,
    %convert_element_type3A_150 = arith.truncf %slice3A_76 : vector<256x64xf32> to vector<256x64xbf16>
    %convert_element_type3A_151 = arith.truncf %get3A_133 : vector<64x128xf32> to vector<64x128xbf16>
    %dot_general3A_152 = arith.constant dense<0.000000e+00> : vector<256x128xf32>
    %dot_general3A_153 = tpu.matmul %convert_element_type3A_150, %convert_element_type3A_151, %dot_general3A_152 {dimension_numbers = #tpu.dot_dimension_numbers<[1], [0], [0], [1], [0, 0, 1, 1], [], []>, transpose_lhs_hint = false} : vector<256x64xbf16>, vector<64x128xbf16>, vector<256x128xf32> -> vector<256x128xf32>
    %exp3A_154 = math.exp %slice3A_108 : vector<256x1xf32>
    %mul3A_155 = vector.broadcast %exp3A_154 : vector<256x1xf32> to vector<256x128xf32>
    %mul3A_156 = arith.mulf %dot_general3A_153, %mul3A_155 : vector<256x128xf32>
    %add3A_157 = arith.addf %dot_general3A_124, %mul3A_156 : vector<256x128xf32>
    %get3A_158 = arith.constant 0 : index
    %get3A_159 = arith.constant 0 : index
    %get3A_160 = vector.load %arg10[%get3A_158, %get3A_159] : memref<1x12xf32, #tpu.memory_space<vmem>>, vector<1x1xf32>
    %get3A_161 = vector.extract %get3A_160[0, 0] : f32 from vector<1x1xf32>
    %mul3A_162 = vector.broadcast %get3A_161 : f32 to vector<256x128xf32>
    %mul3A_163 = arith.mulf %mul3A_162, %slice3A_116 : vector<256x128xf32>
    %add3A_164 = arith.addf %add3A_157, %mul3A_163 : vector<256x128xf32>
    %slice3A_165 = vector.extract_strided_slice %dot_general3A_104 {offsets = [0, 1], sizes = [256, 1], strides = [1, 1]} : vector<256x12xf32> to vector<256x1xf32>
    %slice3A_166 = vector.extract_strided_slice %transpose3A {offsets = [1, 0], sizes = [1, 256], strides = [1, 1]} : vector<12x256xf32> to vector<1x256xf32>
    %sub3A_167 = vector.broadcast %slice3A_165 : vector<256x1xf32> to vector<256x256xf32>
    %sub3A_168 = vector.broadcast %slice3A_166 : vector<1x256xf32> to vector<256x256xf32>
    %sub3A_169 = arith.subf %sub3A_167, %sub3A_168 : vector<256x256xf32>
    %jit3A_170 = arith.constant -1.000000e+09 : f32
    %broadcast_in_dim3A_171 = vector.broadcast %jit3A_170 : f32 to vector<256x256xf32>
    %select_n3A_172 = arith.select %ge3A_107, %sub3A_169, %broadcast_in_dim3A_171 : vector<256x256xi1>, vector<256x256xf32>
    %exp3A_173 = math.exp %select_n3A_172 : vector<256x256xf32>
    %slice3A_174 = vector.extract_strided_slice %slice3A_74 {offsets = [0, 128], sizes = [256, 128], strides = [1, 1]} : vector<256x1536xf32> to vector<256x128xf32>
    %slice3A_175 = vector.extract_strided_slice %select_n3A {offsets = [0, 1], sizes = [256, 1], strides = [1, 1]} : vector<256x12xf32> to vector<256x1xf32>
    %mul3A_176 = vector.broadcast %slice3A_175 : vector<256x1xf32> to vector<256x128xf32>
    %mul3A_177 = arith.mulf %slice3A_174, %mul3A_176 : vector<256x128xf32>
    %mul3A_178 = arith.mulf %dot_general3A_106, %exp3A_173 : vector<256x256xf32>
    %convert_element_type3A_179 = arith.truncf %mul3A_178 : vector<256x256xf32> to vector<256x256xbf16>
    %convert_element_type3A_180 = arith.truncf %mul3A_177 : vector<256x128xf32> to vector<256x128xbf16>
    %dot_general3A_181 = arith.constant dense<0.000000e+00> : vector<256x128xf32>
    %dot_general3A_182 = tpu.matmul %convert_element_type3A_179, %convert_element_type3A_180, %dot_general3A_181 {dimension_numbers = #tpu.dot_dimension_numbers<[1], [0], [0], [1], [0, 0, 1, 1], [], []>, transpose_lhs_hint = false} : vector<256x256xbf16>, vector<256x128xbf16>, vector<256x128xf32> -> vector<256x128xf32>
    %slice3A_183 = vector.extract_strided_slice %dot_general3A_104 {offsets = [255, 1], sizes = [1, 1], strides = [1, 1]} : vector<256x12xf32> to vector<1x1xf32>
    %sub3A_184 = vector.broadcast %slice3A_183 : vector<1x1xf32> to vector<256x1xf32>
    %sub3A_185 = arith.subf %sub3A_184, %slice3A_165 : vector<256x1xf32>
    %exp3A_186 = math.exp %sub3A_185 : vector<256x1xf32>
    %get3A_187 = arith.constant 1 : index
    %get3A_188 = arith.constant 0 : index
    %get3A_189 = arith.constant 0 : index
    %get3A_190 = vector.load %arg21[%get3A_187, %get3A_188, %get3A_189] : memref<12x64x128xf32, #tpu.memory_space<vmem>>, vector<1x64x128xf32>
    %get3A_191 = vector.shape_cast %get3A_190 : vector<1x64x128xf32> to vector<64x128xf32>
    %convert_element_type3A_192 = arith.truncf %slice3A_75 : vector<256x64xf32> to vector<256x64xbf16>
    %mul3A_193 = vector.broadcast %exp3A_186 : vector<256x1xf32> to vector<256x128xf32>
    %mul3A_194 = arith.mulf %mul3A_177, %mul3A_193 : vector<256x128xf32>
    %convert_element_type3A_195 = arith.truncf %mul3A_194 : vector<256x128xf32> to vector<256x128xbf16>
    %dot_general3A_196 = arith.constant dense<0.000000e+00> : vector<64x128xf32>
    %dot_general3A_197 = tpu.matmul %convert_element_type3A_192, %convert_element_type3A_195, %dot_general3A_196 {dimension_numbers = #tpu.dot_dimension_numbers<[0], [0], [1], [1], [0, 1, 1, 1], [], []>, transpose_lhs_hint = false} : vector<256x64xbf16>, vector<256x128xbf16>, vector<64x128xf32> -> vector<64x128xf32>
    %exp3A_198 = math.exp %slice3A_183 : vector<1x1xf32>
    %mul3A_199 = vector.broadcast %exp3A_198 : vector<1x1xf32> to vector<64x128xf32>
    %mul3A_200 = arith.mulf %mul3A_199, %get3A_191 : vector<64x128xf32>
    %add3A_201 = arith.addf %mul3A_200, %dot_general3A_197 : vector<64x128xf32>
    %swap3A_202 = arith.constant 1 : index
    %swap3A_203 = arith.constant 0 : index
    %swap3A_204 = arith.constant 0 : index
    %swap3A_205 = vector.load %arg21[%swap3A_202, %swap3A_203, %swap3A_204] : memref<12x64x128xf32, #tpu.memory_space<vmem>>, vector<1x64x128xf32>
    %swap3A_206 = vector.shape_cast %swap3A_205 : vector<1x64x128xf32> to vector<64x128xf32>
    %swap3A_207 = vector.shape_cast %add3A_201 : vector<64x128xf32> to vector<1x64x128xf32>
    tpu.vector_store %arg21[%swap3A_202, %swap3A_203, %swap3A_204], %swap3A_207 {strides = array<i32>} : memref<12x64x128xf32, #tpu.memory_space<vmem>>, vector<1x64x128xf32>,
    %convert_element_type3A_208 = arith.truncf %slice3A_76 : vector<256x64xf32> to vector<256x64xbf16>
    %convert_element_type3A_209 = arith.truncf %get3A_191 : vector<64x128xf32> to vector<64x128xbf16>
    %dot_general3A_210 = arith.constant dense<0.000000e+00> : vector<256x128xf32>
    %dot_general3A_211 = tpu.matmul %convert_element_type3A_208, %convert_element_type3A_209, %dot_general3A_210 {dimension_numbers = #tpu.dot_dimension_numbers<[1], [0], [0], [1], [0, 0, 1, 1], [], []>, transpose_lhs_hint = false} : vector<256x64xbf16>, vector<64x128xbf16>, vector<256x128xf32> -> vector<256x128xf32>
    %exp3A_212 = math.exp %slice3A_165 : vector<256x1xf32>
    %mul3A_213 = vector.broadcast %exp3A_212 : vector<256x1xf32> to vector<256x128xf32>
    %mul3A_214 = arith.mulf %dot_general3A_211, %mul3A_213 : vector<256x128xf32>
    %add3A_215 = arith.addf %dot_general3A_182, %mul3A_214 : vector<256x128xf32>
    %get3A_216 = arith.constant 0 : index
    %get3A_217 = arith.constant 1 : index
    %get3A_218 = vector.load %arg10[%get3A_216, %get3A_217] : memref<1x12xf32, #tpu.memory_space<vmem>>, vector<1x1xf32>
    %get3A_219 = vector.extract %get3A_218[0, 0] : f32 from vector<1x1xf32>
    %mul3A_220 = vector.broadcast %get3A_219 : f32 to vector<256x128xf32>
    %mul3A_221 = arith.mulf %mul3A_220, %slice3A_174 : vector<256x128xf32>
    %add3A_222 = arith.addf %add3A_215, %mul3A_221 : vector<256x128xf32>
    %slice3A_223 = vector.extract_strided_slice %dot_general3A_104 {offsets = [0, 2], sizes = [256, 1], strides = [1, 1]} : vector<256x12xf32> to vector<256x1xf32>
    %slice3A_224 = vector.extract_strided_slice %transpose3A {offsets = [2, 0], sizes = [1, 256], strides = [1, 1]} : vector<12x256xf32> to vector<1x256xf32>
    %sub3A_225 = vector.broadcast %slice3A_223 : vector<256x1xf32> to vector<256x256xf32>
    %sub3A_226 = vector.broadcast %slice3A_224 : vector<1x256xf32> to vector<256x256xf32>
    %sub3A_227 = arith.subf %sub3A_225, %sub3A_226 : vector<256x256xf32>
    %jit3A_228 = arith.constant -1.000000e+09 : f32
    %broadcast_in_dim3A_229 = vector.broadcast %jit3A_228 : f32 to vector<256x256xf32>
    %select_n3A_230 = arith.select %ge3A_107, %sub3A_227, %broadcast_in_dim3A_229 : vector<256x256xi1>, vector<256x256xf32>
    %exp3A_231 = math.exp %select_n3A_230 : vector<256x256xf32>
    %slice3A_232 = vector.extract_strided_slice %slice3A_74 {offsets = [0, 256], sizes = [256, 128], strides = [1, 1]} : vector<256x1536xf32> to vector<256x128xf32>
    %slice3A_233 = vector.extract_strided_slice %select_n3A {offsets = [0, 2], sizes = [256, 1], strides = [1, 1]} : vector<256x12xf32> to vector<256x1xf32>
    %mul3A_234 = vector.broadcast %slice3A_233 : vector<256x1xf32> to vector<256x128xf32>
    %mul3A_235 = arith.mulf %slice3A_232, %mul3A_234 : vector<256x128xf32>
    %mul3A_236 = arith.mulf %dot_general3A_106, %exp3A_231 : vector<256x256xf32>
    %convert_element_type3A_237 = arith.truncf %mul3A_236 : vector<256x256xf32> to vector<256x256xbf16>
    %convert_element_type3A_238 = arith.truncf %mul3A_235 : vector<256x128xf32> to vector<256x128xbf16>
    %dot_general3A_239 = arith.constant dense<0.000000e+00> : vector<256x128xf32>
    %dot_general3A_240 = tpu.matmul %convert_element_type3A_237, %convert_element_type3A_238, %dot_general3A_239 {dimension_numbers = #tpu.dot_dimension_numbers<[1], [0], [0], [1], [0, 0, 1, 1], [], []>, transpose_lhs_hint = false} : vector<256x256xbf16>, vector<256x128xbf16>, vector<256x128xf32> -> vector<256x128xf32>
    %slice3A_241 = vector.extract_strided_slice %dot_general3A_104 {offsets = [255, 2], sizes = [1, 1], strides = [1, 1]} : vector<256x12xf32> to vector<1x1xf32>
    %sub3A_242 = vector.broadcast %slice3A_241 : vector<1x1xf32> to vector<256x1xf32>
    %sub3A_243 = arith.subf %sub3A_242, %slice3A_223 : vector<256x1xf32>
    %exp3A_244 = math.exp %sub3A_243 : vector<256x1xf32>
    %get3A_245 = arith.constant 2 : index
    %get3A_246 = arith.constant 0 : index
    %get3A_247 = arith.constant 0 : index
    %get3A_248 = vector.load %arg21[%get3A_245, %get3A_246, %get3A_247] : memref<12x64x128xf32, #tpu.memory_space<vmem>>, vector<1x64x128xf32>
    %get3A_249 = vector.shape_cast %get3A_248 : vector<1x64x128xf32> to vector<64x128xf32>
    %convert_element_type3A_250 = arith.truncf %slice3A_75 : vector<256x64xf32> to vector<256x64xbf16>
    %mul3A_251 = vector.broadcast %exp3A_244 : vector<256x1xf32> to vector<256x128xf32>
    %mul3A_252 = arith.mulf %mul3A_235, %mul3A_251 : vector<256x128xf32>
    %convert_element_type3A_253 = arith.truncf %mul3A_252 : vector<256x128xf32> to vector<256x128xbf16>
    %dot_general3A_254 = arith.constant dense<0.000000e+00> : vector<64x128xf32>
    %dot_general3A_255 = tpu.matmul %convert_element_type3A_250, %convert_element_type3A_253, %dot_general3A_254 {dimension_numbers = #tpu.dot_dimension_numbers<[0], [0], [1], [1], [0, 1, 1, 1], [], []>, transpose_lhs_hint = false} : vector<256x64xbf16>, vector<256x128xbf16>, vector<64x128xf32> -> vector<64x128xf32>
    %exp3A_256 = math.exp %slice3A_241 : vector<1x1xf32>
    %mul3A_257 = vector.broadcast %exp3A_256 : vector<1x1xf32> to vector<64x128xf32>
    %mul3A_258 = arith.mulf %mul3A_257, %get3A_249 : vector<64x128xf32>
    %add3A_259 = arith.addf %mul3A_258, %dot_general3A_255 : vector<64x128xf32>
    %swap3A_260 = arith.constant 2 : index
    %swap3A_261 = arith.constant 0 : index
    %swap3A_262 = arith.constant 0 : index
    %swap3A_263 = vector.load %arg21[%swap3A_260, %swap3A_261, %swap3A_262] : memref<12x64x128xf32, #tpu.memory_space<vmem>>, vector<1x64x128xf32>
    %swap3A_264 = vector.shape_cast %swap3A_263 : vector<1x64x128xf32> to vector<64x128xf32>
    %swap3A_265 = vector.shape_cast %add3A_259 : vector<64x128xf32> to vector<1x64x128xf32>
    tpu.vector_store %arg21[%swap3A_260, %swap3A_261, %swap3A_262], %swap3A_265 {strides = array<i32>} : memref<12x64x128xf32, #tpu.memory_space<vmem>>, vector<1x64x128xf32>,
    %convert_element_type3A_266 = arith.truncf %slice3A_76 : vector<256x64xf32> to vector<256x64xbf16>
    %convert_element_type3A_267 = arith.truncf %get3A_249 : vector<64x128xf32> to vector<64x128xbf16>
    %dot_general3A_268 = arith.constant dense<0.000000e+00> : vector<256x128xf32>
    %dot_general3A_269 = tpu.matmul %convert_element_type3A_266, %convert_element_type3A_267, %dot_general3A_268 {dimension_numbers = #tpu.dot_dimension_numbers<[1], [0], [0], [1], [0, 0, 1, 1], [], []>, transpose_lhs_hint = false} : vector<256x64xbf16>, vector<64x128xbf16>, vector<256x128xf32> -> vector<256x128xf32>
    %exp3A_270 = math.exp %slice3A_223 : vector<256x1xf32>
    %mul3A_271 = vector.broadcast %exp3A_270 : vector<256x1xf32> to vector<256x128xf32>
    %mul3A_272 = arith.mulf %dot_general3A_269, %mul3A_271 : vector<256x128xf32>
    %add3A_273 = arith.addf %dot_general3A_240, %mul3A_272 : vector<256x128xf32>
    %get3A_274 = arith.constant 0 : index
    %get3A_275 = arith.constant 2 : index
    %get3A_276 = vector.load %arg10[%get3A_274, %get3A_275] : memref<1x12xf32, #tpu.memory_space<vmem>>, vector<1x1xf32>
    %get3A_277 = vector.extract %get3A_276[0, 0] : f32 from vector<1x1xf32>
    %mul3A_278 = vector.broadcast %get3A_277 : f32 to vector<256x128xf32>
    %mul3A_279 = arith.mulf %mul3A_278, %slice3A_232 : vector<256x128xf32>
    %add3A_280 = arith.addf %add3A_273, %mul3A_279 : vector<256x128xf32>
    %slice3A_281 = vector.extract_strided_slice %dot_general3A_104 {offsets = [0, 3], sizes = [256, 1], strides = [1, 1]} : vector<256x12xf32> to vector<256x1xf32>
    %slice3A_282 = vector.extract_strided_slice %transpose3A {offsets = [3, 0], sizes = [1, 256], strides = [1, 1]} : vector<12x256xf32> to vector<1x256xf32>
    %sub3A_283 = vector.broadcast %slice3A_281 : vector<256x1xf32> to vector<256x256xf32>
    %sub3A_284 = vector.broadcast %slice3A_282 : vector<1x256xf32> to vector<256x256xf32>
    %sub3A_285 = arith.subf %sub3A_283, %sub3A_284 : vector<256x256xf32>
    %jit3A_286 = arith.constant -1.000000e+09 : f32
    %broadcast_in_dim3A_287 = vector.broadcast %jit3A_286 : f32 to vector<256x256xf32>
    %select_n3A_288 = arith.select %ge3A_107, %sub3A_285, %broadcast_in_dim3A_287 : vector<256x256xi1>, vector<256x256xf32>
    %exp3A_289 = math.exp %select_n3A_288 : vector<256x256xf32>
    %slice3A_290 = vector.extract_strided_slice %slice3A_74 {offsets = [0, 384], sizes = [256, 128], strides = [1, 1]} : vector<256x1536xf32> to vector<256x128xf32>
    %slice3A_291 = vector.extract_strided_slice %select_n3A {offsets = [0, 3], sizes = [256, 1], strides = [1, 1]} : vector<256x12xf32> to vector<256x1xf32>
    %mul3A_292 = vector.broadcast %slice3A_291 : vector<256x1xf32> to vector<256x128xf32>
    %mul3A_293 = arith.mulf %slice3A_290, %mul3A_292 : vector<256x128xf32>
    %mul3A_294 = arith.mulf %dot_general3A_106, %exp3A_289 : vector<256x256xf32>
    %convert_element_type3A_295 = arith.truncf %mul3A_294 : vector<256x256xf32> to vector<256x256xbf16>
    %convert_element_type3A_296 = arith.truncf %mul3A_293 : vector<256x128xf32> to vector<256x128xbf16>
    %dot_general3A_297 = arith.constant dense<0.000000e+00> : vector<256x128xf32>
    %dot_general3A_298 = tpu.matmul %convert_element_type3A_295, %convert_element_type3A_296, %dot_general3A_297 {dimension_numbers = #tpu.dot_dimension_numbers<[1], [0], [0], [1], [0, 0, 1, 1], [], []>, transpose_lhs_hint = false} : vector<256x256xbf16>, vector<256x128xbf16>, vector<256x128xf32> -> vector<256x128xf32>
    %slice3A_299 = vector.extract_strided_slice %dot_general3A_104 {offsets = [255, 3], sizes = [1, 1], strides = [1, 1]} : vector<256x12xf32> to vector<1x1xf32>
    %sub3A_300 = vector.broadcast %slice3A_299 : vector<1x1xf32> to vector<256x1xf32>
    %sub3A_301 = arith.subf %sub3A_300, %slice3A_281 : vector<256x1xf32>
    %exp3A_302 = math.exp %sub3A_301 : vector<256x1xf32>
    %get3A_303 = arith.constant 3 : index
    %get3A_304 = arith.constant 0 : index
    %get3A_305 = arith.constant 0 : index
    %get3A_306 = vector.load %arg21[%get3A_303, %get3A_304, %get3A_305] : memref<12x64x128xf32, #tpu.memory_space<vmem>>, vector<1x64x128xf32>
    %get3A_307 = vector.shape_cast %get3A_306 : vector<1x64x128xf32> to vector<64x128xf32>
    %convert_element_type3A_308 = arith.truncf %slice3A_75 : vector<256x64xf32> to vector<256x64xbf16>
    %mul3A_309 = vector.broadcast %exp3A_302 : vector<256x1xf32> to vector<256x128xf32>
    %mul3A_310 = arith.mulf %mul3A_293, %mul3A_309 : vector<256x128xf32>
    %convert_element_type3A_311 = arith.truncf %mul3A_310 : vector<256x128xf32> to vector<256x128xbf16>
    %dot_general3A_312 = arith.constant dense<0.000000e+00> : vector<64x128xf32>
    %dot_general3A_313 = tpu.matmul %convert_element_type3A_308, %convert_element_type3A_311, %dot_general3A_312 {dimension_numbers = #tpu.dot_dimension_numbers<[0], [0], [1], [1], [0, 1, 1, 1], [], []>, transpose_lhs_hint = false} : vector<256x64xbf16>, vector<256x128xbf16>, vector<64x128xf32> -> vector<64x128xf32>
    %exp3A_314 = math.exp %slice3A_299 : vector<1x1xf32>
    %mul3A_315 = vector.broadcast %exp3A_314 : vector<1x1xf32> to vector<64x128xf32>
    %mul3A_316 = arith.mulf %mul3A_315, %get3A_307 : vector<64x128xf32>
    %add3A_317 = arith.addf %mul3A_316, %dot_general3A_313 : vector<64x128xf32>
    %swap3A_318 = arith.constant 3 : index
    %swap3A_319 = arith.constant 0 : index
    %swap3A_320 = arith.constant 0 : index
    %swap3A_321 = vector.load %arg21[%swap3A_318, %swap3A_319, %swap3A_320] : memref<12x64x128xf32, #tpu.memory_space<vmem>>, vector<1x64x128xf32>
    %swap3A_322 = vector.shape_cast %swap3A_321 : vector<1x64x128xf32> to vector<64x128xf32>
    %swap3A_323 = vector.shape_cast %add3A_317 : vector<64x128xf32> to vector<1x64x128xf32>
    tpu.vector_store %arg21[%swap3A_318, %swap3A_319, %swap3A_320], %swap3A_323 {strides = array<i32>} : memref<12x64x128xf32, #tpu.memory_space<vmem>>, vector<1x64x128xf32>,
    %convert_element_type3A_324 = arith.truncf %slice3A_76 : vector<256x64xf32> to vector<256x64xbf16>
    %convert_element_type3A_325 = arith.truncf %get3A_307 : vector<64x128xf32> to vector<64x128xbf16>
    %dot_general3A_326 = arith.constant dense<0.000000e+00> : vector<256x128xf32>
    %dot_general3A_327 = tpu.matmul %convert_element_type3A_324, %convert_element_type3A_325, %dot_general3A_326 {dimension_numbers = #tpu.dot_dimension_numbers<[1], [0], [0], [1], [0, 0, 1, 1], [], []>, transpose_lhs_hint = false} : vector<256x64xbf16>, vector<64x128xbf16>, vector<256x128xf32> -> vector<256x128xf32>
    %exp3A_328 = math.exp %slice3A_281 : vector<256x1xf32>
    %mul3A_329 = vector.broadcast %exp3A_328 : vector<256x1xf32> to vector<256x128xf32>
    %mul3A_330 = arith.mulf %dot_general3A_327, %mul3A_329 : vector<256x128xf32>
    %add3A_331 = arith.addf %dot_general3A_298, %mul3A_330 : vector<256x128xf32>
    %get3A_332 = arith.constant 0 : index
    %get3A_333 = arith.constant 3 : index
    %get3A_334 = vector.load %arg10[%get3A_332, %get3A_333] : memref<1x12xf32, #tpu.memory_space<vmem>>, vector<1x1xf32>
    %get3A_335 = vector.extract %get3A_334[0, 0] : f32 from vector<1x1xf32>
    %mul3A_336 = vector.broadcast %get3A_335 : f32 to vector<256x128xf32>
    %mul3A_337 = arith.mulf %mul3A_336, %slice3A_290 : vector<256x128xf32>
    %add3A_338 = arith.addf %add3A_331, %mul3A_337 : vector<256x128xf32>
    %slice3A_339 = vector.extract_strided_slice %dot_general3A_104 {offsets = [0, 4], sizes = [256, 1], strides = [1, 1]} : vector<256x12xf32> to vector<256x1xf32>
    %slice3A_340 = vector.extract_strided_slice %transpose3A {offsets = [4, 0], sizes = [1, 256], strides = [1, 1]} : vector<12x256xf32> to vector<1x256xf32>
    %sub3A_341 = vector.broadcast %slice3A_339 : vector<256x1xf32> to vector<256x256xf32>
    %sub3A_342 = vector.broadcast %slice3A_340 : vector<1x256xf32> to vector<256x256xf32>
    %sub3A_343 = arith.subf %sub3A_341, %sub3A_342 : vector<256x256xf32>
    %jit3A_344 = arith.constant -1.000000e+09 : f32
    %broadcast_in_dim3A_345 = vector.broadcast %jit3A_344 : f32 to vector<256x256xf32>
    %select_n3A_346 = arith.select %ge3A_107, %sub3A_343, %broadcast_in_dim3A_345 : vector<256x256xi1>, vector<256x256xf32>
    %exp3A_347 = math.exp %select_n3A_346 : vector<256x256xf32>
    %slice3A_348 = vector.extract_strided_slice %slice3A_74 {offsets = [0, 512], sizes = [256, 128], strides = [1, 1]} : vector<256x1536xf32> to vector<256x128xf32>
    %slice3A_349 = vector.extract_strided_slice %select_n3A {offsets = [0, 4], sizes = [256, 1], strides = [1, 1]} : vector<256x12xf32> to vector<256x1xf32>
    %mul3A_350 = vector.broadcast %slice3A_349 : vector<256x1xf32> to vector<256x128xf32>
    %mul3A_351 = arith.mulf %slice3A_348, %mul3A_350 : vector<256x128xf32>
    %mul3A_352 = arith.mulf %dot_general3A_106, %exp3A_347 : vector<256x256xf32>
    %convert_element_type3A_353 = arith.truncf %mul3A_352 : vector<256x256xf32> to vector<256x256xbf16>
    %convert_element_type3A_354 = arith.truncf %mul3A_351 : vector<256x128xf32> to vector<256x128xbf16>
    %dot_general3A_355 = arith.constant dense<0.000000e+00> : vector<256x128xf32>
    %dot_general3A_356 = tpu.matmul %convert_element_type3A_353, %convert_element_type3A_354, %dot_general3A_355 {dimension_numbers = #tpu.dot_dimension_numbers<[1], [0], [0], [1], [0, 0, 1, 1], [], []>, transpose_lhs_hint = false} : vector<256x256xbf16>, vector<256x128xbf16>, vector<256x128xf32> -> vector<256x128xf32>
    %slice3A_357 = vector.extract_strided_slice %dot_general3A_104 {offsets = [255, 4], sizes = [1, 1], strides = [1, 1]} : vector<256x12xf32> to vector<1x1xf32>
    %sub3A_358 = vector.broadcast %slice3A_357 : vector<1x1xf32> to vector<256x1xf32>
    %sub3A_359 = arith.subf %sub3A_358, %slice3A_339 : vector<256x1xf32>
    %exp3A_360 = math.exp %sub3A_359 : vector<256x1xf32>
    %get3A_361 = arith.constant 4 : index
    %get3A_362 = arith.constant 0 : index
    %get3A_363 = arith.constant 0 : index
    %get3A_364 = vector.load %arg21[%get3A_361, %get3A_362, %get3A_363] : memref<12x64x128xf32, #tpu.memory_space<vmem>>, vector<1x64x128xf32>
    %get3A_365 = vector.shape_cast %get3A_364 : vector<1x64x128xf32> to vector<64x128xf32>
    %convert_element_type3A_366 = arith.truncf %slice3A_75 : vector<256x64xf32> to vector<256x64xbf16>
    %mul3A_367 = vector.broadcast %exp3A_360 : vector<256x1xf32> to vector<256x128xf32>
    %mul3A_368 = arith.mulf %mul3A_351, %mul3A_367 : vector<256x128xf32>
    %convert_element_type3A_369 = arith.truncf %mul3A_368 : vector<256x128xf32> to vector<256x128xbf16>
    %dot_general3A_370 = arith.constant dense<0.000000e+00> : vector<64x128xf32>
    %dot_general3A_371 = tpu.matmul %convert_element_type3A_366, %convert_element_type3A_369, %dot_general3A_370 {dimension_numbers = #tpu.dot_dimension_numbers<[0], [0], [1], [1], [0, 1, 1, 1], [], []>, transpose_lhs_hint = false} : vector<256x64xbf16>, vector<256x128xbf16>, vector<64x128xf32> -> vector<64x128xf32>
    %exp3A_372 = math.exp %slice3A_357 : vector<1x1xf32>
    %mul3A_373 = vector.broadcast %exp3A_372 : vector<1x1xf32> to vector<64x128xf32>
    %mul3A_374 = arith.mulf %mul3A_373, %get3A_365 : vector<64x128xf32>
    %add3A_375 = arith.addf %mul3A_374, %dot_general3A_371 : vector<64x128xf32>
    %swap3A_376 = arith.constant 4 : index
    %swap3A_377 = arith.constant 0 : index
    %swap3A_378 = arith.constant 0 : index
    %swap3A_379 = vector.load %arg21[%swap3A_376, %swap3A_377, %swap3A_378] : memref<12x64x128xf32, #tpu.memory_space<vmem>>, vector<1x64x128xf32>
    %swap3A_380 = vector.shape_cast %swap3A_379 : vector<1x64x128xf32> to vector<64x128xf32>
    %swap3A_381 = vector.shape_cast %add3A_375 : vector<64x128xf32> to vector<1x64x128xf32>
    tpu.vector_store %arg21[%swap3A_376, %swap3A_377, %swap3A_378], %swap3A_381 {strides = array<i32>} : memref<12x64x128xf32, #tpu.memory_space<vmem>>, vector<1x64x128xf32>,
    %convert_element_type3A_382 = arith.truncf %slice3A_76 : vector<256x64xf32> to vector<256x64xbf16>
    %convert_element_type3A_383 = arith.truncf %get3A_365 : vector<64x128xf32> to vector<64x128xbf16>
    %dot_general3A_384 = arith.constant dense<0.000000e+00> : vector<256x128xf32>
    %dot_general3A_385 = tpu.matmul %convert_element_type3A_382, %convert_element_type3A_383, %dot_general3A_384 {dimension_numbers = #tpu.dot_dimension_numbers<[1], [0], [0], [1], [0, 0, 1, 1], [], []>, transpose_lhs_hint = false} : vector<256x64xbf16>, vector<64x128xbf16>, vector<256x128xf32> -> vector<256x128xf32>
    %exp3A_386 = math.exp %slice3A_339 : vector<256x1xf32>
    %mul3A_387 = vector.broadcast %exp3A_386 : vector<256x1xf32> to vector<256x128xf32>
    %mul3A_388 = arith.mulf %dot_general3A_385, %mul3A_387 : vector<256x128xf32>
    %add3A_389 = arith.addf %dot_general3A_356, %mul3A_388 : vector<256x128xf32>
    %get3A_390 = arith.constant 0 : index
    %get3A_391 = arith.constant 4 : index
    %get3A_392 = vector.load %arg10[%get3A_390, %get3A_391] : memref<1x12xf32, #tpu.memory_space<vmem>>, vector<1x1xf32>
    %get3A_393 = vector.extract %get3A_392[0, 0] : f32 from vector<1x1xf32>
    %mul3A_394 = vector.broadcast %get3A_393 : f32 to vector<256x128xf32>
    %mul3A_395 = arith.mulf %mul3A_394, %slice3A_348 : vector<256x128xf32>
    %add3A_396 = arith.addf %add3A_389, %mul3A_395 : vector<256x128xf32>
    %slice3A_397 = vector.extract_strided_slice %dot_general3A_104 {offsets = [0, 5], sizes = [256, 1], strides = [1, 1]} : vector<256x12xf32> to vector<256x1xf32>
    %slice3A_398 = vector.extract_strided_slice %transpose3A {offsets = [5, 0], sizes = [1, 256], strides = [1, 1]} : vector<12x256xf32> to vector<1x256xf32>
    %sub3A_399 = vector.broadcast %slice3A_397 : vector<256x1xf32> to vector<256x256xf32>
    %sub3A_400 = vector.broadcast %slice3A_398 : vector<1x256xf32> to vector<256x256xf32>
    %sub3A_401 = arith.subf %sub3A_399, %sub3A_400 : vector<256x256xf32>
    %jit3A_402 = arith.constant -1.000000e+09 : f32
    %broadcast_in_dim3A_403 = vector.broadcast %jit3A_402 : f32 to vector<256x256xf32>
    %select_n3A_404 = arith.select %ge3A_107, %sub3A_401, %broadcast_in_dim3A_403 : vector<256x256xi1>, vector<256x256xf32>
    %exp3A_405 = math.exp %select_n3A_404 : vector<256x256xf32>
    %slice3A_406 = vector.extract_strided_slice %slice3A_74 {offsets = [0, 640], sizes = [256, 128], strides = [1, 1]} : vector<256x1536xf32> to vector<256x128xf32>
    %slice3A_407 = vector.extract_strided_slice %select_n3A {offsets = [0, 5], sizes = [256, 1], strides = [1, 1]} : vector<256x12xf32> to vector<256x1xf32>
    %mul3A_408 = vector.broadcast %slice3A_407 : vector<256x1xf32> to vector<256x128xf32>
    %mul3A_409 = arith.mulf %slice3A_406, %mul3A_408 : vector<256x128xf32>
    %mul3A_410 = arith.mulf %dot_general3A_106, %exp3A_405 : vector<256x256xf32>
    %convert_element_type3A_411 = arith.truncf %mul3A_410 : vector<256x256xf32> to vector<256x256xbf16>
    %convert_element_type3A_412 = arith.truncf %mul3A_409 : vector<256x128xf32> to vector<256x128xbf16>
    %dot_general3A_413 = arith.constant dense<0.000000e+00> : vector<256x128xf32>
    %dot_general3A_414 = tpu.matmul %convert_element_type3A_411, %convert_element_type3A_412, %dot_general3A_413 {dimension_numbers = #tpu.dot_dimension_numbers<[1], [0], [0], [1], [0, 0, 1, 1], [], []>, transpose_lhs_hint = false} : vector<256x256xbf16>, vector<256x128xbf16>, vector<256x128xf32> -> vector<256x128xf32>
    %slice3A_415 = vector.extract_strided_slice %dot_general3A_104 {offsets = [255, 5], sizes = [1, 1], strides = [1, 1]} : vector<256x12xf32> to vector<1x1xf32>
    %sub3A_416 = vector.broadcast %slice3A_415 : vector<1x1xf32> to vector<256x1xf32>
    %sub3A_417 = arith.subf %sub3A_416, %slice3A_397 : vector<256x1xf32>
    %exp3A_418 = math.exp %sub3A_417 : vector<256x1xf32>
    %get3A_419 = arith.constant 5 : index
    %get3A_420 = arith.constant 0 : index
    %get3A_421 = arith.constant 0 : index
    %get3A_422 = vector.load %arg21[%get3A_419, %get3A_420, %get3A_421] : memref<12x64x128xf32, #tpu.memory_space<vmem>>, vector<1x64x128xf32>
    %get3A_423 = vector.shape_cast %get3A_422 : vector<1x64x128xf32> to vector<64x128xf32>
    %convert_element_type3A_424 = arith.truncf %slice3A_75 : vector<256x64xf32> to vector<256x64xbf16>
    %mul3A_425 = vector.broadcast %exp3A_418 : vector<256x1xf32> to vector<256x128xf32>
    %mul3A_426 = arith.mulf %mul3A_409, %mul3A_425 : vector<256x128xf32>
    %convert_element_type3A_427 = arith.truncf %mul3A_426 : vector<256x128xf32> to vector<256x128xbf16>
    %dot_general3A_428 = arith.constant dense<0.000000e+00> : vector<64x128xf32>
    %dot_general3A_429 = tpu.matmul %convert_element_type3A_424, %convert_element_type3A_427, %dot_general3A_428 {dimension_numbers = #tpu.dot_dimension_numbers<[0], [0], [1], [1], [0, 1, 1, 1], [], []>, transpose_lhs_hint = false} : vector<256x64xbf16>, vector<256x128xbf16>, vector<64x128xf32> -> vector<64x128xf32>
    %exp3A_430 = math.exp %slice3A_415 : vector<1x1xf32>
    %mul3A_431 = vector.broadcast %exp3A_430 : vector<1x1xf32> to vector<64x128xf32>
    %mul3A_432 = arith.mulf %mul3A_431, %get3A_423 : vector<64x128xf32>
    %add3A_433 = arith.addf %mul3A_432, %dot_general3A_429 : vector<64x128xf32>
    %swap3A_434 = arith.constant 5 : index
    %swap3A_435 = arith.constant 0 : index
    %swap3A_436 = arith.constant 0 : index
    %swap3A_437 = vector.load %arg21[%swap3A_434, %swap3A_435, %swap3A_436] : memref<12x64x128xf32, #tpu.memory_space<vmem>>, vector<1x64x128xf32>
    %swap3A_438 = vector.shape_cast %swap3A_437 : vector<1x64x128xf32> to vector<64x128xf32>
    %swap3A_439 = vector.shape_cast %add3A_433 : vector<64x128xf32> to vector<1x64x128xf32>
    tpu.vector_store %arg21[%swap3A_434, %swap3A_435, %swap3A_436], %swap3A_439 {strides = array<i32>} : memref<12x64x128xf32, #tpu.memory_space<vmem>>, vector<1x64x128xf32>,
    %convert_element_type3A_440 = arith.truncf %slice3A_76 : vector<256x64xf32> to vector<256x64xbf16>
    %convert_element_type3A_441 = arith.truncf %get3A_423 : vector<64x128xf32> to vector<64x128xbf16>
    %dot_general3A_442 = arith.constant dense<0.000000e+00> : vector<256x128xf32>
    %dot_general3A_443 = tpu.matmul %convert_element_type3A_440, %convert_element_type3A_441, %dot_general3A_442 {dimension_numbers = #tpu.dot_dimension_numbers<[1], [0], [0], [1], [0, 0, 1, 1], [], []>, transpose_lhs_hint = false} : vector<256x64xbf16>, vector<64x128xbf16>, vector<256x128xf32> -> vector<256x128xf32>
    %exp3A_444 = math.exp %slice3A_397 : vector<256x1xf32>
    %mul3A_445 = vector.broadcast %exp3A_444 : vector<256x1xf32> to vector<256x128xf32>
    %mul3A_446 = arith.mulf %dot_general3A_443, %mul3A_445 : vector<256x128xf32>
    %add3A_447 = arith.addf %dot_general3A_414, %mul3A_446 : vector<256x128xf32>
    %get3A_448 = arith.constant 0 : index
    %get3A_449 = arith.constant 5 : index
    %get3A_450 = vector.load %arg10[%get3A_448, %get3A_449] : memref<1x12xf32, #tpu.memory_space<vmem>>, vector<1x1xf32>
    %get3A_451 = vector.extract %get3A_450[0, 0] : f32 from vector<1x1xf32>
    %mul3A_452 = vector.broadcast %get3A_451 : f32 to vector<256x128xf32>
    %mul3A_453 = arith.mulf %mul3A_452, %slice3A_406 : vector<256x128xf32>
    %add3A_454 = arith.addf %add3A_447, %mul3A_453 : vector<256x128xf32>
    %slice3A_455 = vector.extract_strided_slice %dot_general3A_104 {offsets = [0, 6], sizes = [256, 1], strides = [1, 1]} : vector<256x12xf32> to vector<256x1xf32>
    %slice3A_456 = vector.extract_strided_slice %transpose3A {offsets = [6, 0], sizes = [1, 256], strides = [1, 1]} : vector<12x256xf32> to vector<1x256xf32>
    %sub3A_457 = vector.broadcast %slice3A_455 : vector<256x1xf32> to vector<256x256xf32>
    %sub3A_458 = vector.broadcast %slice3A_456 : vector<1x256xf32> to vector<256x256xf32>
    %sub3A_459 = arith.subf %sub3A_457, %sub3A_458 : vector<256x256xf32>
    %jit3A_460 = arith.constant -1.000000e+09 : f32
    %broadcast_in_dim3A_461 = vector.broadcast %jit3A_460 : f32 to vector<256x256xf32>
    %select_n3A_462 = arith.select %ge3A_107, %sub3A_459, %broadcast_in_dim3A_461 : vector<256x256xi1>, vector<256x256xf32>
    %exp3A_463 = math.exp %select_n3A_462 : vector<256x256xf32>
    %slice3A_464 = vector.extract_strided_slice %slice3A_74 {offsets = [0, 768], sizes = [256, 128], strides = [1, 1]} : vector<256x1536xf32> to vector<256x128xf32>
    %slice3A_465 = vector.extract_strided_slice %select_n3A {offsets = [0, 6], sizes = [256, 1], strides = [1, 1]} : vector<256x12xf32> to vector<256x1xf32>
    %mul3A_466 = vector.broadcast %slice3A_465 : vector<256x1xf32> to vector<256x128xf32>
    %mul3A_467 = arith.mulf %slice3A_464, %mul3A_466 : vector<256x128xf32>
    %mul3A_468 = arith.mulf %dot_general3A_106, %exp3A_463 : vector<256x256xf32>
    %convert_element_type3A_469 = arith.truncf %mul3A_468 : vector<256x256xf32> to vector<256x256xbf16>
    %convert_element_type3A_470 = arith.truncf %mul3A_467 : vector<256x128xf32> to vector<256x128xbf16>
    %dot_general3A_471 = arith.constant dense<0.000000e+00> : vector<256x128xf32>
    %dot_general3A_472 = tpu.matmul %convert_element_type3A_469, %convert_element_type3A_470, %dot_general3A_471 {dimension_numbers = #tpu.dot_dimension_numbers<[1], [0], [0], [1], [0, 0, 1, 1], [], []>, transpose_lhs_hint = false} : vector<256x256xbf16>, vector<256x128xbf16>, vector<256x128xf32> -> vector<256x128xf32>
    %slice3A_473 = vector.extract_strided_slice %dot_general3A_104 {offsets = [255, 6], sizes = [1, 1], strides = [1, 1]} : vector<256x12xf32> to vector<1x1xf32>
    %sub3A_474 = vector.broadcast %slice3A_473 : vector<1x1xf32> to vector<256x1xf32>
    %sub3A_475 = arith.subf %sub3A_474, %slice3A_455 : vector<256x1xf32>
    %exp3A_476 = math.exp %sub3A_475 : vector<256x1xf32>
    %get3A_477 = arith.constant 6 : index
    %get3A_478 = arith.constant 0 : index
    %get3A_479 = arith.constant 0 : index
    %get3A_480 = vector.load %arg21[%get3A_477, %get3A_478, %get3A_479] : memref<12x64x128xf32, #tpu.memory_space<vmem>>, vector<1x64x128xf32>
    %get3A_481 = vector.shape_cast %get3A_480 : vector<1x64x128xf32> to vector<64x128xf32>
    %convert_element_type3A_482 = arith.truncf %slice3A_75 : vector<256x64xf32> to vector<256x64xbf16>
    %mul3A_483 = vector.broadcast %exp3A_476 : vector<256x1xf32> to vector<256x128xf32>
    %mul3A_484 = arith.mulf %mul3A_467, %mul3A_483 : vector<256x128xf32>
    %convert_element_type3A_485 = arith.truncf %mul3A_484 : vector<256x128xf32> to vector<256x128xbf16>
    %dot_general3A_486 = arith.constant dense<0.000000e+00> : vector<64x128xf32>
    %dot_general3A_487 = tpu.matmul %convert_element_type3A_482, %convert_element_type3A_485, %dot_general3A_486 {dimension_numbers = #tpu.dot_dimension_numbers<[0], [0], [1], [1], [0, 1, 1, 1], [], []>, transpose_lhs_hint = false} : vector<256x64xbf16>, vector<256x128xbf16>, vector<64x128xf32> -> vector<64x128xf32>
    %exp3A_488 = math.exp %slice3A_473 : vector<1x1xf32>
    %mul3A_489 = vector.broadcast %exp3A_488 : vector<1x1xf32> to vector<64x128xf32>
    %mul3A_490 = arith.mulf %mul3A_489, %get3A_481 : vector<64x128xf32>
    %add3A_491 = arith.addf %mul3A_490, %dot_general3A_487 : vector<64x128xf32>
    %swap3A_492 = arith.constant 6 : index
    %swap3A_493 = arith.constant 0 : index
    %swap3A_494 = arith.constant 0 : index
    %swap3A_495 = vector.load %arg21[%swap3A_492, %swap3A_493, %swap3A_494] : memref<12x64x128xf32, #tpu.memory_space<vmem>>, vector<1x64x128xf32>
    %swap3A_496 = vector.shape_cast %swap3A_495 : vector<1x64x128xf32> to vector<64x128xf32>
    %swap3A_497 = vector.shape_cast %add3A_491 : vector<64x128xf32> to vector<1x64x128xf32>
    tpu.vector_store %arg21[%swap3A_492, %swap3A_493, %swap3A_494], %swap3A_497 {strides = array<i32>} : memref<12x64x128xf32, #tpu.memory_space<vmem>>, vector<1x64x128xf32>,
    %convert_element_type3A_498 = arith.truncf %slice3A_76 : vector<256x64xf32> to vector<256x64xbf16>
    %convert_element_type3A_499 = arith.truncf %get3A_481 : vector<64x128xf32> to vector<64x128xbf16>
    %dot_general3A_500 = arith.constant dense<0.000000e+00> : vector<256x128xf32>
    %dot_general3A_501 = tpu.matmul %convert_element_type3A_498, %convert_element_type3A_499, %dot_general3A_500 {dimension_numbers = #tpu.dot_dimension_numbers<[1], [0], [0], [1], [0, 0, 1, 1], [], []>, transpose_lhs_hint = false} : vector<256x64xbf16>, vector<64x128xbf16>, vector<256x128xf32> -> vector<256x128xf32>
    %exp3A_502 = math.exp %slice3A_455 : vector<256x1xf32>
    %mul3A_503 = vector.broadcast %exp3A_502 : vector<256x1xf32> to vector<256x128xf32>
    %mul3A_504 = arith.mulf %dot_general3A_501, %mul3A_503 : vector<256x128xf32>
    %add3A_505 = arith.addf %dot_general3A_472, %mul3A_504 : vector<256x128xf32>
    %get3A_506 = arith.constant 0 : index
    %get3A_507 = arith.constant 6 : index
    %get3A_508 = vector.load %arg10[%get3A_506, %get3A_507] : memref<1x12xf32, #tpu.memory_space<vmem>>, vector<1x1xf32>
    %get3A_509 = vector.extract %get3A_508[0, 0] : f32 from vector<1x1xf32>
    %mul3A_510 = vector.broadcast %get3A_509 : f32 to vector<256x128xf32>
    %mul3A_511 = arith.mulf %mul3A_510, %slice3A_464 : vector<256x128xf32>
    %add3A_512 = arith.addf %add3A_505, %mul3A_511 : vector<256x128xf32>
    %slice3A_513 = vector.extract_strided_slice %dot_general3A_104 {offsets = [0, 7], sizes = [256, 1], strides = [1, 1]} : vector<256x12xf32> to vector<256x1xf32>
    %slice3A_514 = vector.extract_strided_slice %transpose3A {offsets = [7, 0], sizes = [1, 256], strides = [1, 1]} : vector<12x256xf32> to vector<1x256xf32>
    %sub3A_515 = vector.broadcast %slice3A_513 : vector<256x1xf32> to vector<256x256xf32>
    %sub3A_516 = vector.broadcast %slice3A_514 : vector<1x256xf32> to vector<256x256xf32>
    %sub3A_517 = arith.subf %sub3A_515, %sub3A_516 : vector<256x256xf32>
    %jit3A_518 = arith.constant -1.000000e+09 : f32
    %broadcast_in_dim3A_519 = vector.broadcast %jit3A_518 : f32 to vector<256x256xf32>
    %select_n3A_520 = arith.select %ge3A_107, %sub3A_517, %broadcast_in_dim3A_519 : vector<256x256xi1>, vector<256x256xf32>
    %exp3A_521 = math.exp %select_n3A_520 : vector<256x256xf32>
    %slice3A_522 = vector.extract_strided_slice %slice3A_74 {offsets = [0, 896], sizes = [256, 128], strides = [1, 1]} : vector<256x1536xf32> to vector<256x128xf32>
    %slice3A_523 = vector.extract_strided_slice %select_n3A {offsets = [0, 7], sizes = [256, 1], strides = [1, 1]} : vector<256x12xf32> to vector<256x1xf32>
    %mul3A_524 = vector.broadcast %slice3A_523 : vector<256x1xf32> to vector<256x128xf32>
    %mul3A_525 = arith.mulf %slice3A_522, %mul3A_524 : vector<256x128xf32>
    %mul3A_526 = arith.mulf %dot_general3A_106, %exp3A_521 : vector<256x256xf32>
    %convert_element_type3A_527 = arith.truncf %mul3A_526 : vector<256x256xf32> to vector<256x256xbf16>
    %convert_element_type3A_528 = arith.truncf %mul3A_525 : vector<256x128xf32> to vector<256x128xbf16>
    %dot_general3A_529 = arith.constant dense<0.000000e+00> : vector<256x128xf32>
    %dot_general3A_530 = tpu.matmul %convert_element_type3A_527, %convert_element_type3A_528, %dot_general3A_529 {dimension_numbers = #tpu.dot_dimension_numbers<[1], [0], [0], [1], [0, 0, 1, 1], [], []>, transpose_lhs_hint = false} : vector<256x256xbf16>, vector<256x128xbf16>, vector<256x128xf32> -> vector<256x128xf32>
    %slice3A_531 = vector.extract_strided_slice %dot_general3A_104 {offsets = [255, 7], sizes = [1, 1], strides = [1, 1]} : vector<256x12xf32> to vector<1x1xf32>
    %sub3A_532 = vector.broadcast %slice3A_531 : vector<1x1xf32> to vector<256x1xf32>
    %sub3A_533 = arith.subf %sub3A_532, %slice3A_513 : vector<256x1xf32>
    %exp3A_534 = math.exp %sub3A_533 : vector<256x1xf32>
    %get3A_535 = arith.constant 7 : index
    %get3A_536 = arith.constant 0 : index
    %get3A_537 = arith.constant 0 : index
    %get3A_538 = vector.load %arg21[%get3A_535, %get3A_536, %get3A_537] : memref<12x64x128xf32, #tpu.memory_space<vmem>>, vector<1x64x128xf32>
    %get3A_539 = vector.shape_cast %get3A_538 : vector<1x64x128xf32> to vector<64x128xf32>
    %convert_element_type3A_540 = arith.truncf %slice3A_75 : vector<256x64xf32> to vector<256x64xbf16>
    %mul3A_541 = vector.broadcast %exp3A_534 : vector<256x1xf32> to vector<256x128xf32>
    %mul3A_542 = arith.mulf %mul3A_525, %mul3A_541 : vector<256x128xf32>
    %convert_element_type3A_543 = arith.truncf %mul3A_542 : vector<256x128xf32> to vector<256x128xbf16>
    %dot_general3A_544 = arith.constant dense<0.000000e+00> : vector<64x128xf32>
    %dot_general3A_545 = tpu.matmul %convert_element_type3A_540, %convert_element_type3A_543, %dot_general3A_544 {dimension_numbers = #tpu.dot_dimension_numbers<[0], [0], [1], [1], [0, 1, 1, 1], [], []>, transpose_lhs_hint = false} : vector<256x64xbf16>, vector<256x128xbf16>, vector<64x128xf32> -> vector<64x128xf32>
    %exp3A_546 = math.exp %slice3A_531 : vector<1x1xf32>
    %mul3A_547 = vector.broadcast %exp3A_546 : vector<1x1xf32> to vector<64x128xf32>
    %mul3A_548 = arith.mulf %mul3A_547, %get3A_539 : vector<64x128xf32>
    %add3A_549 = arith.addf %mul3A_548, %dot_general3A_545 : vector<64x128xf32>
    %swap3A_550 = arith.constant 7 : index
    %swap3A_551 = arith.constant 0 : index
    %swap3A_552 = arith.constant 0 : index
    %swap3A_553 = vector.load %arg21[%swap3A_550, %swap3A_551, %swap3A_552] : memref<12x64x128xf32, #tpu.memory_space<vmem>>, vector<1x64x128xf32>
    %swap3A_554 = vector.shape_cast %swap3A_553 : vector<1x64x128xf32> to vector<64x128xf32>
    %swap3A_555 = vector.shape_cast %add3A_549 : vector<64x128xf32> to vector<1x64x128xf32>
    tpu.vector_store %arg21[%swap3A_550, %swap3A_551, %swap3A_552], %swap3A_555 {strides = array<i32>} : memref<12x64x128xf32, #tpu.memory_space<vmem>>, vector<1x64x128xf32>,
    %convert_element_type3A_556 = arith.truncf %slice3A_76 : vector<256x64xf32> to vector<256x64xbf16>
    %convert_element_type3A_557 = arith.truncf %get3A_539 : vector<64x128xf32> to vector<64x128xbf16>
    %dot_general3A_558 = arith.constant dense<0.000000e+00> : vector<256x128xf32>
    %dot_general3A_559 = tpu.matmul %convert_element_type3A_556, %convert_element_type3A_557, %dot_general3A_558 {dimension_numbers = #tpu.dot_dimension_numbers<[1], [0], [0], [1], [0, 0, 1, 1], [], []>, transpose_lhs_hint = false} : vector<256x64xbf16>, vector<64x128xbf16>, vector<256x128xf32> -> vector<256x128xf32>
    %exp3A_560 = math.exp %slice3A_513 : vector<256x1xf32>
    %mul3A_561 = vector.broadcast %exp3A_560 : vector<256x1xf32> to vector<256x128xf32>
    %mul3A_562 = arith.mulf %dot_general3A_559, %mul3A_561 : vector<256x128xf32>
    %add3A_563 = arith.addf %dot_general3A_530, %mul3A_562 : vector<256x128xf32>
    %get3A_564 = arith.constant 0 : index
    %get3A_565 = arith.constant 7 : index
    %get3A_566 = vector.load %arg10[%get3A_564, %get3A_565] : memref<1x12xf32, #tpu.memory_space<vmem>>, vector<1x1xf32>
    %get3A_567 = vector.extract %get3A_566[0, 0] : f32 from vector<1x1xf32>
    %mul3A_568 = vector.broadcast %get3A_567 : f32 to vector<256x128xf32>
    %mul3A_569 = arith.mulf %mul3A_568, %slice3A_522 : vector<256x128xf32>
    %add3A_570 = arith.addf %add3A_563, %mul3A_569 : vector<256x128xf32>
    %slice3A_571 = vector.extract_strided_slice %dot_general3A_104 {offsets = [0, 8], sizes = [256, 1], strides = [1, 1]} : vector<256x12xf32> to vector<256x1xf32>
    %slice3A_572 = vector.extract_strided_slice %transpose3A {offsets = [8, 0], sizes = [1, 256], strides = [1, 1]} : vector<12x256xf32> to vector<1x256xf32>
    %sub3A_573 = vector.broadcast %slice3A_571 : vector<256x1xf32> to vector<256x256xf32>
    %sub3A_574 = vector.broadcast %slice3A_572 : vector<1x256xf32> to vector<256x256xf32>
    %sub3A_575 = arith.subf %sub3A_573, %sub3A_574 : vector<256x256xf32>
    %jit3A_576 = arith.constant -1.000000e+09 : f32
    %broadcast_in_dim3A_577 = vector.broadcast %jit3A_576 : f32 to vector<256x256xf32>
    %select_n3A_578 = arith.select %ge3A_107, %sub3A_575, %broadcast_in_dim3A_577 : vector<256x256xi1>, vector<256x256xf32>
    %exp3A_579 = math.exp %select_n3A_578 : vector<256x256xf32>
    %slice3A_580 = vector.extract_strided_slice %slice3A_74 {offsets = [0, 1024], sizes = [256, 128], strides = [1, 1]} : vector<256x1536xf32> to vector<256x128xf32>
    %slice3A_581 = vector.extract_strided_slice %select_n3A {offsets = [0, 8], sizes = [256, 1], strides = [1, 1]} : vector<256x12xf32> to vector<256x1xf32>
    %mul3A_582 = vector.broadcast %slice3A_581 : vector<256x1xf32> to vector<256x128xf32>
    %mul3A_583 = arith.mulf %slice3A_580, %mul3A_582 : vector<256x128xf32>
    %mul3A_584 = arith.mulf %dot_general3A_106, %exp3A_579 : vector<256x256xf32>
    %convert_element_type3A_585 = arith.truncf %mul3A_584 : vector<256x256xf32> to vector<256x256xbf16>
    %convert_element_type3A_586 = arith.truncf %mul3A_583 : vector<256x128xf32> to vector<256x128xbf16>
    %dot_general3A_587 = arith.constant dense<0.000000e+00> : vector<256x128xf32>
    %dot_general3A_588 = tpu.matmul %convert_element_type3A_585, %convert_element_type3A_586, %dot_general3A_587 {dimension_numbers = #tpu.dot_dimension_numbers<[1], [0], [0], [1], [0, 0, 1, 1], [], []>, transpose_lhs_hint = false} : vector<256x256xbf16>, vector<256x128xbf16>, vector<256x128xf32> -> vector<256x128xf32>
    %slice3A_589 = vector.extract_strided_slice %dot_general3A_104 {offsets = [255, 8], sizes = [1, 1], strides = [1, 1]} : vector<256x12xf32> to vector<1x1xf32>
    %sub3A_590 = vector.broadcast %slice3A_589 : vector<1x1xf32> to vector<256x1xf32>
    %sub3A_591 = arith.subf %sub3A_590, %slice3A_571 : vector<256x1xf32>
    %exp3A_592 = math.exp %sub3A_591 : vector<256x1xf32>
    %get3A_593 = arith.constant 8 : index
    %get3A_594 = arith.constant 0 : index
    %get3A_595 = arith.constant 0 : index
    %get3A_596 = vector.load %arg21[%get3A_593, %get3A_594, %get3A_595] : memref<12x64x128xf32, #tpu.memory_space<vmem>>, vector<1x64x128xf32>
    %get3A_597 = vector.shape_cast %get3A_596 : vector<1x64x128xf32> to vector<64x128xf32>
    %convert_element_type3A_598 = arith.truncf %slice3A_75 : vector<256x64xf32> to vector<256x64xbf16>
    %mul3A_599 = vector.broadcast %exp3A_592 : vector<256x1xf32> to vector<256x128xf32>
    %mul3A_600 = arith.mulf %mul3A_583, %mul3A_599 : vector<256x128xf32>
    %convert_element_type3A_601 = arith.truncf %mul3A_600 : vector<256x128xf32> to vector<256x128xbf16>
    %dot_general3A_602 = arith.constant dense<0.000000e+00> : vector<64x128xf32>
    %dot_general3A_603 = tpu.matmul %convert_element_type3A_598, %convert_element_type3A_601, %dot_general3A_602 {dimension_numbers = #tpu.dot_dimension_numbers<[0], [0], [1], [1], [0, 1, 1, 1], [], []>, transpose_lhs_hint = false} : vector<256x64xbf16>, vector<256x128xbf16>, vector<64x128xf32> -> vector<64x128xf32>
    %exp3A_604 = math.exp %slice3A_589 : vector<1x1xf32>
    %mul3A_605 = vector.broadcast %exp3A_604 : vector<1x1xf32> to vector<64x128xf32>
    %mul3A_606 = arith.mulf %mul3A_605, %get3A_597 : vector<64x128xf32>
    %add3A_607 = arith.addf %mul3A_606, %dot_general3A_603 : vector<64x128xf32>
    %swap3A_608 = arith.constant 8 : index
    %swap3A_609 = arith.constant 0 : index
    %swap3A_610 = arith.constant 0 : index
    %swap3A_611 = vector.load %arg21[%swap3A_608, %swap3A_609, %swap3A_610] : memref<12x64x128xf32, #tpu.memory_space<vmem>>, vector<1x64x128xf32>
    %swap3A_612 = vector.shape_cast %swap3A_611 : vector<1x64x128xf32> to vector<64x128xf32>
    %swap3A_613 = vector.shape_cast %add3A_607 : vector<64x128xf32> to vector<1x64x128xf32>
    tpu.vector_store %arg21[%swap3A_608, %swap3A_609, %swap3A_610], %swap3A_613 {strides = array<i32>} : memref<12x64x128xf32, #tpu.memory_space<vmem>>, vector<1x64x128xf32>,
    %convert_element_type3A_614 = arith.truncf %slice3A_76 : vector<256x64xf32> to vector<256x64xbf16>
    %convert_element_type3A_615 = arith.truncf %get3A_597 : vector<64x128xf32> to vector<64x128xbf16>
    %dot_general3A_616 = arith.constant dense<0.000000e+00> : vector<256x128xf32>
    %dot_general3A_617 = tpu.matmul %convert_element_type3A_614, %convert_element_type3A_615, %dot_general3A_616 {dimension_numbers = #tpu.dot_dimension_numbers<[1], [0], [0], [1], [0, 0, 1, 1], [], []>, transpose_lhs_hint = false} : vector<256x64xbf16>, vector<64x128xbf16>, vector<256x128xf32> -> vector<256x128xf32>
    %exp3A_618 = math.exp %slice3A_571 : vector<256x1xf32>
    %mul3A_619 = vector.broadcast %exp3A_618 : vector<256x1xf32> to vector<256x128xf32>
    %mul3A_620 = arith.mulf %dot_general3A_617, %mul3A_619 : vector<256x128xf32>
    %add3A_621 = arith.addf %dot_general3A_588, %mul3A_620 : vector<256x128xf32>
    %get3A_622 = arith.constant 0 : index
    %get3A_623 = arith.constant 8 : index
    %get3A_624 = vector.load %arg10[%get3A_622, %get3A_623] : memref<1x12xf32, #tpu.memory_space<vmem>>, vector<1x1xf32>
    %get3A_625 = vector.extract %get3A_624[0, 0] : f32 from vector<1x1xf32>
    %mul3A_626 = vector.broadcast %get3A_625 : f32 to vector<256x128xf32>
    %mul3A_627 = arith.mulf %mul3A_626, %slice3A_580 : vector<256x128xf32>
    %add3A_628 = arith.addf %add3A_621, %mul3A_627 : vector<256x128xf32>
    %slice3A_629 = vector.extract_strided_slice %dot_general3A_104 {offsets = [0, 9], sizes = [256, 1], strides = [1, 1]} : vector<256x12xf32> to vector<256x1xf32>
    %slice3A_630 = vector.extract_strided_slice %transpose3A {offsets = [9, 0], sizes = [1, 256], strides = [1, 1]} : vector<12x256xf32> to vector<1x256xf32>
    %sub3A_631 = vector.broadcast %slice3A_629 : vector<256x1xf32> to vector<256x256xf32>
    %sub3A_632 = vector.broadcast %slice3A_630 : vector<1x256xf32> to vector<256x256xf32>
    %sub3A_633 = arith.subf %sub3A_631, %sub3A_632 : vector<256x256xf32>
    %jit3A_634 = arith.constant -1.000000e+09 : f32
    %broadcast_in_dim3A_635 = vector.broadcast %jit3A_634 : f32 to vector<256x256xf32>
    %select_n3A_636 = arith.select %ge3A_107, %sub3A_633, %broadcast_in_dim3A_635 : vector<256x256xi1>, vector<256x256xf32>
    %exp3A_637 = math.exp %select_n3A_636 : vector<256x256xf32>
    %slice3A_638 = vector.extract_strided_slice %slice3A_74 {offsets = [0, 1152], sizes = [256, 128], strides = [1, 1]} : vector<256x1536xf32> to vector<256x128xf32>
    %slice3A_639 = vector.extract_strided_slice %select_n3A {offsets = [0, 9], sizes = [256, 1], strides = [1, 1]} : vector<256x12xf32> to vector<256x1xf32>
    %mul3A_640 = vector.broadcast %slice3A_639 : vector<256x1xf32> to vector<256x128xf32>
    %mul3A_641 = arith.mulf %slice3A_638, %mul3A_640 : vector<256x128xf32>
    %mul3A_642 = arith.mulf %dot_general3A_106, %exp3A_637 : vector<256x256xf32>
    %convert_element_type3A_643 = arith.truncf %mul3A_642 : vector<256x256xf32> to vector<256x256xbf16>
    %convert_element_type3A_644 = arith.truncf %mul3A_641 : vector<256x128xf32> to vector<256x128xbf16>
    %dot_general3A_645 = arith.constant dense<0.000000e+00> : vector<256x128xf32>
    %dot_general3A_646 = tpu.matmul %convert_element_type3A_643, %convert_element_type3A_644, %dot_general3A_645 {dimension_numbers = #tpu.dot_dimension_numbers<[1], [0], [0], [1], [0, 0, 1, 1], [], []>, transpose_lhs_hint = false} : vector<256x256xbf16>, vector<256x128xbf16>, vector<256x128xf32> -> vector<256x128xf32>
    %slice3A_647 = vector.extract_strided_slice %dot_general3A_104 {offsets = [255, 9], sizes = [1, 1], strides = [1, 1]} : vector<256x12xf32> to vector<1x1xf32>
    %sub3A_648 = vector.broadcast %slice3A_647 : vector<1x1xf32> to vector<256x1xf32>
    %sub3A_649 = arith.subf %sub3A_648, %slice3A_629 : vector<256x1xf32>
    %exp3A_650 = math.exp %sub3A_649 : vector<256x1xf32>
    %get3A_651 = arith.constant 9 : index
    %get3A_652 = arith.constant 0 : index
    %get3A_653 = arith.constant 0 : index
    %get3A_654 = vector.load %arg21[%get3A_651, %get3A_652, %get3A_653] : memref<12x64x128xf32, #tpu.memory_space<vmem>>, vector<1x64x128xf32>
    %get3A_655 = vector.shape_cast %get3A_654 : vector<1x64x128xf32> to vector<64x128xf32>
    %convert_element_type3A_656 = arith.truncf %slice3A_75 : vector<256x64xf32> to vector<256x64xbf16>
    %mul3A_657 = vector.broadcast %exp3A_650 : vector<256x1xf32> to vector<256x128xf32>
    %mul3A_658 = arith.mulf %mul3A_641, %mul3A_657 : vector<256x128xf32>
    %convert_element_type3A_659 = arith.truncf %mul3A_658 : vector<256x128xf32> to vector<256x128xbf16>
    %dot_general3A_660 = arith.constant dense<0.000000e+00> : vector<64x128xf32>
    %dot_general3A_661 = tpu.matmul %convert_element_type3A_656, %convert_element_type3A_659, %dot_general3A_660 {dimension_numbers = #tpu.dot_dimension_numbers<[0], [0], [1], [1], [0, 1, 1, 1], [], []>, transpose_lhs_hint = false} : vector<256x64xbf16>, vector<256x128xbf16>, vector<64x128xf32> -> vector<64x128xf32>
    %exp3A_662 = math.exp %slice3A_647 : vector<1x1xf32>
    %mul3A_663 = vector.broadcast %exp3A_662 : vector<1x1xf32> to vector<64x128xf32>
    %mul3A_664 = arith.mulf %mul3A_663, %get3A_655 : vector<64x128xf32>
    %add3A_665 = arith.addf %mul3A_664, %dot_general3A_661 : vector<64x128xf32>
    %swap3A_666 = arith.constant 9 : index
    %swap3A_667 = arith.constant 0 : index
    %swap3A_668 = arith.constant 0 : index
    %swap3A_669 = vector.load %arg21[%swap3A_666, %swap3A_667, %swap3A_668] : memref<12x64x128xf32, #tpu.memory_space<vmem>>, vector<1x64x128xf32>
    %swap3A_670 = vector.shape_cast %swap3A_669 : vector<1x64x128xf32> to vector<64x128xf32>
    %swap3A_671 = vector.shape_cast %add3A_665 : vector<64x128xf32> to vector<1x64x128xf32>
    tpu.vector_store %arg21[%swap3A_666, %swap3A_667, %swap3A_668], %swap3A_671 {strides = array<i32>} : memref<12x64x128xf32, #tpu.memory_space<vmem>>, vector<1x64x128xf32>,
    %convert_element_type3A_672 = arith.truncf %slice3A_76 : vector<256x64xf32> to vector<256x64xbf16>
    %convert_element_type3A_673 = arith.truncf %get3A_655 : vector<64x128xf32> to vector<64x128xbf16>
    %dot_general3A_674 = arith.constant dense<0.000000e+00> : vector<256x128xf32>
    %dot_general3A_675 = tpu.matmul %convert_element_type3A_672, %convert_element_type3A_673, %dot_general3A_674 {dimension_numbers = #tpu.dot_dimension_numbers<[1], [0], [0], [1], [0, 0, 1, 1], [], []>, transpose_lhs_hint = false} : vector<256x64xbf16>, vector<64x128xbf16>, vector<256x128xf32> -> vector<256x128xf32>
    %exp3A_676 = math.exp %slice3A_629 : vector<256x1xf32>
    %mul3A_677 = vector.broadcast %exp3A_676 : vector<256x1xf32> to vector<256x128xf32>
    %mul3A_678 = arith.mulf %dot_general3A_675, %mul3A_677 : vector<256x128xf32>
    %add3A_679 = arith.addf %dot_general3A_646, %mul3A_678 : vector<256x128xf32>
    %get3A_680 = arith.constant 0 : index
    %get3A_681 = arith.constant 9 : index
    %get3A_682 = vector.load %arg10[%get3A_680, %get3A_681] : memref<1x12xf32, #tpu.memory_space<vmem>>, vector<1x1xf32>
    %get3A_683 = vector.extract %get3A_682[0, 0] : f32 from vector<1x1xf32>
    %mul3A_684 = vector.broadcast %get3A_683 : f32 to vector<256x128xf32>
    %mul3A_685 = arith.mulf %mul3A_684, %slice3A_638 : vector<256x128xf32>
    %add3A_686 = arith.addf %add3A_679, %mul3A_685 : vector<256x128xf32>
    %slice3A_687 = vector.extract_strided_slice %dot_general3A_104 {offsets = [0, 10], sizes = [256, 1], strides = [1, 1]} : vector<256x12xf32> to vector<256x1xf32>
    %slice3A_688 = vector.extract_strided_slice %transpose3A {offsets = [10, 0], sizes = [1, 256], strides = [1, 1]} : vector<12x256xf32> to vector<1x256xf32>
    %sub3A_689 = vector.broadcast %slice3A_687 : vector<256x1xf32> to vector<256x256xf32>
    %sub3A_690 = vector.broadcast %slice3A_688 : vector<1x256xf32> to vector<256x256xf32>
    %sub3A_691 = arith.subf %sub3A_689, %sub3A_690 : vector<256x256xf32>
    %jit3A_692 = arith.constant -1.000000e+09 : f32
    %broadcast_in_dim3A_693 = vector.broadcast %jit3A_692 : f32 to vector<256x256xf32>
    %select_n3A_694 = arith.select %ge3A_107, %sub3A_691, %broadcast_in_dim3A_693 : vector<256x256xi1>, vector<256x256xf32>
    %exp3A_695 = math.exp %select_n3A_694 : vector<256x256xf32>
    %slice3A_696 = vector.extract_strided_slice %slice3A_74 {offsets = [0, 1280], sizes = [256, 128], strides = [1, 1]} : vector<256x1536xf32> to vector<256x128xf32>
    %slice3A_697 = vector.extract_strided_slice %select_n3A {offsets = [0, 10], sizes = [256, 1], strides = [1, 1]} : vector<256x12xf32> to vector<256x1xf32>
    %mul3A_698 = vector.broadcast %slice3A_697 : vector<256x1xf32> to vector<256x128xf32>
    %mul3A_699 = arith.mulf %slice3A_696, %mul3A_698 : vector<256x128xf32>
    %mul3A_700 = arith.mulf %dot_general3A_106, %exp3A_695 : vector<256x256xf32>
    %convert_element_type3A_701 = arith.truncf %mul3A_700 : vector<256x256xf32> to vector<256x256xbf16>
    %convert_element_type3A_702 = arith.truncf %mul3A_699 : vector<256x128xf32> to vector<256x128xbf16>
    %dot_general3A_703 = arith.constant dense<0.000000e+00> : vector<256x128xf32>
    %dot_general3A_704 = tpu.matmul %convert_element_type3A_701, %convert_element_type3A_702, %dot_general3A_703 {dimension_numbers = #tpu.dot_dimension_numbers<[1], [0], [0], [1], [0, 0, 1, 1], [], []>, transpose_lhs_hint = false} : vector<256x256xbf16>, vector<256x128xbf16>, vector<256x128xf32> -> vector<256x128xf32>
    %slice3A_705 = vector.extract_strided_slice %dot_general3A_104 {offsets = [255, 10], sizes = [1, 1], strides = [1, 1]} : vector<256x12xf32> to vector<1x1xf32>
    %sub3A_706 = vector.broadcast %slice3A_705 : vector<1x1xf32> to vector<256x1xf32>
    %sub3A_707 = arith.subf %sub3A_706, %slice3A_687 : vector<256x1xf32>
    %exp3A_708 = math.exp %sub3A_707 : vector<256x1xf32>
    %get3A_709 = arith.constant 10 : index
    %get3A_710 = arith.constant 0 : index
    %get3A_711 = arith.constant 0 : index
    %get3A_712 = vector.load %arg21[%get3A_709, %get3A_710, %get3A_711] : memref<12x64x128xf32, #tpu.memory_space<vmem>>, vector<1x64x128xf32>
    %get3A_713 = vector.shape_cast %get3A_712 : vector<1x64x128xf32> to vector<64x128xf32>
    %convert_element_type3A_714 = arith.truncf %slice3A_75 : vector<256x64xf32> to vector<256x64xbf16>
    %mul3A_715 = vector.broadcast %exp3A_708 : vector<256x1xf32> to vector<256x128xf32>
    %mul3A_716 = arith.mulf %mul3A_699, %mul3A_715 : vector<256x128xf32>
    %convert_element_type3A_717 = arith.truncf %mul3A_716 : vector<256x128xf32> to vector<256x128xbf16>
    %dot_general3A_718 = arith.constant dense<0.000000e+00> : vector<64x128xf32>
    %dot_general3A_719 = tpu.matmul %convert_element_type3A_714, %convert_element_type3A_717, %dot_general3A_718 {dimension_numbers = #tpu.dot_dimension_numbers<[0], [0], [1], [1], [0, 1, 1, 1], [], []>, transpose_lhs_hint = false} : vector<256x64xbf16>, vector<256x128xbf16>, vector<64x128xf32> -> vector<64x128xf32>
    %exp3A_720 = math.exp %slice3A_705 : vector<1x1xf32>
    %mul3A_721 = vector.broadcast %exp3A_720 : vector<1x1xf32> to vector<64x128xf32>
    %mul3A_722 = arith.mulf %mul3A_721, %get3A_713 : vector<64x128xf32>
    %add3A_723 = arith.addf %mul3A_722, %dot_general3A_719 : vector<64x128xf32>
    %swap3A_724 = arith.constant 10 : index
    %swap3A_725 = arith.constant 0 : index
    %swap3A_726 = arith.constant 0 : index
    %swap3A_727 = vector.load %arg21[%swap3A_724, %swap3A_725, %swap3A_726] : memref<12x64x128xf32, #tpu.memory_space<vmem>>, vector<1x64x128xf32>
    %swap3A_728 = vector.shape_cast %swap3A_727 : vector<1x64x128xf32> to vector<64x128xf32>
    %swap3A_729 = vector.shape_cast %add3A_723 : vector<64x128xf32> to vector<1x64x128xf32>
    tpu.vector_store %arg21[%swap3A_724, %swap3A_725, %swap3A_726], %swap3A_729 {strides = array<i32>} : memref<12x64x128xf32, #tpu.memory_space<vmem>>, vector<1x64x128xf32>,
    %convert_element_type3A_730 = arith.truncf %slice3A_76 : vector<256x64xf32> to vector<256x64xbf16>
    %convert_element_type3A_731 = arith.truncf %get3A_713 : vector<64x128xf32> to vector<64x128xbf16>
    %dot_general3A_732 = arith.constant dense<0.000000e+00> : vector<256x128xf32>
    %dot_general3A_733 = tpu.matmul %convert_element_type3A_730, %convert_element_type3A_731, %dot_general3A_732 {dimension_numbers = #tpu.dot_dimension_numbers<[1], [0], [0], [1], [0, 0, 1, 1], [], []>, transpose_lhs_hint = false} : vector<256x64xbf16>, vector<64x128xbf16>, vector<256x128xf32> -> vector<256x128xf32>
    %exp3A_734 = math.exp %slice3A_687 : vector<256x1xf32>
    %mul3A_735 = vector.broadcast %exp3A_734 : vector<256x1xf32> to vector<256x128xf32>
    %mul3A_736 = arith.mulf %dot_general3A_733, %mul3A_735 : vector<256x128xf32>
    %add3A_737 = arith.addf %dot_general3A_704, %mul3A_736 : vector<256x128xf32>
    %get3A_738 = arith.constant 0 : index
    %get3A_739 = arith.constant 10 : index
    %get3A_740 = vector.load %arg10[%get3A_738, %get3A_739] : memref<1x12xf32, #tpu.memory_space<vmem>>, vector<1x1xf32>
    %get3A_741 = vector.extract %get3A_740[0, 0] : f32 from vector<1x1xf32>
    %mul3A_742 = vector.broadcast %get3A_741 : f32 to vector<256x128xf32>
    %mul3A_743 = arith.mulf %mul3A_742, %slice3A_696 : vector<256x128xf32>
    %add3A_744 = arith.addf %add3A_737, %mul3A_743 : vector<256x128xf32>
    %slice3A_745 = vector.extract_strided_slice %dot_general3A_104 {offsets = [0, 11], sizes = [256, 1], strides = [1, 1]} : vector<256x12xf32> to vector<256x1xf32>
    %slice3A_746 = vector.extract_strided_slice %transpose3A {offsets = [11, 0], sizes = [1, 256], strides = [1, 1]} : vector<12x256xf32> to vector<1x256xf32>
    %sub3A_747 = vector.broadcast %slice3A_745 : vector<256x1xf32> to vector<256x256xf32>
    %sub3A_748 = vector.broadcast %slice3A_746 : vector<1x256xf32> to vector<256x256xf32>
    %sub3A_749 = arith.subf %sub3A_747, %sub3A_748 : vector<256x256xf32>
    %jit3A_750 = arith.constant -1.000000e+09 : f32
    %broadcast_in_dim3A_751 = vector.broadcast %jit3A_750 : f32 to vector<256x256xf32>
    %select_n3A_752 = arith.select %ge3A_107, %sub3A_749, %broadcast_in_dim3A_751 : vector<256x256xi1>, vector<256x256xf32>
    %exp3A_753 = math.exp %select_n3A_752 : vector<256x256xf32>
    %slice3A_754 = vector.extract_strided_slice %slice3A_74 {offsets = [0, 1408], sizes = [256, 128], strides = [1, 1]} : vector<256x1536xf32> to vector<256x128xf32>
    %slice3A_755 = vector.extract_strided_slice %select_n3A {offsets = [0, 11], sizes = [256, 1], strides = [1, 1]} : vector<256x12xf32> to vector<256x1xf32>
    %mul3A_756 = vector.broadcast %slice3A_755 : vector<256x1xf32> to vector<256x128xf32>
    %mul3A_757 = arith.mulf %slice3A_754, %mul3A_756 : vector<256x128xf32>
    %mul3A_758 = arith.mulf %dot_general3A_106, %exp3A_753 : vector<256x256xf32>
    %convert_element_type3A_759 = arith.truncf %mul3A_758 : vector<256x256xf32> to vector<256x256xbf16>
    %convert_element_type3A_760 = arith.truncf %mul3A_757 : vector<256x128xf32> to vector<256x128xbf16>
    %dot_general3A_761 = arith.constant dense<0.000000e+00> : vector<256x128xf32>
    %dot_general3A_762 = tpu.matmul %convert_element_type3A_759, %convert_element_type3A_760, %dot_general3A_761 {dimension_numbers = #tpu.dot_dimension_numbers<[1], [0], [0], [1], [0, 0, 1, 1], [], []>, transpose_lhs_hint = false} : vector<256x256xbf16>, vector<256x128xbf16>, vector<256x128xf32> -> vector<256x128xf32>
    %slice3A_763 = vector.extract_strided_slice %dot_general3A_104 {offsets = [255, 11], sizes = [1, 1], strides = [1, 1]} : vector<256x12xf32> to vector<1x1xf32>
    %sub3A_764 = vector.broadcast %slice3A_763 : vector<1x1xf32> to vector<256x1xf32>
    %sub3A_765 = arith.subf %sub3A_764, %slice3A_745 : vector<256x1xf32>
    %exp3A_766 = math.exp %sub3A_765 : vector<256x1xf32>
    %get3A_767 = arith.constant 11 : index
    %get3A_768 = arith.constant 0 : index
    %get3A_769 = arith.constant 0 : index
    %get3A_770 = vector.load %arg21[%get3A_767, %get3A_768, %get3A_769] : memref<12x64x128xf32, #tpu.memory_space<vmem>>, vector<1x64x128xf32>
    %get3A_771 = vector.shape_cast %get3A_770 : vector<1x64x128xf32> to vector<64x128xf32>
    %convert_element_type3A_772 = arith.truncf %slice3A_75 : vector<256x64xf32> to vector<256x64xbf16>
    %mul3A_773 = vector.broadcast %exp3A_766 : vector<256x1xf32> to vector<256x128xf32>
    %mul3A_774 = arith.mulf %mul3A_757, %mul3A_773 : vector<256x128xf32>
    %convert_element_type3A_775 = arith.truncf %mul3A_774 : vector<256x128xf32> to vector<256x128xbf16>
    %dot_general3A_776 = arith.constant dense<0.000000e+00> : vector<64x128xf32>
    %dot_general3A_777 = tpu.matmul %convert_element_type3A_772, %convert_element_type3A_775, %dot_general3A_776 {dimension_numbers = #tpu.dot_dimension_numbers<[0], [0], [1], [1], [0, 1, 1, 1], [], []>, transpose_lhs_hint = false} : vector<256x64xbf16>, vector<256x128xbf16>, vector<64x128xf32> -> vector<64x128xf32>
    %exp3A_778 = math.exp %slice3A_763 : vector<1x1xf32>
    %mul3A_779 = vector.broadcast %exp3A_778 : vector<1x1xf32> to vector<64x128xf32>
    %mul3A_780 = arith.mulf %mul3A_779, %get3A_771 : vector<64x128xf32>
    %add3A_781 = arith.addf %mul3A_780, %dot_general3A_777 : vector<64x128xf32>
    %swap3A_782 = arith.constant 11 : index
    %swap3A_783 = arith.constant 0 : index
    %swap3A_784 = arith.constant 0 : index
    %swap3A_785 = vector.load %arg21[%swap3A_782, %swap3A_783, %swap3A_784] : memref<12x64x128xf32, #tpu.memory_space<vmem>>, vector<1x64x128xf32>
    %swap3A_786 = vector.shape_cast %swap3A_785 : vector<1x64x128xf32> to vector<64x128xf32>
    %swap3A_787 = vector.shape_cast %add3A_781 : vector<64x128xf32> to vector<1x64x128xf32>
    tpu.vector_store %arg21[%swap3A_782, %swap3A_783, %swap3A_784], %swap3A_787 {strides = array<i32>} : memref<12x64x128xf32, #tpu.memory_space<vmem>>, vector<1x64x128xf32>,
    %convert_element_type3A_788 = arith.truncf %slice3A_76 : vector<256x64xf32> to vector<256x64xbf16>
    %convert_element_type3A_789 = arith.truncf %get3A_771 : vector<64x128xf32> to vector<64x128xbf16>
    %dot_general3A_790 = arith.constant dense<0.000000e+00> : vector<256x128xf32>
    %dot_general3A_791 = tpu.matmul %convert_element_type3A_788, %convert_element_type3A_789, %dot_general3A_790 {dimension_numbers = #tpu.dot_dimension_numbers<[1], [0], [0], [1], [0, 0, 1, 1], [], []>, transpose_lhs_hint = false} : vector<256x64xbf16>, vector<64x128xbf16>, vector<256x128xf32> -> vector<256x128xf32>
    %exp3A_792 = math.exp %slice3A_745 : vector<256x1xf32>
    %mul3A_793 = vector.broadcast %exp3A_792 : vector<256x1xf32> to vector<256x128xf32>
    %mul3A_794 = arith.mulf %dot_general3A_791, %mul3A_793 : vector<256x128xf32>
    %add3A_795 = arith.addf %dot_general3A_762, %mul3A_794 : vector<256x128xf32>
    %get3A_796 = arith.constant 0 : index
    %get3A_797 = arith.constant 11 : index
    %get3A_798 = vector.load %arg10[%get3A_796, %get3A_797] : memref<1x12xf32, #tpu.memory_space<vmem>>, vector<1x1xf32>
    %get3A_799 = vector.extract %get3A_798[0, 0] : f32 from vector<1x1xf32>
    %mul3A_800 = vector.broadcast %get3A_799 : f32 to vector<256x128xf32>
    %mul3A_801 = arith.mulf %mul3A_800, %slice3A_754 : vector<256x128xf32>
    %add3A_802 = arith.addf %add3A_795, %mul3A_801 : vector<256x128xf32>
    %concatenate3A_803 = tpu.concatenate %add3A_164, %add3A_222, %add3A_280, %add3A_338, %add3A_396, %add3A_454, %add3A_512, %add3A_570, %add3A_628, %add3A_686, %add3A_744, %add3A_802 in 1 : vector<256x128xf32>, vector<256x128xf32>, vector<256x128xf32>, vector<256x128xf32>, vector<256x128xf32>, vector<256x128xf32>, vector<256x128xf32>, vector<256x128xf32>, vector<256x128xf32>, vector<256x128xf32>, vector<256x128xf32>, vector<256x128xf32> -> vector<256x1536xf32>
    %logistic3A_804 = arith.negf %slice3A : vector<256x1536xf32>
    %logistic3A_805 = math.exp %logistic3A_804 : vector<256x1536xf32>
    %logistic3A_806 = arith.constant 1.000000e+00 : f32
    %logistic3A_807 = vector.broadcast %logistic3A_806 : f32 to vector<256x1536xf32>
    %logistic3A_808 = arith.addf %logistic3A_807, %logistic3A_805 : vector<256x1536xf32>
    %logistic3A_809 = arith.divf %logistic3A_807, %logistic3A_808 : vector<256x1536xf32>
    %mul3A_810 = arith.mulf %slice3A, %logistic3A_809 : vector<256x1536xf32>
    %mul3A_811 = arith.mulf %concatenate3A_803, %mul3A_810 : vector<256x1536xf32>
    %get3A_812 = arith.constant 0 : index
    %get3A_813 = arith.constant 0 : index
    %get3A_814 = vector.load %arg11[%get3A_812, %get3A_813] : memref<1x1536xf32, #tpu.memory_space<vmem>>, vector<1x1536xf32>
    %mul3A_815 = arith.mulf %mul3A_811, %mul3A_811 : vector<256x1536xf32>
    %reduce_sum3A_816 = arith.constant dense<0.000000e+00> : vector<256xf32>
    %reduce_sum3A_817 = vector.multi_reduction <add>, %mul3A_815, %reduce_sum3A_816 [1] : vector<256x1536xf32> to vector<256xf32>
    %broadcast_in_dim3A_818 = vector.shape_cast %reduce_sum3A_817 : vector<256xf32> to vector<256x1xf32>
    %div3A_819 = arith.constant 1.536000e+03 : f32
    %div3A_820 = vector.broadcast %div3A_819 : f32 to vector<256x1xf32>
    %div3A_821 = arith.divf %broadcast_in_dim3A_818, %div3A_820 : vector<256x1xf32>
    %add3A_822 = arith.constant 9.99999997E-7 : f32
    %add3A_823 = vector.broadcast %add3A_822 : f32 to vector<256x1xf32>
    %add3A_824 = arith.addf %div3A_821, %add3A_823 : vector<256x1xf32>
    %rsqrt3A_825 = math.rsqrt %add3A_824 : vector<256x1xf32>
    %mul3A_826 = vector.broadcast %rsqrt3A_825 : vector<256x1xf32> to vector<256x1536xf32>
    %mul3A_827 = arith.mulf %mul3A_811, %mul3A_826 : vector<256x1536xf32>
    %mul3A_828 = vector.broadcast %get3A_814 : vector<1x1536xf32> to vector<256x1536xf32>
    %mul3A_829 = arith.mulf %mul3A_827, %mul3A_828 : vector<256x1536xf32>
    %convert_element_type3A_830 = arith.truncf %mul3A_829 : vector<256x1536xf32> to vector<256x1536xbf16>
    %get3A_831 = arith.constant 0 : index
    %get3A_832 = arith.constant 0 : index
    %get3A_833 = vector.load %arg26[%get3A_831, %get3A_832] : memref<768x1536xbf16, #tpu.memory_space<vmem>>, vector<768x1536xbf16>
    %dot_general3A_834 = arith.constant dense<0.000000e+00> : vector<256x768xf32>
    %dot_general3A_835 = tpu.matmul %convert_element_type3A_830, %get3A_833, %dot_general3A_834 {dimension_numbers = #tpu.dot_dimension_numbers<[1], [1], [0], [0], [0, 0, 1, 0], [], []>, transpose_lhs_hint = false} : vector<256x1536xbf16>, vector<768x1536xbf16>, vector<256x768xf32> -> vector<256x768xf32>
    %mul3A_836 = arith.constant 2.200000e-01 : f32
    %mul3A_837 = vector.broadcast %mul3A_836 : f32 to vector<256x768xf32>
    %mul3A_838 = arith.mulf %dot_general3A_835, %mul3A_837 : vector<256x768xf32>
    %add3A_839 = arith.addf %add3A, %mul3A_838 : vector<256x768xf32>
    %swap3A_840 = arith.constant 0 : index
    %swap3A_841 = arith.constant 0 : index
    %swap3A_842 = vector.load %arg14[%swap3A_840, %swap3A_841] : memref<256x768xf32, #tpu.memory_space<vmem>>, vector<256x768xf32>
    tpu.vector_store %arg14[%swap3A_840, %swap3A_841], %add3A_839 {strides = array<i32>} : memref<256x768xf32, #tpu.memory_space<vmem>>, vector<256x768xf32>,
    %get3A_843 = arith.constant 0 : index
    %get3A_844 = arith.constant 0 : index
    %get3A_845 = vector.load %arg4[%get3A_843, %get3A_844] : memref<1x768xf32, #tpu.memory_space<vmem>>, vector<1x768xf32>
    %mul3A_846 = arith.mulf %add3A_839, %add3A_839 : vector<256x768xf32>
    %reduce_sum3A_847 = arith.constant dense<0.000000e+00> : vector<256xf32>
    %reduce_sum3A_848 = vector.multi_reduction <add>, %mul3A_846, %reduce_sum3A_847 [1] : vector<256x768xf32> to vector<256xf32>
    %broadcast_in_dim3A_849 = vector.shape_cast %reduce_sum3A_848 : vector<256xf32> to vector<256x1xf32>
    %div3A_850 = arith.constant 7.680000e+02 : f32
    %div3A_851 = vector.broadcast %div3A_850 : f32 to vector<256x1xf32>
    %div3A_852 = arith.divf %broadcast_in_dim3A_849, %div3A_851 : vector<256x1xf32>
    %add3A_853 = arith.constant 9.99999997E-7 : f32
    %add3A_854 = vector.broadcast %add3A_853 : f32 to vector<256x1xf32>
    %add3A_855 = arith.addf %div3A_852, %add3A_854 : vector<256x1xf32>
    %rsqrt3A_856 = math.rsqrt %add3A_855 : vector<256x1xf32>
    %mul3A_857 = vector.broadcast %rsqrt3A_856 : vector<256x1xf32> to vector<256x768xf32>
    %mul3A_858 = arith.mulf %add3A_839, %mul3A_857 : vector<256x768xf32>
    %mul3A_859 = vector.broadcast %get3A_845 : vector<1x768xf32> to vector<256x768xf32>
    %mul3A_860 = arith.mulf %mul3A_858, %mul3A_859 : vector<256x768xf32>
    %swap3A_861 = arith.constant 0 : index
    %swap3A_862 = arith.constant 0 : index
    %swap3A_863 = vector.load %arg15[%swap3A_861, %swap3A_862] : memref<256x768xf32, #tpu.memory_space<vmem>>, vector<256x768xf32>
    tpu.vector_store %arg15[%swap3A_861, %swap3A_862], %mul3A_860 {strides = array<i32>} : memref<256x768xf32, #tpu.memory_space<vmem>>, vector<256x768xf32>,
    %get3A_864 = arith.constant 0 : index
    %get3A_865 = arith.constant 0 : index
    %get3A_866 = vector.load %arg13[%get3A_864, %get3A_865] : memref<8x768xf32, #tpu.memory_space<vmem>>, vector<8x768xf32>
    %dot_general3A_867 = arith.constant dense<0.000000e+00> : vector<256x8xf32>
    %dot_general3A_868 = tpu.matmul %mul3A_860, %get3A_866, %dot_general3A_867 {dimension_numbers = #tpu.dot_dimension_numbers<[1], [1], [0], [0], [0, 0, 1, 0], [], []>, precision = #tpu.contract_precision<fp32>, transpose_lhs_hint = false} : vector<256x768xf32>, vector<8x768xf32>, vector<256x8xf32> -> vector<256x8xf32>
    %iota3A_869 = tpu.iota {dimensions = array<i32: 1>} : vector<256x8xi32>
    %reduce_max3A = arith.constant dense<0xFF800000> : vector<256xf32>
    %reduce_max3A_870 = vector.multi_reduction <maximumf>, %dot_general3A_868, %reduce_max3A [1] : vector<256x8xf32> to vector<256xf32>
    %broadcast_in_dim3A_871 = vector.shape_cast %reduce_max3A_870 : vector<256xf32> to vector<256x1xf32>
    %eq3A_872 = vector.broadcast %broadcast_in_dim3A_871 : vector<256x1xf32> to vector<256x8xf32>
    %eq3A_873 = arith.cmpf oeq, %dot_general3A_868, %eq3A_872 : vector<256x8xf32>
    %jit3A_874 = arith.constant 8 : i32
    %broadcast_in_dim3A_875 = vector.broadcast %jit3A_874 : i32 to vector<256x8xi32>
    %select_n3A_876 = arith.select %eq3A_873, %iota3A_869, %broadcast_in_dim3A_875 : vector<256x8xi1>, vector<256x8xi32>
    %reduce_min3A = arith.constant dense<2147483647> : vector<256xi32>
    %reduce_min3A_877 = vector.multi_reduction <minsi>, %select_n3A_876, %reduce_min3A [1] : vector<256x8xi32> to vector<256xi32>
    %broadcast_in_dim3A_878 = vector.shape_cast %reduce_min3A_877 : vector<256xi32> to vector<256x1xi32>
    %eq3A_879 = vector.broadcast %broadcast_in_dim3A_878 : vector<256x1xi32> to vector<256x8xi32>
    %eq3A_880 = arith.cmpi eq, %iota3A_869, %eq3A_879 : vector<256x8xi32>
    %jit3A_881 = arith.constant 0xFF800000 : f32
    %broadcast_in_dim3A_882 = vector.broadcast %jit3A_881 : f32 to vector<256x8xf32>
    %select_n3A_883 = arith.select %eq3A_880, %broadcast_in_dim3A_882, %dot_general3A_868 : vector<256x8xi1>, vector<256x8xf32>
    %reduce_max3A_884 = arith.constant dense<0xFF800000> : vector<256xf32>
    %reduce_max3A_885 = vector.multi_reduction <maximumf>, %select_n3A_883, %reduce_max3A_884 [1] : vector<256x8xf32> to vector<256xf32>
    %broadcast_in_dim3A_886 = vector.shape_cast %reduce_max3A_885 : vector<256xf32> to vector<256x1xf32>
    %eq3A_887 = vector.broadcast %broadcast_in_dim3A_886 : vector<256x1xf32> to vector<256x8xf32>
    %eq3A_888 = arith.cmpf oeq, %select_n3A_883, %eq3A_887 : vector<256x8xf32>
    %jit3A_889 = arith.constant 8 : i32
    %broadcast_in_dim3A_890 = vector.broadcast %jit3A_889 : i32 to vector<256x8xi32>
    %select_n3A_891 = arith.select %eq3A_888, %iota3A_869, %broadcast_in_dim3A_890 : vector<256x8xi1>, vector<256x8xi32>
    %reduce_min3A_892 = arith.constant dense<2147483647> : vector<256xi32>
    %reduce_min3A_893 = vector.multi_reduction <minsi>, %select_n3A_891, %reduce_min3A_892 [1] : vector<256x8xi32> to vector<256xi32>
    %broadcast_in_dim3A_894 = vector.shape_cast %reduce_min3A_893 : vector<256xi32> to vector<256x1xi32>
    %sub3A_895 = arith.subf %broadcast_in_dim3A_886, %broadcast_in_dim3A_871 : vector<256x1xf32>
    %exp3A_896 = math.exp %sub3A_895 : vector<256x1xf32>
    %add3A_897 = arith.constant 1.000000e+00 : f32
    %add3A_898 = vector.broadcast %add3A_897 : f32 to vector<256x1xf32>
    %add3A_899 = arith.addf %add3A_898, %exp3A_896 : vector<256x1xf32>
    %div3A_900 = arith.constant 1.000000e+00 : f32
    %div3A_901 = vector.broadcast %div3A_900 : f32 to vector<256x1xf32>
    %div3A_902 = arith.divf %div3A_901, %add3A_899 : vector<256x1xf32>
    %mul3A_903 = arith.mulf %exp3A_896, %div3A_902 : vector<256x1xf32>
    %eq3A_904 = vector.broadcast %broadcast_in_dim3A_878 : vector<256x1xi32> to vector<256x8xi32>
    %eq3A_905 = arith.cmpi eq, %iota3A_869, %eq3A_904 : vector<256x8xi32>
    %convert_element_type3A_906 = arith.extui %eq3A_905 : vector<256x8xi1> to vector<256x8xi32>
    %convert_element_type3A_907 = arith.sitofp %convert_element_type3A_906 : vector<256x8xi32> to vector<256x8xf32>
    %eq3A_908 = vector.broadcast %broadcast_in_dim3A_894 : vector<256x1xi32> to vector<256x8xi32>
    %eq3A_909 = arith.cmpi eq, %iota3A_869, %eq3A_908 : vector<256x8xi32>
    %convert_element_type3A_910 = arith.extui %eq3A_909 : vector<256x8xi1> to vector<256x8xi32>
    %convert_element_type3A_911 = arith.sitofp %convert_element_type3A_910 : vector<256x8xi32> to vector<256x8xf32>
    %get3A_912 = arith.constant 0 : index
    %get3A_913 = arith.constant 0 : index
    %get3A_914 = vector.load %arg22[%get3A_912, %get3A_913] : memref<1x8xf32, #tpu.memory_space<vmem>>, vector<1x8xf32>
    %dot_general3A_915 = arith.constant dense<0.000000e+00> : vector<256x8xf32>
    %dot_general3A_916 = tpu.matmul %convert_element_type3A_102, %convert_element_type3A_907, %dot_general3A_915 {dimension_numbers = #tpu.dot_dimension_numbers<[1], [0], [0], [1], [0, 0, 1, 1], [], []>, precision = #tpu.contract_precision<fp32>, transpose_lhs_hint = false} : vector<256x256xf32>, vector<256x8xf32>, vector<256x8xf32> -> vector<256x8xf32>
    %add3A_917 = vector.broadcast %get3A_914 : vector<1x8xf32> to vector<256x8xf32>
    %add3A_918 = arith.addf %dot_general3A_916, %add3A_917 : vector<256x8xf32>
    %mul3A_919 = arith.mulf %add3A_918, %convert_element_type3A_907 : vector<256x8xf32>
    %reduce_sum3A_920 = arith.constant dense<0.000000e+00> : vector<256xf32>
    %reduce_sum3A_921 = vector.multi_reduction <add>, %mul3A_919, %reduce_sum3A_920 [1] : vector<256x8xf32> to vector<256xf32>
    %broadcast_in_dim3A_922 = vector.shape_cast %reduce_sum3A_921 : vector<256xf32> to vector<256x1xf32>
    %reduce_sum3A_923 = arith.constant dense<0.000000e+00> : vector<8xf32>
    %reduce_sum3A_924 = vector.multi_reduction <add>, %convert_element_type3A_907, %reduce_sum3A_923 [0] : vector<256x8xf32> to vector<8xf32>
    %broadcast_in_dim3A_925 = vector.shape_cast %reduce_sum3A_924 : vector<8xf32> to vector<1x8xf32>
    %add3A_926 = arith.addf %get3A_914, %broadcast_in_dim3A_925 : vector<1x8xf32>
    %dot_general3A_927 = arith.constant dense<0.000000e+00> : vector<256x8xf32>
    %dot_general3A_928 = tpu.matmul %convert_element_type3A_102, %convert_element_type3A_911, %dot_general3A_927 {dimension_numbers = #tpu.dot_dimension_numbers<[1], [0], [0], [1], [0, 0, 1, 1], [], []>, precision = #tpu.contract_precision<fp32>, transpose_lhs_hint = false} : vector<256x256xf32>, vector<256x8xf32>, vector<256x8xf32> -> vector<256x8xf32>
    %add3A_929 = vector.broadcast %add3A_926 : vector<1x8xf32> to vector<256x8xf32>
    %add3A_930 = arith.addf %dot_general3A_928, %add3A_929 : vector<256x8xf32>
    %mul3A_931 = arith.mulf %add3A_930, %convert_element_type3A_911 : vector<256x8xf32>
    %reduce_sum3A_932 = arith.constant dense<0.000000e+00> : vector<256xf32>
    %reduce_sum3A_933 = vector.multi_reduction <add>, %mul3A_931, %reduce_sum3A_932 [1] : vector<256x8xf32> to vector<256xf32>
    %broadcast_in_dim3A_934 = vector.shape_cast %reduce_sum3A_933 : vector<256xf32> to vector<256x1xf32>
    %reduce_sum3A_935 = arith.constant dense<0.000000e+00> : vector<8xf32>
    %reduce_sum3A_936 = vector.multi_reduction <add>, %convert_element_type3A_911, %reduce_sum3A_935 [0] : vector<256x8xf32> to vector<8xf32>
    %broadcast_in_dim3A_937 = vector.shape_cast %reduce_sum3A_936 : vector<8xf32> to vector<1x8xf32>
    %add3A_938 = arith.addf %add3A_926, %broadcast_in_dim3A_937 : vector<1x8xf32>
    %swap3A_939 = arith.constant 0 : index
    %swap3A_940 = arith.constant 0 : index
    %swap3A_941 = vector.load %arg22[%swap3A_939, %swap3A_940] : memref<1x8xf32, #tpu.memory_space<vmem>>, vector<1x8xf32>
    tpu.vector_store %arg22[%swap3A_939, %swap3A_940], %add3A_938 {strides = array<i32>} : memref<1x8xf32, #tpu.memory_space<vmem>>, vector<1x8xf32>,
    %concatenate3A_942 = tpu.concatenate %div3A_902, %mul3A_903 in 1 : vector<256x1xf32>, vector<256x1xf32> -> vector<256x2xf32>
    %mul3A_943 = arith.constant 2.200000e-01 : f32
    %mul3A_944 = vector.broadcast %mul3A_943 : f32 to vector<256x2xf32>
    %mul3A_945 = arith.mulf %concatenate3A_942, %mul3A_944 : vector<256x2xf32>
    %transpose3A_946 = tpu.transpose %mul3A_945, [1, 0] : vector<256x2xf32> -> vector<2x256xf32>
    %swap3A_947 = arith.constant 0 : index
    %swap3A_948 = arith.constant 0 : index
    %swap3A_949 = vector.load %arg16[%swap3A_947, %swap3A_948] : memref<2x256xf32, #tpu.memory_space<vmem>>, vector<2x256xf32>
    tpu.vector_store %arg16[%swap3A_947, %swap3A_948], %transpose3A_946 {strides = array<i32>} : memref<2x256xf32, #tpu.memory_space<vmem>>, vector<2x256xf32>,
    %convert_element_type3A_950 = arith.sitofp %broadcast_in_dim3A_878 : vector<256x1xi32> to vector<256x1xf32>
    %convert_element_type3A_951 = arith.sitofp %broadcast_in_dim3A_894 : vector<256x1xi32> to vector<256x1xf32>
    %concatenate3A_952 = tpu.concatenate %convert_element_type3A_950, %convert_element_type3A_951 in 1 : vector<256x1xf32>, vector<256x1xf32> -> vector<256x2xf32>
    %transpose3A_953 = tpu.transpose %concatenate3A_952, [1, 0] : vector<256x2xf32> -> vector<2x256xf32>
    %mul3A_954 = arith.constant 256 : i32
    %mul3A_955 = arith.muli %arg0, %mul3A_954 : i32
    %swap3A_956 = arith.constant 0 : index
    %swap3A_957 = arith.index_cast %mul3A_955 : i32 to index
    %swap3A_958 = vector.load %arg23[%swap3A_956, %swap3A_957] : memref<2x2048xf32, #tpu.memory_space<vmem>>, vector<2x256xf32>
    tpu.vector_store %arg23[%swap3A_956, %swap3A_957], %transpose3A_953 {strides = array<i32>} : memref<2x2048xf32, #tpu.memory_space<vmem>>, vector<2x256xf32>,
    %concatenate3A_959 = tpu.concatenate %broadcast_in_dim3A_922, %broadcast_in_dim3A_934 in 1 : vector<256x1xf32>, vector<256x1xf32> -> vector<256x2xf32>
    %transpose3A_960 = tpu.transpose %concatenate3A_959, [1, 0] : vector<256x2xf32> -> vector<2x256xf32>
    %mul3A_961 = arith.constant 256 : i32
    %mul3A_962 = arith.muli %arg0, %mul3A_961 : i32
    %swap3A_963 = arith.constant 0 : index
    %swap3A_964 = arith.index_cast %mul3A_962 : i32 to index
    %swap3A_965 = vector.load %arg24[%swap3A_963, %swap3A_964] : memref<2x2048xf32, #tpu.memory_space<vmem>>, vector<2x256xf32>
    tpu.vector_store %arg24[%swap3A_963, %swap3A_964], %transpose3A_960 {strides = array<i32>} : memref<2x2048xf32, #tpu.memory_space<vmem>>, vector<2x256xf32>,
    %eq3A_966 = arith.constant 7 : i32
    %eq3A_967 = arith.cmpi eq, %arg0, %eq3A_966 : i32
    %convert_element_type3A_968 = arith.extui %eq3A_967 : i1 to i32
    %cond3A_969 = arith.constant 0 : i32
    %cond3A_970 = arith.cmpi ne, %convert_element_type3A_968, %cond3A_969 : i32
    scf.if %cond3A_970 {
      %add3A_971 = arith.constant 2.550000e+02 : f32
      %add3A_972 = vector.broadcast %add3A_971 : f32 to vector<1x8xf32>
      %add3A_973 = arith.addf %add3A_938, %add3A_972 : vector<1x8xf32>
      %mul3A_974 = arith.constant 3.906250e-03 : f32
      %mul3A_975 = vector.broadcast %mul3A_974 : f32 to vector<1x8xf32>
      %mul3A_976 = arith.mulf %add3A_973, %mul3A_975 : vector<1x8xf32>
      %floor3A = math.floor %mul3A_976 : vector<1x8xf32>
      %mul3A_977 = arith.constant 2.560000e+02 : f32
      %mul3A_978 = vector.broadcast %mul3A_977 : f32 to vector<1x8xf32>
      %mul3A_979 = arith.mulf %floor3A, %mul3A_978 : vector<1x8xf32>
      %iota3A_980 = tpu.iota {dimensions = array<i32: 1>} : vector<1x8xi32>
      %broadcast_in_dim3A_981 = arith.constant 0.000000e+00 : f32
      %broadcast_in_dim3A_982 = vector.broadcast %broadcast_in_dim3A_981 : f32 to vector<1x8xf32>
      %ge3A_983 = arith.constant 0 : i32
      %ge3A_984 = vector.broadcast %ge3A_983 : i32 to vector<1x8xi32>
      %ge3A_985 = arith.cmpi sge, %iota3A_980, %ge3A_984 : vector<1x8xi32>
      %slice3A_986 = vector.extract_strided_slice %mul3A_979 {offsets = [0, 0], sizes = [1, 1], strides = [1, 1]} : vector<1x8xf32> to vector<1x1xf32>
      %jit3A_987 = arith.constant 0.000000e+00 : f32
      %broadcast_in_dim3A_988 = vector.shape_cast %slice3A_986 : vector<1x1xf32> to vector<1x1xf32>
      %broadcast_in_dim3A_989 = vector.broadcast %broadcast_in_dim3A_988 : vector<1x1xf32> to vector<1x8xf32>
      %broadcast_in_dim3A_990 = vector.broadcast %jit3A_987 : f32 to vector<1x8xf32>
      %select_n3A_991 = arith.select %ge3A_985, %broadcast_in_dim3A_989, %broadcast_in_dim3A_990 : vector<1x8xi1>, vector<1x8xf32>
      %add3A_992 = arith.addf %broadcast_in_dim3A_982, %select_n3A_991 : vector<1x8xf32>
      %ge3A_993 = arith.constant 1 : i32
      %ge3A_994 = vector.broadcast %ge3A_993 : i32 to vector<1x8xi32>
      %ge3A_995 = arith.cmpi sge, %iota3A_980, %ge3A_994 : vector<1x8xi32>
      %slice3A_996 = vector.extract_strided_slice %mul3A_979 {offsets = [0, 1], sizes = [1, 1], strides = [1, 1]} : vector<1x8xf32> to vector<1x1xf32>
      %jit3A_997 = arith.constant 0.000000e+00 : f32
      %broadcast_in_dim3A_998 = vector.shape_cast %slice3A_996 : vector<1x1xf32> to vector<1x1xf32>
      %broadcast_in_dim3A_999 = vector.broadcast %broadcast_in_dim3A_998 : vector<1x1xf32> to vector<1x8xf32>
      %broadcast_in_dim3A_1000 = vector.broadcast %jit3A_997 : f32 to vector<1x8xf32>
      %select_n3A_1001 = arith.select %ge3A_995, %broadcast_in_dim3A_999, %broadcast_in_dim3A_1000 : vector<1x8xi1>, vector<1x8xf32>
      %add3A_1002 = arith.addf %add3A_992, %select_n3A_1001 : vector<1x8xf32>
      %ge3A_1003 = arith.constant 2 : i32
      %ge3A_1004 = vector.broadcast %ge3A_1003 : i32 to vector<1x8xi32>
      %ge3A_1005 = arith.cmpi sge, %iota3A_980, %ge3A_1004 : vector<1x8xi32>
      %slice3A_1006 = vector.extract_strided_slice %mul3A_979 {offsets = [0, 2], sizes = [1, 1], strides = [1, 1]} : vector<1x8xf32> to vector<1x1xf32>
      %jit3A_1007 = arith.constant 0.000000e+00 : f32
      %broadcast_in_dim3A_1008 = vector.shape_cast %slice3A_1006 : vector<1x1xf32> to vector<1x1xf32>
      %broadcast_in_dim3A_1009 = vector.broadcast %broadcast_in_dim3A_1008 : vector<1x1xf32> to vector<1x8xf32>
      %broadcast_in_dim3A_1010 = vector.broadcast %jit3A_1007 : f32 to vector<1x8xf32>
      %select_n3A_1011 = arith.select %ge3A_1005, %broadcast_in_dim3A_1009, %broadcast_in_dim3A_1010 : vector<1x8xi1>, vector<1x8xf32>
      %add3A_1012 = arith.addf %add3A_1002, %select_n3A_1011 : vector<1x8xf32>
      %ge3A_1013 = arith.constant 3 : i32
      %ge3A_1014 = vector.broadcast %ge3A_1013 : i32 to vector<1x8xi32>
      %ge3A_1015 = arith.cmpi sge, %iota3A_980, %ge3A_1014 : vector<1x8xi32>
      %slice3A_1016 = vector.extract_strided_slice %mul3A_979 {offsets = [0, 3], sizes = [1, 1], strides = [1, 1]} : vector<1x8xf32> to vector<1x1xf32>
      %jit3A_1017 = arith.constant 0.000000e+00 : f32
      %broadcast_in_dim3A_1018 = vector.shape_cast %slice3A_1016 : vector<1x1xf32> to vector<1x1xf32>
      %broadcast_in_dim3A_1019 = vector.broadcast %broadcast_in_dim3A_1018 : vector<1x1xf32> to vector<1x8xf32>
      %broadcast_in_dim3A_1020 = vector.broadcast %jit3A_1017 : f32 to vector<1x8xf32>
      %select_n3A_1021 = arith.select %ge3A_1015, %broadcast_in_dim3A_1019, %broadcast_in_dim3A_1020 : vector<1x8xi1>, vector<1x8xf32>
      %add3A_1022 = arith.addf %add3A_1012, %select_n3A_1021 : vector<1x8xf32>
      %ge3A_1023 = arith.constant 4 : i32
      %ge3A_1024 = vector.broadcast %ge3A_1023 : i32 to vector<1x8xi32>
      %ge3A_1025 = arith.cmpi sge, %iota3A_980, %ge3A_1024 : vector<1x8xi32>
      %slice3A_1026 = vector.extract_strided_slice %mul3A_979 {offsets = [0, 4], sizes = [1, 1], strides = [1, 1]} : vector<1x8xf32> to vector<1x1xf32>
      %jit3A_1027 = arith.constant 0.000000e+00 : f32
      %broadcast_in_dim3A_1028 = vector.shape_cast %slice3A_1026 : vector<1x1xf32> to vector<1x1xf32>
      %broadcast_in_dim3A_1029 = vector.broadcast %broadcast_in_dim3A_1028 : vector<1x1xf32> to vector<1x8xf32>
      %broadcast_in_dim3A_1030 = vector.broadcast %jit3A_1027 : f32 to vector<1x8xf32>
      %select_n3A_1031 = arith.select %ge3A_1025, %broadcast_in_dim3A_1029, %broadcast_in_dim3A_1030 : vector<1x8xi1>, vector<1x8xf32>
      %add3A_1032 = arith.addf %add3A_1022, %select_n3A_1031 : vector<1x8xf32>
      %ge3A_1033 = arith.constant 5 : i32
      %ge3A_1034 = vector.broadcast %ge3A_1033 : i32 to vector<1x8xi32>
      %ge3A_1035 = arith.cmpi sge, %iota3A_980, %ge3A_1034 : vector<1x8xi32>
      %slice3A_1036 = vector.extract_strided_slice %mul3A_979 {offsets = [0, 5], sizes = [1, 1], strides = [1, 1]} : vector<1x8xf32> to vector<1x1xf32>
      %jit3A_1037 = arith.constant 0.000000e+00 : f32
      %broadcast_in_dim3A_1038 = vector.shape_cast %slice3A_1036 : vector<1x1xf32> to vector<1x1xf32>
      %broadcast_in_dim3A_1039 = vector.broadcast %broadcast_in_dim3A_1038 : vector<1x1xf32> to vector<1x8xf32>
      %broadcast_in_dim3A_1040 = vector.broadcast %jit3A_1037 : f32 to vector<1x8xf32>
      %select_n3A_1041 = arith.select %ge3A_1035, %broadcast_in_dim3A_1039, %broadcast_in_dim3A_1040 : vector<1x8xi1>, vector<1x8xf32>
      %add3A_1042 = arith.addf %add3A_1032, %select_n3A_1041 : vector<1x8xf32>
      %ge3A_1043 = arith.constant 6 : i32
      %ge3A_1044 = vector.broadcast %ge3A_1043 : i32 to vector<1x8xi32>
      %ge3A_1045 = arith.cmpi sge, %iota3A_980, %ge3A_1044 : vector<1x8xi32>
      %slice3A_1046 = vector.extract_strided_slice %mul3A_979 {offsets = [0, 6], sizes = [1, 1], strides = [1, 1]} : vector<1x8xf32> to vector<1x1xf32>
      %jit3A_1047 = arith.constant 0.000000e+00 : f32
      %broadcast_in_dim3A_1048 = vector.shape_cast %slice3A_1046 : vector<1x1xf32> to vector<1x1xf32>
      %broadcast_in_dim3A_1049 = vector.broadcast %broadcast_in_dim3A_1048 : vector<1x1xf32> to vector<1x8xf32>
      %broadcast_in_dim3A_1050 = vector.broadcast %jit3A_1047 : f32 to vector<1x8xf32>
      %select_n3A_1051 = arith.select %ge3A_1045, %broadcast_in_dim3A_1049, %broadcast_in_dim3A_1050 : vector<1x8xi1>, vector<1x8xf32>
      %add3A_1052 = arith.addf %add3A_1042, %select_n3A_1051 : vector<1x8xf32>
      %ge3A_1053 = arith.constant 7 : i32
      %ge3A_1054 = vector.broadcast %ge3A_1053 : i32 to vector<1x8xi32>
      %ge3A_1055 = arith.cmpi sge, %iota3A_980, %ge3A_1054 : vector<1x8xi32>
      %slice3A_1056 = vector.extract_strided_slice %mul3A_979 {offsets = [0, 7], sizes = [1, 1], strides = [1, 1]} : vector<1x8xf32> to vector<1x1xf32>
      %jit3A_1057 = arith.constant 0.000000e+00 : f32
      %broadcast_in_dim3A_1058 = vector.shape_cast %slice3A_1056 : vector<1x1xf32> to vector<1x1xf32>
      %broadcast_in_dim3A_1059 = vector.broadcast %broadcast_in_dim3A_1058 : vector<1x1xf32> to vector<1x8xf32>
      %broadcast_in_dim3A_1060 = vector.broadcast %jit3A_1057 : f32 to vector<1x8xf32>
      %select_n3A_1061 = arith.select %ge3A_1055, %broadcast_in_dim3A_1059, %broadcast_in_dim3A_1060 : vector<1x8xi1>, vector<1x8xf32>
      %add3A_1062 = arith.addf %add3A_1052, %select_n3A_1061 : vector<1x8xf32>
      %sub3A_1063 = arith.subf %add3A_1062, %mul3A_979 : vector<1x8xf32>
      %get3A_1064 = arith.constant 0 : index
      %get3A_1065 = arith.constant 0 : index
      %get3A_1066 = vector.load %arg23[%get3A_1064, %get3A_1065] : memref<2x2048xf32, #tpu.memory_space<vmem>>, vector<2x2048xf32>
      %get3A_1067 = arith.constant 0 : index
      %get3A_1068 = arith.constant 0 : index
      %get3A_1069 = vector.load %arg24[%get3A_1067, %get3A_1068] : memref<2x2048xf32, #tpu.memory_space<vmem>>, vector<2x2048xf32>
      %eq3A_1070 = arith.constant 0.000000e+00 : f32
      %eq3A_1071 = vector.broadcast %eq3A_1070 : f32 to vector<2x2048xf32>
      %eq3A_1072 = arith.cmpf oeq, %get3A_1066, %eq3A_1071 : vector<2x2048xf32>
      %slice3A_1073 = vector.extract_strided_slice %sub3A_1063 {offsets = [0, 0], sizes = [1, 1], strides = [1, 1]} : vector<1x8xf32> to vector<1x1xf32>
      %jit3A_1074 = arith.constant 0.000000e+00 : f32
      %broadcast_in_dim3A_1075 = vector.shape_cast %slice3A_1073 : vector<1x1xf32> to vector<1x1xf32>
      %broadcast_in_dim3A_1076 = vector.broadcast %broadcast_in_dim3A_1075 : vector<1x1xf32> to vector<2x2048xf32>
      %broadcast_in_dim3A_1077 = vector.broadcast %jit3A_1074 : f32 to vector<2x2048xf32>
      %select_n3A_1078 = arith.select %eq3A_1072, %broadcast_in_dim3A_1076, %broadcast_in_dim3A_1077 : vector<2x2048xi1>, vector<2x2048xf32>
      %add3A_1079 = arith.addf %get3A_1069, %select_n3A_1078 : vector<2x2048xf32>
      %eq3A_1080 = arith.constant 1.000000e+00 : f32
      %eq3A_1081 = vector.broadcast %eq3A_1080 : f32 to vector<2x2048xf32>
      %eq3A_1082 = arith.cmpf oeq, %get3A_1066, %eq3A_1081 : vector<2x2048xf32>
      %slice3A_1083 = vector.extract_strided_slice %sub3A_1063 {offsets = [0, 1], sizes = [1, 1], strides = [1, 1]} : vector<1x8xf32> to vector<1x1xf32>
      %jit3A_1084 = arith.constant 0.000000e+00 : f32
      %broadcast_in_dim3A_1085 = vector.shape_cast %slice3A_1083 : vector<1x1xf32> to vector<1x1xf32>
      %broadcast_in_dim3A_1086 = vector.broadcast %broadcast_in_dim3A_1085 : vector<1x1xf32> to vector<2x2048xf32>
      %broadcast_in_dim3A_1087 = vector.broadcast %jit3A_1084 : f32 to vector<2x2048xf32>
      %select_n3A_1088 = arith.select %eq3A_1082, %broadcast_in_dim3A_1086, %broadcast_in_dim3A_1087 : vector<2x2048xi1>, vector<2x2048xf32>
      %add3A_1089 = arith.addf %add3A_1079, %select_n3A_1088 : vector<2x2048xf32>
      %eq3A_1090 = arith.constant 2.000000e+00 : f32
      %eq3A_1091 = vector.broadcast %eq3A_1090 : f32 to vector<2x2048xf32>
      %eq3A_1092 = arith.cmpf oeq, %get3A_1066, %eq3A_1091 : vector<2x2048xf32>
      %slice3A_1093 = vector.extract_strided_slice %sub3A_1063 {offsets = [0, 2], sizes = [1, 1], strides = [1, 1]} : vector<1x8xf32> to vector<1x1xf32>
      %jit3A_1094 = arith.constant 0.000000e+00 : f32
      %broadcast_in_dim3A_1095 = vector.shape_cast %slice3A_1093 : vector<1x1xf32> to vector<1x1xf32>
      %broadcast_in_dim3A_1096 = vector.broadcast %broadcast_in_dim3A_1095 : vector<1x1xf32> to vector<2x2048xf32>
      %broadcast_in_dim3A_1097 = vector.broadcast %jit3A_1094 : f32 to vector<2x2048xf32>
      %select_n3A_1098 = arith.select %eq3A_1092, %broadcast_in_dim3A_1096, %broadcast_in_dim3A_1097 : vector<2x2048xi1>, vector<2x2048xf32>
      %add3A_1099 = arith.addf %add3A_1089, %select_n3A_1098 : vector<2x2048xf32>
      %eq3A_1100 = arith.constant 3.000000e+00 : f32
      %eq3A_1101 = vector.broadcast %eq3A_1100 : f32 to vector<2x2048xf32>
      %eq3A_1102 = arith.cmpf oeq, %get3A_1066, %eq3A_1101 : vector<2x2048xf32>
      %slice3A_1103 = vector.extract_strided_slice %sub3A_1063 {offsets = [0, 3], sizes = [1, 1], strides = [1, 1]} : vector<1x8xf32> to vector<1x1xf32>
      %jit3A_1104 = arith.constant 0.000000e+00 : f32
      %broadcast_in_dim3A_1105 = vector.shape_cast %slice3A_1103 : vector<1x1xf32> to vector<1x1xf32>
      %broadcast_in_dim3A_1106 = vector.broadcast %broadcast_in_dim3A_1105 : vector<1x1xf32> to vector<2x2048xf32>
      %broadcast_in_dim3A_1107 = vector.broadcast %jit3A_1104 : f32 to vector<2x2048xf32>
      %select_n3A_1108 = arith.select %eq3A_1102, %broadcast_in_dim3A_1106, %broadcast_in_dim3A_1107 : vector<2x2048xi1>, vector<2x2048xf32>
      %add3A_1109 = arith.addf %add3A_1099, %select_n3A_1108 : vector<2x2048xf32>
      %eq3A_1110 = arith.constant 4.000000e+00 : f32
      %eq3A_1111 = vector.broadcast %eq3A_1110 : f32 to vector<2x2048xf32>
      %eq3A_1112 = arith.cmpf oeq, %get3A_1066, %eq3A_1111 : vector<2x2048xf32>
      %slice3A_1113 = vector.extract_strided_slice %sub3A_1063 {offsets = [0, 4], sizes = [1, 1], strides = [1, 1]} : vector<1x8xf32> to vector<1x1xf32>
      %jit3A_1114 = arith.constant 0.000000e+00 : f32
      %broadcast_in_dim3A_1115 = vector.shape_cast %slice3A_1113 : vector<1x1xf32> to vector<1x1xf32>
      %broadcast_in_dim3A_1116 = vector.broadcast %broadcast_in_dim3A_1115 : vector<1x1xf32> to vector<2x2048xf32>
      %broadcast_in_dim3A_1117 = vector.broadcast %jit3A_1114 : f32 to vector<2x2048xf32>
      %select_n3A_1118 = arith.select %eq3A_1112, %broadcast_in_dim3A_1116, %broadcast_in_dim3A_1117 : vector<2x2048xi1>, vector<2x2048xf32>
      %add3A_1119 = arith.addf %add3A_1109, %select_n3A_1118 : vector<2x2048xf32>
      %eq3A_1120 = arith.constant 5.000000e+00 : f32
      %eq3A_1121 = vector.broadcast %eq3A_1120 : f32 to vector<2x2048xf32>
      %eq3A_1122 = arith.cmpf oeq, %get3A_1066, %eq3A_1121 : vector<2x2048xf32>
      %slice3A_1123 = vector.extract_strided_slice %sub3A_1063 {offsets = [0, 5], sizes = [1, 1], strides = [1, 1]} : vector<1x8xf32> to vector<1x1xf32>
      %jit3A_1124 = arith.constant 0.000000e+00 : f32
      %broadcast_in_dim3A_1125 = vector.shape_cast %slice3A_1123 : vector<1x1xf32> to vector<1x1xf32>
      %broadcast_in_dim3A_1126 = vector.broadcast %broadcast_in_dim3A_1125 : vector<1x1xf32> to vector<2x2048xf32>
      %broadcast_in_dim3A_1127 = vector.broadcast %jit3A_1124 : f32 to vector<2x2048xf32>
      %select_n3A_1128 = arith.select %eq3A_1122, %broadcast_in_dim3A_1126, %broadcast_in_dim3A_1127 : vector<2x2048xi1>, vector<2x2048xf32>
      %add3A_1129 = arith.addf %add3A_1119, %select_n3A_1128 : vector<2x2048xf32>
      %eq3A_1130 = arith.constant 6.000000e+00 : f32
      %eq3A_1131 = vector.broadcast %eq3A_1130 : f32 to vector<2x2048xf32>
      %eq3A_1132 = arith.cmpf oeq, %get3A_1066, %eq3A_1131 : vector<2x2048xf32>
      %slice3A_1133 = vector.extract_strided_slice %sub3A_1063 {offsets = [0, 6], sizes = [1, 1], strides = [1, 1]} : vector<1x8xf32> to vector<1x1xf32>
      %jit3A_1134 = arith.constant 0.000000e+00 : f32
      %broadcast_in_dim3A_1135 = vector.shape_cast %slice3A_1133 : vector<1x1xf32> to vector<1x1xf32>
      %broadcast_in_dim3A_1136 = vector.broadcast %broadcast_in_dim3A_1135 : vector<1x1xf32> to vector<2x2048xf32>
      %broadcast_in_dim3A_1137 = vector.broadcast %jit3A_1134 : f32 to vector<2x2048xf32>
      %select_n3A_1138 = arith.select %eq3A_1132, %broadcast_in_dim3A_1136, %broadcast_in_dim3A_1137 : vector<2x2048xi1>, vector<2x2048xf32>
      %add3A_1139 = arith.addf %add3A_1129, %select_n3A_1138 : vector<2x2048xf32>
      %eq3A_1140 = arith.constant 7.000000e+00 : f32
      %eq3A_1141 = vector.broadcast %eq3A_1140 : f32 to vector<2x2048xf32>
      %eq3A_1142 = arith.cmpf oeq, %get3A_1066, %eq3A_1141 : vector<2x2048xf32>
      %slice3A_1143 = vector.extract_strided_slice %sub3A_1063 {offsets = [0, 7], sizes = [1, 1], strides = [1, 1]} : vector<1x8xf32> to vector<1x1xf32>
      %jit3A_1144 = arith.constant 0.000000e+00 : f32
      %broadcast_in_dim3A_1145 = vector.shape_cast %slice3A_1143 : vector<1x1xf32> to vector<1x1xf32>
      %broadcast_in_dim3A_1146 = vector.broadcast %broadcast_in_dim3A_1145 : vector<1x1xf32> to vector<2x2048xf32>
      %broadcast_in_dim3A_1147 = vector.broadcast %jit3A_1144 : f32 to vector<2x2048xf32>
      %select_n3A_1148 = arith.select %eq3A_1142, %broadcast_in_dim3A_1146, %broadcast_in_dim3A_1147 : vector<2x2048xi1>, vector<2x2048xf32>
      %add3A_1149 = arith.addf %add3A_1139, %select_n3A_1148 : vector<2x2048xf32>
      %convert_element_type3A_1150 = arith.fptosi %add3A_1149 : vector<2x2048xf32> to vector<2x2048xi32>
      %swap3A_1151 = arith.constant 0 : index
      %swap3A_1152 = arith.constant 0 : index
      %swap3A_1153 = vector.load %arg17[%swap3A_1151, %swap3A_1152] : memref<2x2048xi32, #tpu.memory_space<vmem>>, vector<2x2048xi32>
      tpu.vector_store %arg17[%swap3A_1151, %swap3A_1152], %convert_element_type3A_1150 {strides = array<i32>} : memref<2x2048xi32, #tpu.memory_space<vmem>>, vector<2x2048xi32>,
      %iota3A_1154 = tpu.iota {dimensions = array<i32: 1>} : vector<1x128xi32>
      %convert_element_type3A_1155 = arith.sitofp %iota3A_1154 : vector<1x128xi32> to vector<1x128xf32>
      %mul3A_1156 = arith.constant 2.560000e+02 : f32
      %mul3A_1157 = vector.broadcast %mul3A_1156 : f32 to vector<1x128xf32>
      %mul3A_1158 = arith.mulf %convert_element_type3A_1155, %mul3A_1157 : vector<1x128xf32>
      %broadcast_in_dim3A_1159 = arith.constant 0.000000e+00 : f32
      %broadcast_in_dim3A_1160 = vector.broadcast %broadcast_in_dim3A_1159 : f32 to vector<1x128xf32>
      %slice3A_1161 = vector.extract_strided_slice %add3A_1062 {offsets = [0, 0], sizes = [1, 1], strides = [1, 1]} : vector<1x8xf32> to vector<1x1xf32>
      %ge3A_1162 = vector.broadcast %slice3A_1161 : vector<1x1xf32> to vector<1x128xf32>
      %ge3A_1163 = arith.cmpf oge, %mul3A_1158, %ge3A_1162 : vector<1x128xf32>
      %convert_element_type3A_1164 = arith.extui %ge3A_1163 : vector<1x128xi1> to vector<1x128xi32>
      %convert_element_type3A_1165 = arith.sitofp %convert_element_type3A_1164 : vector<1x128xi32> to vector<1x128xf32>
      %add3A_1166 = arith.addf %broadcast_in_dim3A_1160, %convert_element_type3A_1165 : vector<1x128xf32>
      %slice3A_1167 = vector.extract_strided_slice %add3A_1062 {offsets = [0, 1], sizes = [1, 1], strides = [1, 1]} : vector<1x8xf32> to vector<1x1xf32>
      %ge3A_1168 = vector.broadcast %slice3A_1167 : vector<1x1xf32> to vector<1x128xf32>
      %ge3A_1169 = arith.cmpf oge, %mul3A_1158, %ge3A_1168 : vector<1x128xf32>
      %convert_element_type3A_1170 = arith.extui %ge3A_1169 : vector<1x128xi1> to vector<1x128xi32>
      %convert_element_type3A_1171 = arith.sitofp %convert_element_type3A_1170 : vector<1x128xi32> to vector<1x128xf32>
      %add3A_1172 = arith.addf %add3A_1166, %convert_element_type3A_1171 : vector<1x128xf32>
      %slice3A_1173 = vector.extract_strided_slice %add3A_1062 {offsets = [0, 2], sizes = [1, 1], strides = [1, 1]} : vector<1x8xf32> to vector<1x1xf32>
      %ge3A_1174 = vector.broadcast %slice3A_1173 : vector<1x1xf32> to vector<1x128xf32>
      %ge3A_1175 = arith.cmpf oge, %mul3A_1158, %ge3A_1174 : vector<1x128xf32>
      %convert_element_type3A_1176 = arith.extui %ge3A_1175 : vector<1x128xi1> to vector<1x128xi32>
      %convert_element_type3A_1177 = arith.sitofp %convert_element_type3A_1176 : vector<1x128xi32> to vector<1x128xf32>
      %add3A_1178 = arith.addf %add3A_1172, %convert_element_type3A_1177 : vector<1x128xf32>
      %slice3A_1179 = vector.extract_strided_slice %add3A_1062 {offsets = [0, 3], sizes = [1, 1], strides = [1, 1]} : vector<1x8xf32> to vector<1x1xf32>
      %ge3A_1180 = vector.broadcast %slice3A_1179 : vector<1x1xf32> to vector<1x128xf32>
      %ge3A_1181 = arith.cmpf oge, %mul3A_1158, %ge3A_1180 : vector<1x128xf32>
      %convert_element_type3A_1182 = arith.extui %ge3A_1181 : vector<1x128xi1> to vector<1x128xi32>
      %convert_element_type3A_1183 = arith.sitofp %convert_element_type3A_1182 : vector<1x128xi32> to vector<1x128xf32>
      %add3A_1184 = arith.addf %add3A_1178, %convert_element_type3A_1183 : vector<1x128xf32>
      %slice3A_1185 = vector.extract_strided_slice %add3A_1062 {offsets = [0, 4], sizes = [1, 1], strides = [1, 1]} : vector<1x8xf32> to vector<1x1xf32>
      %ge3A_1186 = vector.broadcast %slice3A_1185 : vector<1x1xf32> to vector<1x128xf32>
      %ge3A_1187 = arith.cmpf oge, %mul3A_1158, %ge3A_1186 : vector<1x128xf32>
      %convert_element_type3A_1188 = arith.extui %ge3A_1187 : vector<1x128xi1> to vector<1x128xi32>
      %convert_element_type3A_1189 = arith.sitofp %convert_element_type3A_1188 : vector<1x128xi32> to vector<1x128xf32>
      %add3A_1190 = arith.addf %add3A_1184, %convert_element_type3A_1189 : vector<1x128xf32>
      %slice3A_1191 = vector.extract_strided_slice %add3A_1062 {offsets = [0, 5], sizes = [1, 1], strides = [1, 1]} : vector<1x8xf32> to vector<1x1xf32>
      %ge3A_1192 = vector.broadcast %slice3A_1191 : vector<1x1xf32> to vector<1x128xf32>
      %ge3A_1193 = arith.cmpf oge, %mul3A_1158, %ge3A_1192 : vector<1x128xf32>
      %convert_element_type3A_1194 = arith.extui %ge3A_1193 : vector<1x128xi1> to vector<1x128xi32>
      %convert_element_type3A_1195 = arith.sitofp %convert_element_type3A_1194 : vector<1x128xi32> to vector<1x128xf32>
      %add3A_1196 = arith.addf %add3A_1190, %convert_element_type3A_1195 : vector<1x128xf32>
      %slice3A_1197 = vector.extract_strided_slice %add3A_1062 {offsets = [0, 6], sizes = [1, 1], strides = [1, 1]} : vector<1x8xf32> to vector<1x1xf32>
      %ge3A_1198 = vector.broadcast %slice3A_1197 : vector<1x1xf32> to vector<1x128xf32>
      %ge3A_1199 = arith.cmpf oge, %mul3A_1158, %ge3A_1198 : vector<1x128xf32>
      %convert_element_type3A_1200 = arith.extui %ge3A_1199 : vector<1x128xi1> to vector<1x128xi32>
      %convert_element_type3A_1201 = arith.sitofp %convert_element_type3A_1200 : vector<1x128xi32> to vector<1x128xf32>
      %add3A_1202 = arith.addf %add3A_1196, %convert_element_type3A_1201 : vector<1x128xf32>
      %slice3A_1203 = vector.extract_strided_slice %add3A_1062 {offsets = [0, 7], sizes = [1, 1], strides = [1, 1]} : vector<1x8xf32> to vector<1x1xf32>
      %ge3A_1204 = vector.broadcast %slice3A_1203 : vector<1x1xf32> to vector<1x128xf32>
      %ge3A_1205 = arith.cmpf oge, %mul3A_1158, %ge3A_1204 : vector<1x128xf32>
      %convert_element_type3A_1206 = arith.extui %ge3A_1205 : vector<1x128xi1> to vector<1x128xi32>
      %convert_element_type3A_1207 = arith.sitofp %convert_element_type3A_1206 : vector<1x128xi32> to vector<1x128xf32>
      %add3A_1208 = arith.addf %add3A_1202, %convert_element_type3A_1207 : vector<1x128xf32>
      %min3A = arith.constant 7.000000e+00 : f32
      %min3A_1209 = vector.broadcast %min3A : f32 to vector<1x128xf32>
      %min3A_1210 = arith.minimumf %add3A_1208, %min3A_1209 : vector<1x128xf32>
      %convert_element_type3A_1211 = arith.fptosi %min3A_1210 : vector<1x128xf32> to vector<1x128xi32>
      %slice3A_1212 = vector.extract_strided_slice %convert_element_type3A_1211 {offsets = [0, 0], sizes = [1, 24], strides = [1, 1]} : vector<1x128xi32> to vector<1x24xi32>
      %swap3A_1213 = arith.constant 0 : index
      %swap3A_1214 = arith.constant 0 : index
      %swap3A_1215 = vector.load %arg18[%swap3A_1213, %swap3A_1214] : memref<1x24xi32, #tpu.memory_space<vmem>>, vector<1x24xi32>
      tpu.vector_store %arg18[%swap3A_1213, %swap3A_1214], %slice3A_1212 {strides = array<i32>} : memref<1x24xi32, #tpu.memory_space<vmem>>, vector<1x24xi32>,
      %slice3A_1216 = vector.extract_strided_slice %add3A_1062 {offsets = [0, 7], sizes = [1, 1], strides = [1, 1]} : vector<1x8xf32> to vector<1x1xf32>
      %lt3A = vector.broadcast %slice3A_1216 : vector<1x1xf32> to vector<1x128xf32>
      %lt3A_1217 = arith.cmpf olt, %mul3A_1158, %lt3A : vector<1x128xf32>
      %convert_element_type3A_1218 = arith.extui %lt3A_1217 : vector<1x128xi1> to vector<1x128xi32>
      %slice3A_1219 = vector.extract_strided_slice %convert_element_type3A_1218 {offsets = [0, 0], sizes = [1, 24], strides = [1, 1]} : vector<1x128xi32> to vector<1x24xi32>
      %swap3A_1220 = arith.constant 0 : index
      %swap3A_1221 = arith.constant 0 : index
      %swap3A_1222 = vector.load %arg19[%swap3A_1220, %swap3A_1221] : memref<1x24xi32, #tpu.memory_space<vmem>>, vector<1x24xi32>
      tpu.vector_store %arg19[%swap3A_1220, %swap3A_1221], %slice3A_1219 {strides = array<i32>} : memref<1x24xi32, #tpu.memory_space<vmem>>, vector<1x24xi32>,
    } else {
    }
    return
  }
  func.func @transform_0(%arg0: i32) -> (i32, i32) {
    %c0_i32 = arith.constant 0 : i32
    %c0_i32_0 = arith.constant 0 : i32
    return %arg0, %c0_i32 : i32, i32
  }
  func.func @transform_1(%arg0: i32) -> (i32, i32) {
    %c0_i32 = arith.constant 0 : i32
    %c0_i32_0 = arith.constant 0 : i32
    return %arg0, %c0_i32 : i32, i32
  }
  func.func @transform_2(%arg0: i32) -> (i32, i32) {
    %c0_i32 = arith.constant 0 : i32
    %c0_i32_0 = arith.constant 0 : i32
    %c0_i32_1 = arith.constant 0 : i32
    return %c0_i32, %c0_i32_0 : i32, i32
  }
  func.func @transform_3(%arg0: i32) -> (i32, i32) {
    %c0_i32 = arith.constant 0 : i32
    %c0_i32_0 = arith.constant 0 : i32
    %c0_i32_1 = arith.constant 0 : i32
    return %c0_i32, %c0_i32_0 : i32, i32
  }
  func.func @transform_4(%arg0: i32) -> (i32, i32) {
    %c0_i32 = arith.constant 0 : i32
    %c0_i32_0 = arith.constant 0 : i32
    %c0_i32_1 = arith.constant 0 : i32
    return %c0_i32, %c0_i32_0 : i32, i32
  }
  func.func @transform_5(%arg0: i32) -> (i32, i32) {
    %c0_i32 = arith.constant 0 : i32
    %c0_i32_0 = arith.constant 0 : i32
    %c0_i32_1 = arith.constant 0 : i32
    return %c0_i32, %c0_i32_0 : i32, i32
  }
  func.func @transform_6(%arg0: i32) -> (i32, i32) {
    %c0_i32 = arith.constant 0 : i32
    %c0_i32_0 = arith.constant 0 : i32
    %c0_i32_1 = arith.constant 0 : i32
    return %c0_i32, %c0_i32_0 : i32, i32
  }
  func.func @transform_7(%arg0: i32) -> (i32, i32) {
    %c0_i32 = arith.constant 0 : i32
    %c0_i32_0 = arith.constant 0 : i32
    %c0_i32_1 = arith.constant 0 : i32
    return %c0_i32, %c0_i32_0 : i32, i32
  }
  func.func @transform_8(%arg0: i32) -> (i32, i32) {
    %c0_i32 = arith.constant 0 : i32
    %c0_i32_0 = arith.constant 0 : i32
    %c0_i32_1 = arith.constant 0 : i32
    return %c0_i32, %c0_i32_0 : i32, i32
  }
  func.func @transform_9(%arg0: i32) -> (i32, i32) {
    %c0_i32 = arith.constant 0 : i32
    %c0_i32_0 = arith.constant 0 : i32
    %c0_i32_1 = arith.constant 0 : i32
    return %c0_i32, %c0_i32_0 : i32, i32
  }
  func.func @transform_10(%arg0: i32) -> (i32, i32) {
    %c0_i32 = arith.constant 0 : i32
    %c0_i32_0 = arith.constant 0 : i32
    %c0_i32_1 = arith.constant 0 : i32
    return %c0_i32, %c0_i32_0 : i32, i32
  }
  func.func @transform_11(%arg0: i32) -> (i32, i32) {
    %c0_i32 = arith.constant 0 : i32
    %c0_i32_0 = arith.constant 0 : i32
    %c0_i32_1 = arith.constant 0 : i32
    return %c0_i32, %c0_i32_0 : i32, i32
  }
  func.func @transform_12(%arg0: i32) -> (i32, i32) {
    %c0_i32 = arith.constant 0 : i32
    %c0_i32_0 = arith.constant 0 : i32
    %c0_i32_1 = arith.constant 0 : i32
    return %c0_i32, %c0_i32_0 : i32, i32
  }
  func.func @transform_13(%arg0: i32) -> (i32, i32) {
    %c0_i32 = arith.constant 0 : i32
    %c0_i32_0 = arith.constant 0 : i32
    return %arg0, %c0_i32 : i32, i32
  }
  func.func @transform_14(%arg0: i32) -> (i32, i32) {
    %c0_i32 = arith.constant 0 : i32
    %c0_i32_0 = arith.constant 0 : i32
    return %arg0, %c0_i32 : i32, i32
  }
  func.func @transform_15(%arg0: i32) -> (i32, i32) {
    %c0_i32 = arith.constant 0 : i32
    %c0_i32_0 = arith.constant 0 : i32
    return %c0_i32, %arg0 : i32, i32
  }
  func.func @transform_16(%arg0: i32) -> (i32, i32) {
    %c0_i32 = arith.constant 0 : i32
    %c0_i32_0 = arith.constant 0 : i32
    %c0_i32_1 = arith.constant 0 : i32
    return %c0_i32, %c0_i32_0 : i32, i32
  }
  func.func @transform_17(%arg0: i32) -> (i32, i32) {
    %c0_i32 = arith.constant 0 : i32
    %c0_i32_0 = arith.constant 0 : i32
    %c0_i32_1 = arith.constant 0 : i32
    return %c0_i32, %c0_i32_0 : i32, i32
  }
  func.func @transform_18(%arg0: i32) -> (i32, i32) {
    %c0_i32 = arith.constant 0 : i32
    %c0_i32_0 = arith.constant 0 : i32
    %c0_i32_1 = arith.constant 0 : i32
    return %c0_i32, %c0_i32_0 : i32, i32
  }
}

</mosaic_0001>

<sc_bundles>
// kernel: kernel.10.cloned.1.call-start
scs
__scs_entry_jumppad:
0x0: {  	(pc) =	sbr.rel $0x88, $3  }
0x1: {  	(tag) =	ssettag $0x0;
	lr =	simm.s32 $0x1  }
0x2: {  	[smem:$0x3F92] =	sst lr;
	_ =	strace $0xD0000000  }
0x3: {  	_ = 	snop  }
0x4: {  	_ = 	snop  }
0x5: {  	_ = 	snop  }
0x6: {  	_ = 	snop  }
0x7: {  	_ = 	snop  }
__scs_overlays_trampoline_lowered:
0x8: {  	[smem:$0x3FA1] =	sst s0  }
0x9: {  	[smem:$0x3FA2] =	sst s1  }
0xa: {  	[smem:$0x3FA3] =	sst s2  }
0xb: {  	[smem:$0x3FA4] =	sst s3  }
0xc: {  	[smem:$0x3FA5] =	sst s4  }
0xd: {  	[smem:$0x3FA6] =	sst s5  }
0xe: {  	[smem:$0x3FA7] =	sst s6  }
0xf: {  	[smem:$0x3FA8] =	sst s7  }
0x10: {  	[smem:$0x3FA9] =	sst s8  }
0x11: {  	[smem:$0x3FAA] =	sst s9;
	s0 =	simm.s32 @!p0 $0x0  }
0x12: {  	s1 =	sld [smem:$0x3F90];
	s0 =	simm.s32 @p0 $0x1  }
0x13: {  	[smem:$0x3FAB] =	sst s0;
	s0 =	simm.s32 @!p1 $0x0  }
0x14: {  	s2 =	sld [smem:$0x3F8F];
	s0 =	simm.s32 @p1 $0x1  }
0x15: {  	[smem:$0x3FAC] =	sst s0;
	s0 =	simm.s32 @!p2 $0x0  }
0x16: {  	s3 =	sld [smem:$0x3FDB];
	s0 =	simm.s32 @p2 $0x1  }
0x17: {  	s4 =	simm.s32 $0x1BF5;
	[smem:$0x3FAE] =	sst s0  }
0x18: {  	s0 =	sld [smem:$0x3F91];
	_ =	swait.ge [sflag:s4], $0x0  }
0x19: {  	s7 =	sld [smem:$0x3F92]  }
0x1a: {  	s8 =	sadd.s32 $0xFFFFE003, lr  }
0x1b: {  	s9 =	sadd.s32 $0xFFFFFEF7, lr;
	s5 =	simm.s32 $0xFFFFFFFF;
	p2 =	slt.u32 s8, $0xFFFFF086  }
0x1c: {  	p1 =	slt.u32 s9, $0xF7A;
	s5 =	simm.s32 @!p2 $0x0  }
0x1d: {  	s5 =	simm.s32 @p1 $0x1;
	p0 =	seq.s32 s7, s2  }
0x1e: {  	s7 =	smul.u32 @!p0 $0xF7A, s2;
	p2 =	seq.s32 @!p0 s5, $0x0  }
0x1f: {  	s9 =	smul.u32 $0xF7A, s1;
	s8 =	simm.s32 @!p0 $0x1BF5;
	p2 =	por !p2, p0  }
0x20: {  	[sflag:s8] =	ssyncset.s32 @!p0 $0xFFFFF086;
	s6 =	sadd.s32 @!p0 s3, s7;
	s7 =	simm.s32 @!p0 $0x108  }
0x21: {  	s3 =	sadd.s32 s3, s9;
	s6 =	sadd.s32 @!p0 $0x88, s6;
	s7 =	simm.s32 @p2 $0x1082  }
0x22: {  	[simem:s7], [sflag:s8] =	dma.local @!p0 [hbm:s6], $0xF7A  }
0x23: {  	s9 =	sor.u32 $0xD0000000, s2;
	s6 =	simm.s32 $0x108;
	_ =	swait.ge @!p0 [sflag:s8], $0x0  }
0x24: {  	s3 =	sadd.s32 $0x88, s3;
	s6 =	simm.s32 @!p1 $0x1082;
	[sflag:s4] =	ssyncset.s32 $0xFFFFF086  }
0x25: {  	[simem:s6], [sflag:s4] =	dma.local [hbm:s3], $0xF7A  }
0x26: {  	[smem:$0x3F92] =	sst s1;
	(tag) =	ssettag s2;
	_ =	strace s9  }
0x27: {  	s1 =	sld [smem:$0x3FA2]  }
0x28: {  	s2 =	sld [smem:$0x3FA3]  }
0x29: {  	s4 =	sld [smem:$0x3FA5]  }
0x2a: {  	p0 =	seq.s32 s5, $0x0;
	s5 =	sld [smem:$0x3FA6]  }
0x2b: {  	s6 =	sld [smem:$0x3FA7]  }
0x2c: {  	s7 =	sld [smem:$0x3FA8]  }
0x2d: {  	s3 =	simm.s32 $0x108;
	s8 =	sld [smem:$0x3FA9]  }
0x2e: {  	s3 =	simm.s32 @!p0 $0x1082;
	s9 =	sld [smem:$0x3FAA]  }
0x2f: {  	lr =	sadd.s32 s0, s3;
	s0 =	sld [smem:$0x3FA1]  }
0x30: {  	s3 =	sld [smem:$0x3FA4]  }
0x31: {  	[smem:$0x3FAD] =	sst s10  }
0x32: {  	s10 =	sld [smem:$0x3FAB];
	_ =	sdelay $0x3  }
0x33: {  	p0 =	seq.s32 s10, $0x1;
	s10 =	sld [smem:$0x3FAD];
	_ =	sdelay $0x3  }
0x34: {  	[smem:$0x3FAD] =	sst s10  }
0x35: {  	s10 =	sld [smem:$0x3FAC];
	_ =	sdelay $0x3  }
0x36: {  	p1 =	seq.s32 s10, $0x1;
	s10 =	sld [smem:$0x3FAD];
	_ =	sdelay $0x3  }
0x37: {  	[smem:$0x3FAD] =	sst s10  }
0x38: {  	s10 =	sld [smem:$0x3FAE]  }
0x39: {  	_ = 	snop;
	(pc) =	sbr.ind lr, $3  }
0x3a: {  	_ = 	snop  }
0x3b: {  	_ = 	snop  }
0x3c: {  	p2 =	seq.s32 s10, $0x1;
	s10 =	sld [smem:$0x3FAD]  }
0x3d: {  	_ =	shalt  }
0x3e: {  	_ =	shalt  }
0x3f: {  	_ =	shalt  }
0x40: {  	_ =	shalt  }
0x41: {  	_ =	shalt  }
0x42: {  	_ =	shalt  }
0x43: {  	_ =	shalt  }
0x44: {  	_ =	shalt  }
0x45: {  	_ =	shalt  }
0x46: {  	_ =	shalt  }
0x47: {  	_ =	shalt  }
0x48: {  	_ =	shalt  }
0x49: {  	_ =	shalt  }
0x4a: {  	_ =	shalt  }
0x4b: {  	_ =	shalt  }
0x4c: {  	_ =	shalt  }
0x4d: {  	_ =	shalt  }
0x4e: {  	_ =	shalt  }
0x4f: {  	_ =	shalt  }
0x50: {  	_ =	shalt  }
0x51: {  	_ =	shalt  }
0x52: {  	_ =	shalt  }
0x53: {  	_ =	shalt  }
0x54: {  	_ =	shalt  }
0x55: {  	_ =	shalt  }
0x56: {  	_ =	shalt  }
0x57: {  	_ =	shalt  }
0x58: {  	_ =	shalt  }
0x59: {  	_ =	shalt  }
0x5a: {  	_ =	shalt  }
0x5b: {  	_ =	shalt  }
0x5c: {  	_ =	shalt  }
0x5d: {  	_ =	shalt  }
0x5e: {  	_ =	shalt  }
0x5f: {  	_ =	shalt  }
0x60: {  	_ =	shalt  }
0x61: {  	_ =	shalt  }
0x62: {  	_ =	shalt  }
0x63: {  	_ =	shalt  }
0x64: {  	_ =	shalt  }
0x65: {  	_ =	shalt  }
0x66: {  	_ =	shalt  }
0x67: {  	_ =	shalt  }
0x68: {  	_ =	shalt  }
0x69: {  	_ =	shalt  }
0x6a: {  	_ =	shalt  }
0x6b: {  	_ =	shalt  }
0x6c: {  	_ =	shalt  }
0x6d: {  	_ =	shalt  }
0x6e: {  	_ =	shalt  }
0x6f: {  	_ =	shalt  }
0x70: {  	_ =	shalt  }
0x71: {  	_ =	shalt  }
0x72: {  	_ =	shalt  }
0x73: {  	_ =	shalt  }
0x74: {  	_ =	shalt  }
0x75: {  	_ =	shalt  }
0x76: {  	_ =	shalt  }
0x77: {  	_ =	shalt  }
0x78: {  	_ =	shalt  }
0x79: {  	_ =	shalt  }
0x7a: {  	_ =	shalt  }
0x7b: {  	_ =	shalt  }
0x7c: {  	_ =	shalt  }
0x7d: {  	_ =	shalt  }
0x7e: {  	_ =	shalt  }
0x7f: {  	_ =	shalt  }
0x80: {  	_ =	shalt  }
0x81: {  	_ =	shalt  }
0x82: {  	_ =	shalt  }
0x83: {  	_ =	shalt  }
0x84: {  	_ =	shalt  }
0x85: {  	_ =	shalt  }
0x86: {  	_ =	shalt  }
0x87: {  	_ =	shalt  }
.Lfunc_end0:
.L_simem_size_0:
called_computation.1_lowered:
.L_overlay_start_0:
0x88: {  	s2 =	sld [smem:$0x3FD9]  }
0x89: {  	s3 =	sld [smem:$0x3FFE];
	_ =	sdelay $0x1  }
0x8a: {  	s1 =	srdreg.scid  }
0x8b: {  	s0 =	sand.u32 $0x1, s1  }
0x8c: {  	s14 =	sshll.u32 s0, $0xA;
	s2 =	sadd.s32 s3, s2  }
0x8d: {  	s2 =	sadd.s32 s2, s14  }
0x8e: {  	[smem:$0x3FB9] =	sst s2  }
0x8f: {  	_ = 	snop  }
0x90: {  	s2 =	sld [smem:$0x3FD0];
	_ =	sdelay $0x2  }
0x91: {  	s15 =	simm.s32 $0xA;
	s4 =	simm.s32 $0x10  }
0x92: {  	[smem:s4], [sflag:s15] =	dma.local [hbm:s2], $0x1  }
0x93: {  	_ =	swait.eq [sflag:s15], $0x1  }
0x94: {  	[sflag:s15] =	ssyncset.done $0x0  }
0x95: {  	[sflag:s15] =	ssyncadd.s32 $0xFFFFFFFF  }
0x96: {  	s16 =	sld [smem:$0x10];
	(tm) =	ssettm $0x1  }
0x97: {  	s17 =	sld [smem:$0x3FFB];
	_ =	sdelay $0x3  }
0x98: {  	_ =	strace s17  }
0x99: {  	s3 =	sld [smem:$0x3FFC];
	_ =	sdelay $0x3  }
0x9a: {  	_ =	strace s3  }
0x9b: {  	s3 =	sld [smem:$0x3FFD];
	_ =	sdelay $0x3  }
0x9c: {  	_ =	strace s3  }
0x9d: {  	_ =	strace $0x8FFFFFFF  }
0x9e: {  	s18 =	sld [smem:$0x3FDB];
	_ =	sdelay $0x1  }
0x9f: {  	s19 =	simm.s32 $_scs_section_size  }
0xa0: {  	s5 =	simm.s32 $_size__tile_overlayer_lowered;
	s6 =	simm.s32 $_tile_overlayer_lowered  }
0xa1: {  	s22 =	simm.s32 $0x1BFF;
	s21 =	sshll.u32 s6, $0x1;
	s3 =	sadd.s32 s19, s18  }
0xa2: {  	s7 =	simm.s32 $0x0;
	s20 =	sshll.u32 s5, $0x1;
	s5 =	sadd.s32 s21, s3  }
0xa3: {  	[timem:s7], [sflag:s22] =	dma.local [hbm:s5], s20  }
0xa4: {  	_ =	swait.ge [sflag:s22], s20  }
0xa5: {  	s4 =	ssub.s32 $0x0, s20;
	[sflag:s22] =	ssyncset.done $0x0  }
0xa6: {  	[sflag:s22] =	ssyncadd.s32 s4;
	_ =	sdelay $0x1  }
0xa7: {  	s23 =	simm.s32 $0x1B8B  }
0xa8: {  	_ =	swait.ge [sflag:s23], $0x1  }
0xa9: {  	[sflag:s23] =	ssyncset.done $0x0  }
0xaa: {  	s25 =	simm.s32 $0x1B8E;
	s24 =	sld [smem:$0x3FFE];
	[sflag:s23] =	ssyncadd.s32 $0xFFFFFFFF  }
0xab: {  	s26 =	simm.s32 $execute0_lowered;
	[smem:$0x3FD2] =	sst s25  }
0xac: {  	s5 =	sshll.u32 s26, $0x1;
	_ =	strace $0x80000049;
	[dreg:$0x1] =	wrdreg $0xFFFFFFFF  }
0xad: {  	s28 =	simm.s32 $_size_execute0_lowered;
	s3 =	sadd.s32 s3, s5;
	[dreg:$0x0] =	wrdreg $0x0  }
0xae: {  	s5 =	sshll.u32 s28, $0x1;
	[dreg:$0x2] =	wrdreg s3  }
0xaf: {  	[dreg:$0x3] =	wrdreg s5  }
0xb0: {  	[dreg:$0x4] =	wrdreg $0xC0  }
0xb1: {  	_ =	task [dreg:s7], $0x5FFFF  }
0xb2: {  	[dreg:$0x1] =	wrdreg $0xFFFFFFFF  }
0xb3: {  	[dreg:$0x0] =	wrdreg $0x60  }
0xb4: {  	[dreg:$0x2] =	wrdreg s24  }
0xb5: {  	[dreg:$0x3] =	wrdreg s16  }
0xb6: {  	[dreg:$0x4] =	wrdreg $0x9  }
0xb7: {  	_ =	task.clear_ibuf [dreg:s7], $0x5FFFF;
	_ =	strace $0x90000049  }
0xb8: {  	s29 =	simm.s32 $0x9;
	_ =	strace $0x8000004B  }
0xb9: {  	_ =	swait.ge [sflag:s29], $0x1  }
0xba: {  	[sflag:s29] =	ssyncadd.s32 $0xFFFFFFFF  }
0xbb: {  	_ =	strace $0x9000004B  }
0xbc: {  	_ =	sfence  }
0xbd: {  	s30 =	sld [smem:$0x0];
	_ =	sdelay $0x2  }
0xbe: {  	s31 =	sshll.u32 s1, $0xD;
	s1 =	sshrl.u32 s1, $0x2  }
0xbf: {  	s3 =	sand.u32 $0x4000, s31;
	s1 =	sadd.s32 s1, s30  }
0xc0: {  	s0 =	sor.u32 s3, s0;
	s1 =	sshll.u32 s1, $0x11  }
0xc1: {  	s0 =	sor.u32 s1, s0  }
0xc2: {  	s0 =	sadd.s32 $0x8F2B, s0  }
0xc3: {  	[sflag:s0] =	ssyncadd.remote.s32 $0x1  }
0xc4: {  	_ =	sfence.sel $0xFFFF  }
0xc5: {  	[dreg:$0x0] =	wrdreg $0xFFFFFFFF;
	(pc) =	sbr.abs _section_cstart, $3  }
0xc6: {  	[dreg:$0x1] =	wrdreg $0xFFFFFFFF  }
0xc7: {  	_ =	task.clear_ibuf [dreg:s7], $0x2FFFF;
	_ =	strace $0x9FFFFFFF  }
0xc8: {  	(tm) =	ssettm $0x7FFFFFFF  }
0xc9: {  	_ =	shalt  }
tec
execute0_lowered:
.L_overlay_start_1:
0x0: {  	(tag) =	ssettag $0x1  }
0x1: {  	s0 =	srdreg.scid;
	s1 =	rddreg [dreg:$0x0]  }
0x2: {  	s2 =	stileid.u32;
	s4 =	rddreg [dreg:$0x1];
	s10 =	simm.s32 $0x880  }
0x3: {  	s11 =	simm.s32 $0x1080;
	s12 =	simm.s32 $0x1880;
	s13 =	simm.s32 $0x2080  }
0x4: {  	s14 =	simm.s32 $0x2880;
	s15 =	simm.s32 $0x3080;
	s16 =	simm.s32 $0x3880  }
0x5: {  	s17 =	simm.s32 $0x4080;
	s18 =	simm.s32 $0x4880;
	s19 =	simm.s32 $0x5080  }
0x6: {  	s20 =	simm.s32 $0x5880;
	s21 =	simm.s32 $0x6080;
	s22 =	simm.s32 $0x6880  }
0x7: {  	s23 =	simm.s32 $0x7080;
	s28 =	simm.s32 $0x9080;
	s29 =	simm.s32 $0x9880  }
0x8: {  	s30 =	simm.s32 $0xA080;
	s31 =	simm.s32 $0xA880;
	s0 =	sand.u32 $0x1, s0  }
0x9: {  	s3 =	sshll.u32 s2, $0x4;
	s2 =	simm.s32 $0x0;
	s5 =	sshll.u32 s0, $0x3  }
0xa: {  	[smem:$0x7FF] =	sst s2;
	s0 =	ssub.s32 $0x2, s0;
	s3 =	sor.u32 s5, s3  }
0xb: {  	_ =	strace $0x8000004A;
	s24 =	sshrl.u32 s0, $0x1;
	s5 =	smul.u32 $0x300, s3  }
0xc: {  	s6 =	sadd.s32 s3, s1;
	s3 =	sadd.s32 $0x2E00, s1;
	s0 =	ssub.s32 s0, s24  }
0xd: {  	s24 =	simm.s32 $0x7880;
	s8 =	sadd.s32 $0x2C00, s6;
	s25 =	sadd.s32 $0x2D00, s6  }
0xe: {  	s6 =	smax.u32 s0, $0x1;
	s0 =	simm.s32 $0x1;
	[dreg:$0x3] =	wrdreg s8  }
0xf: {  	s7 =	sadd.s32 s5, s1;
	s4 =	sadd.s32 s4, s5;
	[dreg:$0x5] =	wrdreg s25  }
0x10: {  	v2 =	vlaneseq.u32;
	s5 =	sadd.s32 $0x3000, s1;
	s25 =	simm.s32 $0x8080;
	[dreg:$0x4] =	wrdreg s4  }
0x11: {  	vm0 =	vmmov $0xffff;
	v1 =	vshrl.u32 v2, $0x3;
	s26 =	sadd.s32 $0x92E00, s7;
	s4 =	sadd.s32 $0x2F00, s1;
	s7 =	simm.s32 $0x2  }
0x12: {  	v0 =	vand.u32 $0x7, v2;
	v2 =	vor.u32 $0x8, v2;
	v1 =	vmul.u32 $0x8, v1;
	s1 =	simm.s32 $0x80;
	[dreg:$0x6] =	wrdreg s26;
	s26 =	simm.s32 $0x8880  }
.LBB2_1:
0x13: {  	s9 =	rddreg [dreg:$0x3]  }
0x14: {  	[tilespmem:s2], [sflag:$0x2] =	stream.linear.gather [hbm4b:s9+s2], $0x40, $0x38;
	[tilespmem:$0xC080] =	vst v63  }
0x15: {  	_ =	swait.ge [sflag:s7], $0x40  }
0x16: {  	[sflag:s7] =	ssyncset.done $0x0  }
0x17: {  	[sflag:s7] =	ssyncadd.s32 $0xFFFFFFC0  }
0x18: {  	v3 =	vld [tilespmem:$0x0];
	_ =	sdelay $0x4  }
0x19: {  	v4 =	vshrl.u32 v3, $0x3  }
0x1a: {  	v4 =	vmul.u32 $0x30, v4  }
0x1b: {  	v3 =	vand.u32 $0x7, v3  }
0x1c: {  	v3 =	vor.u32 v3, v4  }
0x1d: {  	v4 =	vperm.xlane v3, v0;
	_ =	sdelay $0x1  }
0x1e: {  	v4 =	vadd.s32 v1, v4;
	_ =	sdelay $0x3  }
0x1f: {  	v3 =	vperm.xlane v3, v2  }
0x20: {  	[tilespmem:s1], [sflag:$0x1] =	stream.indirect_vreg.gather [hbm4b:s3+s2], $0x80, v4, vm0, $0xb8;
	[tilespmem:$0xC080] =	vst v63  }
0x21: {  	v3 =	vadd.s32 v1, v3  }
0x22: {  	[tilespmem:s10], [sflag:$0x1] =	stream.indirect_vreg.gather [hbm4b:s4+s2], $0x80, v4, vm0, $0xb8;
	[tilespmem:$0xC080] =	vst v63  }
0x23: {  	_ = 	snop  }
0x24: {  	[tilespmem:s11], [sflag:$0x1] =	stream.indirect_vreg.gather [hbm4b:s5+s2], $0x80, v4, vm0, $0xb8;
	[tilespmem:$0xC080] =	vst v63  }
0x25: {  	_ = 	snop  }
0x26: {  	[tilespmem:s12], [sflag:$0x1] =	stream.indirect_vreg.gather [hbm4b:s3+s2], $0x80, v3, vm0, $0xb8;
	[tilespmem:$0xC080] =	vst v63  }
0x27: {  	_ = 	snop  }
0x28: {  	[tilespmem:s13], [sflag:$0x1] =	stream.indirect_vreg.gather [hbm4b:s4+s2], $0x80, v3, vm0, $0xb8;
	[tilespmem:$0xC080] =	vst v63  }
0x29: {  	_ = 	snop  }
0x2a: {  	[tilespmem:s14], [sflag:$0x1] =	stream.indirect_vreg.gather [hbm4b:s5+s2], $0x80, v3, vm0, $0xb8;
	[tilespmem:$0xC080] =	vst v63  }
0x2b: {  	v3 =	vld [tilespmem:$0x10];
	_ =	sdelay $0x4  }
0x2c: {  	v57 =	vshrl.u32 v3, $0x3  }
0x2d: {  	v4 =	vmul.u32 $0x30, v57  }
0x2e: {  	v3 =	vand.u32 $0x7, v3  }
0x2f: {  	v3 =	vor.u32 v3, v4  }
0x30: {  	v4 =	vperm.xlane v3, v0;
	_ =	sdelay $0x1  }
0x31: {  	v4 =	vadd.s32 v1, v4;
	_ =	sdelay $0x3  }
0x32: {  	v3 =	vperm.xlane v3, v2  }
0x33: {  	[tilespmem:s15], [sflag:$0x1] =	stream.indirect_vreg.gather [hbm4b:s3+s2], $0x80, v4, vm0, $0xb8;
	[tilespmem:$0xC080] =	vst v63  }
0x34: {  	v3 =	vadd.s32 v1, v3  }
0x35: {  	[tilespmem:s16], [sflag:$0x1] =	stream.indirect_vreg.gather [hbm4b:s4+s2], $0x80, v4, vm0, $0xb8;
	[tilespmem:$0xC080] =	vst v63  }
0x36: {  	_ = 	snop  }
0x37: {  	[tilespmem:s17], [sflag:$0x1] =	stream.indirect_vreg.gather [hbm4b:s5+s2], $0x80, v4, vm0, $0xb8;
	[tilespmem:$0xC080] =	vst v63  }
0x38: {  	_ = 	snop  }
0x39: {  	[tilespmem:s18], [sflag:$0x1] =	stream.indirect_vreg.gather [hbm4b:s3+s2], $0x80, v3, vm0, $0xb8;
	[tilespmem:$0xC080] =	vst v63  }
0x3a: {  	_ = 	snop  }
0x3b: {  	[tilespmem:s19], [sflag:$0x1] =	stream.indirect_vreg.gather [hbm4b:s4+s2], $0x80, v3, vm0, $0xb8;
	[tilespmem:$0xC080] =	vst v63  }
0x3c: {  	_ = 	snop  }
0x3d: {  	[tilespmem:s20], [sflag:$0x1] =	stream.indirect_vreg.gather [hbm4b:s5+s2], $0x80, v3, vm0, $0xb8;
	[tilespmem:$0xC080] =	vst v63  }
0x3e: {  	v3 =	vld [tilespmem:$0x20];
	_ =	sdelay $0x4  }
0x3f: {  	v58 =	vshrl.u32 v3, $0x3  }
0x40: {  	v4 =	vmul.u32 $0x30, v58  }
0x41: {  	v3 =	vand.u32 $0x7, v3  }
0x42: {  	v3 =	vor.u32 v3, v4  }
0x43: {  	v4 =	vperm.xlane v3, v0;
	_ =	sdelay $0x1  }
0x44: {  	v4 =	vadd.s32 v1, v4;
	_ =	sdelay $0x3  }
0x45: {  	v3 =	vperm.xlane v3, v2  }
0x46: {  	[tilespmem:s21], [sflag:$0x1] =	stream.indirect_vreg.gather [hbm4b:s3+s2], $0x80, v4, vm0, $0xb8;
	[tilespmem:$0xC080] =	vst v63  }
0x47: {  	v3 =	vadd.s32 v1, v3  }
0x48: {  	[tilespmem:s22], [sflag:$0x1] =	stream.indirect_vreg.gather [hbm4b:s4+s2], $0x80, v4, vm0, $0xb8;
	[tilespmem:$0xC080] =	vst v63  }
0x49: {  	_ = 	snop  }
0x4a: {  	[tilespmem:s23], [sflag:$0x1] =	stream.indirect_vreg.gather [hbm4b:s5+s2], $0x80, v4, vm0, $0xb8;
	[tilespmem:$0xC080] =	vst v63  }
0x4b: {  	_ = 	snop  }
0x4c: {  	[tilespmem:s24], [sflag:$0x1] =	stream.indirect_vreg.gather [hbm4b:s3+s2], $0x80, v3, vm0, $0xb8;
	[tilespmem:$0xC080] =	vst v63  }
0x4d: {  	_ = 	snop  }
0x4e: {  	[tilespmem:s25], [sflag:$0x1] =	stream.indirect_vreg.gather [hbm4b:s4+s2], $0x80, v3, vm0, $0xb8;
	[tilespmem:$0xC080] =	vst v63  }
0x4f: {  	_ = 	snop  }
0x50: {  	[tilespmem:s26], [sflag:$0x1] =	stream.indirect_vreg.gather [hbm4b:s5+s2], $0x80, v3, vm0, $0xb8;
	[tilespmem:$0xC080] =	vst v63  }
0x51: {  	v3 =	vld [tilespmem:$0x30];
	_ =	sdelay $0x4  }
0x52: {  	v59 =	vshrl.u32 v3, $0x3  }
0x53: {  	v4 =	vmul.u32 $0x30, v59  }
0x54: {  	v3 =	vand.u32 $0x7, v3  }
0x55: {  	v3 =	vor.u32 v3, v4  }
0x56: {  	v4 =	vperm.xlane v3, v0;
	_ =	sdelay $0x1  }
0x57: {  	v4 =	vadd.s32 v1, v4;
	_ =	sdelay $0x3  }
0x58: {  	v3 =	vperm.xlane v3, v2  }
0x59: {  	[tilespmem:s28], [sflag:$0x1] =	stream.indirect_vreg.gather [hbm4b:s3+s2], $0x80, v4, vm0, $0xb8;
	[tilespmem:$0xC080] =	vst v63  }
0x5a: {  	v3 =	vadd.s32 v1, v3  }
0x5b: {  	[tilespmem:s29], [sflag:$0x1] =	stream.indirect_vreg.gather [hbm4b:s4+s2], $0x80, v4, vm0, $0xb8;
	[tilespmem:$0xC080] =	vst v63  }
0x5c: {  	_ = 	snop  }
0x5d: {  	[tilespmem:s30], [sflag:$0x1] =	stream.indirect_vreg.gather [hbm4b:s5+s2], $0x80, v4, vm0, $0xb8;
	[tilespmem:$0xC080] =	vst v63  }
0x5e: {  	_ = 	snop  }
0x5f: {  	[tilespmem:s31], [sflag:$0x1] =	stream.indirect_vreg.gather [hbm4b:s3+s2], $0x80, v3, vm0, $0xb8;
	[tilespmem:$0xC080] =	vst v63  }
0x60: {  	s8 =	simm.s32 $0xB080  }
0x61: {  	[tilespmem:s8], [sflag:$0x1] =	stream.indirect_vreg.gather [hbm4b:s4+s2], $0x80, v3, vm0, $0xb8;
	[tilespmem:$0xC080] =	vst v63  }
0x62: {  	s8 =	simm.s32 $0xB880  }
0x63: {  	[tilespmem:s8], [sflag:$0x1] =	stream.indirect_vreg.gather [hbm4b:s5+s2], $0x80, v3, vm0, $0xb8;
	[tilespmem:$0xC080] =	vst v63  }
0x64: {  	_ =	swait.ge [sflag:s0], $0xC000  }
0x65: {  	[sflag:s0] =	ssyncset.done $0x0  }
0x66: {  	s9 =	rddreg [dreg:$0x4];
	[sflag:s0] =	ssyncadd.s32 $0xFFFF4000  }
0x67: {  	[hbm4b:s9+s2] =	stream.linear.scatter [tilespmem:s1], [sflag:$0x2], $0xC000, $0x38;
	[tilespmem:$0xC080] =	vst v63  }
0x68: {  	_ =	swait.ge [sflag:s7], $0xC000  }
0x69: {  	[sflag:s7] =	ssyncset.done $0x0  }
0x6a: {  	s9 =	rddreg [dreg:$0x5];
	[sflag:s7] =	ssyncadd.s32 $0xFFFF4000  }
0x6b: {  	[tilespmem:s2], [sflag:$0x2] =	stream.linear.gather [hbm4b:s9+s2], $0x40, $0x38;
	[tilespmem:$0xC080] =	vst v63  }
0x6c: {  	_ =	swait.ge [sflag:s7], $0x40  }
0x6d: {  	[sflag:s7] =	ssyncset.done $0x0  }
0x6e: {  	[sflag:s7] =	ssyncadd.s32 $0xFFFFFFC0  }
0x6f: {  	v3 =	vld [tilespmem:$0x0];
	_ =	sdelay $0x4  }
0x70: {  	v60 =	vshrl.u32 v3, $0x3  }
0x71: {  	v4 =	vmul.u32 $0x30, v60  }
0x72: {  	v3 =	vand.u32 $0x7, v3  }
0x73: {  	v3 =	vor.u32 v3, v4  }
0x74: {  	v4 =	vperm.xlane v3, v0;
	_ =	sdelay $0x1  }
0x75: {  	v4 =	vadd.s32 v1, v4;
	_ =	sdelay $0x3  }
0x76: {  	v3 =	vperm.xlane v3, v2  }
0x77: {  	[tilespmem:s1], [sflag:$0x1] =	stream.indirect_vreg.gather [hbm4b:s3+s2], $0x80, v4, vm0, $0xb8;
	[tilespmem:$0xC080] =	vst v63  }
0x78: {  	v3 =	vadd.s32 v1, v3  }
0x79: {  	[tilespmem:s10], [sflag:$0x1] =	stream.indirect_vreg.gather [hbm4b:s4+s2], $0x80, v4, vm0, $0xb8;
	[tilespmem:$0xC080] =	vst v63  }
0x7a: {  	_ = 	snop  }
0x7b: {  	[tilespmem:s11], [sflag:$0x1] =	stream.indirect_vreg.gather [hbm4b:s5+s2], $0x80, v4, vm0, $0xb8;
	[tilespmem:$0xC080] =	vst v63  }
0x7c: {  	_ = 	snop  }
0x7d: {  	[tilespmem:s12], [sflag:$0x1] =	stream.indirect_vreg.gather [hbm4b:s3+s2], $0x80, v3, vm0, $0xb8;
	[tilespmem:$0xC080] =	vst v63  }
0x7e: {  	_ = 	snop  }
0x7f: {  	[tilespmem:s13], [sflag:$0x1] =	stream.indirect_vreg.gather [hbm4b:s4+s2], $0x80, v3, vm0, $0xb8;
	[tilespmem:$0xC080] =	vst v63  }
0x80: {  	_ = 	snop  }
0x81: {  	[tilespmem:s14], [sflag:$0x1] =	stream.indirect_vreg.gather [hbm4b:s5+s2], $0x80, v3, vm0, $0xb8;
	[tilespmem:$0xC080] =	vst v63  }
0x82: {  	v3 =	vld [tilespmem:$0x10];
	_ =	sdelay $0x4  }
0x83: {  	v61 =	vshrl.u32 v3, $0x3  }
0x84: {  	v4 =	vmul.u32 $0x30, v61  }
0x85: {  	v3 =	vand.u32 $0x7, v3  }
0x86: {  	v3 =	vor.u32 v3, v4  }
0x87: {  	v4 =	vperm.xlane v3, v0;
	_ =	sdelay $0x1  }
0x88: {  	v4 =	vadd.s32 v1, v4;
	_ =	sdelay $0x3  }
0x89: {  	v3 =	vperm.xlane v3, v2  }
0x8a: {  	[tilespmem:s15], [sflag:$0x1] =	stream.indirect_vreg.gather [hbm4b:s3+s2], $0x80, v4, vm0, $0xb8;
	[tilespmem:$0xC080] =	vst v63  }
0x8b: {  	v3 =	vadd.s32 v1, v3  }
0x8c: {  	[tilespmem:s16], [sflag:$0x1] =	stream.indirect_vreg.gather [hbm4b:s4+s2], $0x80, v4, vm0, $0xb8;
	[tilespmem:$0xC080] =	vst v63  }
0x8d: {  	_ = 	snop  }
0x8e: {  	[tilespmem:s17], [sflag:$0x1] =	stream.indirect_vreg.gather [hbm4b:s5+s2], $0x80, v4, vm0, $0xb8;
	[tilespmem:$0xC080] =	vst v63  }
0x8f: {  	_ = 	snop  }
0x90: {  	[tilespmem:s18], [sflag:$0x1] =	stream.indirect_vreg.gather [hbm4b:s3+s2], $0x80, v3, vm0, $0xb8;
	[tilespmem:$0xC080] =	vst v63  }
0x91: {  	_ = 	snop  }
0x92: {  	[tilespmem:s19], [sflag:$0x1] =	stream.indirect_vreg.gather [hbm4b:s4+s2], $0x80, v3, vm0, $0xb8;
	[tilespmem:$0xC080] =	vst v63  }
0x93: {  	_ = 	snop  }
0x94: {  	[tilespmem:s20], [sflag:$0x1] =	stream.indirect_vreg.gather [hbm4b:s5+s2], $0x80, v3, vm0, $0xb8;
	[tilespmem:$0xC080] =	vst v63  }
0x95: {  	v3 =	vld [tilespmem:$0x20];
	_ =	sdelay $0x4  }
0x96: {  	v62 =	vshrl.u32 v3, $0x3  }
0x97: {  	v4 =	vmul.u32 $0x30, v62  }
0x98: {  	v3 =	vand.u32 $0x7, v3  }
0x99: {  	v3 =	vor.u32 v3, v4  }
0x9a: {  	v4 =	vperm.xlane v3, v0;
	_ =	sdelay $0x1  }
0x9b: {  	v4 =	vadd.s32 v1, v4;
	_ =	sdelay $0x3  }
0x9c: {  	v3 =	vperm.xlane v3, v2  }
0x9d: {  	[tilespmem:s21], [sflag:$0x1] =	stream.indirect_vreg.gather [hbm4b:s3+s2], $0x80, v4, vm0, $0xb8;
	[tilespmem:$0xC080] =	vst v63  }
0x9e: {  	v3 =	vadd.s32 v1, v3  }
0x9f: {  	[tilespmem:s22], [sflag:$0x1] =	stream.indirect_vreg.gather [hbm4b:s4+s2], $0x80, v4, vm0, $0xb8;
	[tilespmem:$0xC080] =	vst v63  }
0xa0: {  	_ = 	snop  }
0xa1: {  	[tilespmem:s23], [sflag:$0x1] =	stream.indirect_vreg.gather [hbm4b:s5+s2], $0x80, v4, vm0, $0xb8;
	[tilespmem:$0xC080] =	vst v63  }
0xa2: {  	_ = 	snop  }
0xa3: {  	[tilespmem:s24], [sflag:$0x1] =	stream.indirect_vreg.gather [hbm4b:s3+s2], $0x80, v3, vm0, $0xb8;
	[tilespmem:$0xC080] =	vst v63  }
0xa4: {  	_ = 	snop  }
0xa5: {  	[tilespmem:s25], [sflag:$0x1] =	stream.indirect_vreg.gather [hbm4b:s4+s2], $0x80, v3, vm0, $0xb8;
	[tilespmem:$0xC080] =	vst v63  }
0xa6: {  	_ = 	snop  }
0xa7: {  	[tilespmem:s26], [sflag:$0x1] =	stream.indirect_vreg.gather [hbm4b:s5+s2], $0x80, v3, vm0, $0xb8;
	[tilespmem:$0xC080] =	vst v63  }
0xa8: {  	v3 =	vld [tilespmem:$0x30];
	_ =	sdelay $0x4  }
0xa9: {  	v63 =	vshrl.u32 v3, $0x3  }
0xaa: {  	v4 =	vmul.u32 $0x30, v63  }
0xab: {  	v3 =	vand.u32 $0x7, v3  }
0xac: {  	v3 =	vor.u32 v3, v4  }
0xad: {  	v4 =	vperm.xlane v3, v0;
	_ =	sdelay $0x1  }
0xae: {  	v4 =	vadd.s32 v1, v4;
	_ =	sdelay $0x3  }
0xaf: {  	v3 =	vperm.xlane v3, v2  }
0xb0: {  	[tilespmem:s28], [sflag:$0x1] =	stream.indirect_vreg.gather [hbm4b:s3+s2], $0x80, v4, vm0, $0xb8;
	[tilespmem:$0xC080] =	vst v63  }
0xb1: {  	v3 =	vadd.s32 v1, v3  }
0xb2: {  	[tilespmem:s29], [sflag:$0x1] =	stream.indirect_vreg.gather [hbm4b:s4+s2], $0x80, v4, vm0, $0xb8;
	[tilespmem:$0xC080] =	vst v63  }
0xb3: {  	_ = 	snop  }
0xb4: {  	[tilespmem:s30], [sflag:$0x1] =	stream.indirect_vreg.gather [hbm4b:s5+s2], $0x80, v4, vm0, $0xb8;
	[tilespmem:$0xC080] =	vst v63  }
0xb5: {  	_ = 	snop  }
0xb6: {  	[tilespmem:s31], [sflag:$0x1] =	stream.indirect_vreg.gather [hbm4b:s3+s2], $0x80, v3, vm0, $0xb8;
	[tilespmem:$0xC080] =	vst v63  }
0xb7: {  	s9 =	simm.s32 $0xB080  }
0xb8: {  	[tilespmem:s9], [sflag:$0x1] =	stream.indirect_vreg.gather [hbm4b:s4+s2], $0x80, v3, vm0, $0xb8;
	[tilespmem:$0xC080] =	vst v63  }
0xb9: {  	_ = 	snop  }
0xba: {  	[tilespmem:s8], [sflag:$0x1] =	stream.indirect_vreg.gather [hbm4b:s5+s2], $0x80, v3, vm0, $0xb8;
	[tilespmem:$0xC080] =	vst v63  }
0xbb: {  	_ =	swait.ge [sflag:s0], $0xC000  }
0xbc: {  	p0 =	sne.s32 s6, $0x1;
	[sflag:s0] =	ssyncset.done $0x0  }
.Ltmp0:
0xbd: {  	s8 =	rddreg [dreg:$0x6];
	[sflag:s0] =	ssyncadd.s32 $0xFFFF4000;
	(pc) =	sbr.rel @p0 .LBB2_1-.Ltmp0, $4  }
0xbe: {  	[hbm4b:s8+s2] =	stream.linear.scatter [tilespmem:s1], [sflag:$0x2], $0xC000, $0x38;
	[tilespmem:$0xC080] =	vst v63  }
0xbf: {  	_ =	swait.ge [sflag:s7], $0xC000  }
0xc0: {  	[sflag:s7] =	ssyncset.done $0x0  }
0xc1: {  	s6 =	sadd.s32 $0xFFFFFFFF, s6;
	[sflag:s7] =	ssyncadd.s32 $0xFFFF4000  }
0xc2: {  	_ =	sfence.sel $0x180000  }
0xc3: {  	[bflag:$0x0] =	sbarrier.arrive $0xFFFF  }
0xc4: {  	_ =	strace $0x9000004A  }
0xc5: {  	s0 =	stileid.u32;
	[bflag:$0x2] =	sbarrier.arrive $0xFFFF  }
0xc6: {  	p0 =	sne.s32 s0, $0x0;
	s0 =	rddreg [dreg:$0x2]  }
0xc7: {  	s0 =	sadd.s32 @!p0 $0x100000, s0  }
0xc8: {  	[sflag:s0] =	ssyncadd.tile.s32 @!p0 $0x1;
	_ =	shalt  }
.Lfunc_end2:
_tile_overlayer_lowered:
.L_overlay_start_2:
0xc9: {  	(tag) =	ssettag $0x2  }
0xca: {  	s0 =	rddreg [dreg:$0x0];
	s2 =	stileid.u32  }
0xcb: {  	s1 =	rddreg [dreg:$0x1];
	p0 =	sne.s32 s2, $0x0  }
0xcc: {  	s3 =	rddreg [dreg:$0x2];
	[bflag:$0x3] =	sbarrier.arrive $0xFFFF;
	s2 =	simm.s32 @!p0 $0x1C02  }
0xcd: {  	[timem:s3], [sflag:s2] =	dma.local @!p0 [hbm:s0], s1  }
0xce: {  	s0 =	simm.s32 @!p0 $0x2  }
0xcf: {  	_ =	swait.ge @!p0 [sflag:s0], s1  }
0xd0: {  	s1 =	ssub.s32 @!p0 $0x0, s1;
	[sflag:s0] =	ssyncset.done @!p0 $0x0  }
0xd1: {  	[sflag:s0] =	ssyncadd.s32 @!p0 s1  }
0xd2: {  	[bflag:$0x3] =	sbarrier.arrive $0xFFFF  }
0xd3: {  	_ =	shalt  }

// kernel: kernel.7.cloned.1.call-start
scs
__scs_entry_jumppad:
0x0: {  	(pc) =	sbr.rel $0x88, $3  }
0x1: {  	(tag) =	ssettag $0x0;
	lr =	simm.s32 $0x1  }
0x2: {  	[smem:$0x3F92] =	sst lr;
	_ =	strace $0xD0000000  }
0x3: {  	_ = 	snop  }
0x4: {  	_ = 	snop  }
0x5: {  	_ = 	snop  }
0x6: {  	_ = 	snop  }
0x7: {  	_ = 	snop  }
__scs_overlays_trampoline_lowered:
0x8: {  	[smem:$0x3FA1] =	sst s0  }
0x9: {  	[smem:$0x3FA2] =	sst s1  }
0xa: {  	[smem:$0x3FA3] =	sst s2  }
0xb: {  	[smem:$0x3FA4] =	sst s3  }
0xc: {  	[smem:$0x3FA5] =	sst s4  }
0xd: {  	[smem:$0x3FA6] =	sst s5  }
0xe: {  	[smem:$0x3FA7] =	sst s6  }
0xf: {  	[smem:$0x3FA8] =	sst s7  }
0x10: {  	[smem:$0x3FA9] =	sst s8  }
0x11: {  	[smem:$0x3FAA] =	sst s9;
	s0 =	simm.s32 @!p0 $0x0  }
0x12: {  	s1 =	sld [smem:$0x3F90];
	s0 =	simm.s32 @p0 $0x1  }
0x13: {  	[smem:$0x3FAB] =	sst s0;
	s0 =	simm.s32 @!p1 $0x0  }
0x14: {  	s2 =	sld [smem:$0x3F8F];
	s0 =	simm.s32 @p1 $0x1  }
0x15: {  	[smem:$0x3FAC] =	sst s0;
	s0 =	simm.s32 @!p2 $0x0  }
0x16: {  	s3 =	sld [smem:$0x3FDB];
	s0 =	simm.s32 @p2 $0x1  }
0x17: {  	s4 =	simm.s32 $0x1BF5;
	[smem:$0x3FAE] =	sst s0  }
0x18: {  	s0 =	sld [smem:$0x3F91];
	_ =	swait.ge [sflag:s4], $0x0  }
0x19: {  	s7 =	sld [smem:$0x3F92]  }
0x1a: {  	s8 =	sadd.s32 $0xFFFFE003, lr  }
0x1b: {  	s9 =	sadd.s32 $0xFFFFFEF7, lr;
	s5 =	simm.s32 $0xFFFFFFFF;
	p2 =	slt.u32 s8, $0xFFFFF086  }
0x1c: {  	p1 =	slt.u32 s9, $0xF7A;
	s5 =	simm.s32 @!p2 $0x0  }
0x1d: {  	s5 =	simm.s32 @p1 $0x1;
	p0 =	seq.s32 s7, s2  }
0x1e: {  	s7 =	smul.u32 @!p0 $0xF7A, s2;
	p2 =	seq.s32 @!p0 s5, $0x0  }
0x1f: {  	s9 =	smul.u32 $0xF7A, s1;
	s8 =	simm.s32 @!p0 $0x1BF5;
	p2 =	por !p2, p0  }
0x20: {  	[sflag:s8] =	ssyncset.s32 @!p0 $0xFFFFF086;
	s6 =	sadd.s32 @!p0 s3, s7;
	s7 =	simm.s32 @!p0 $0x108  }
0x21: {  	s3 =	sadd.s32 s3, s9;
	s6 =	sadd.s32 @!p0 $0x88, s6;
	s7 =	simm.s32 @p2 $0x1082  }
0x22: {  	[simem:s7], [sflag:s8] =	dma.local @!p0 [hbm:s6], $0xF7A  }
0x23: {  	s9 =	sor.u32 $0xD0000000, s2;
	s6 =	simm.s32 $0x108;
	_ =	swait.ge @!p0 [sflag:s8], $0x0  }
0x24: {  	s3 =	sadd.s32 $0x88, s3;
	s6 =	simm.s32 @!p1 $0x1082;
	[sflag:s4] =	ssyncset.s32 $0xFFFFF086  }
0x25: {  	[simem:s6], [sflag:s4] =	dma.local [hbm:s3], $0xF7A  }
0x26: {  	[smem:$0x3F92] =	sst s1;
	(tag) =	ssettag s2;
	_ =	strace s9  }
0x27: {  	s1 =	sld [smem:$0x3FA2]  }
0x28: {  	s2 =	sld [smem:$0x3FA3]  }
0x29: {  	s4 =	sld [smem:$0x3FA5]  }
0x2a: {  	p0 =	seq.s32 s5, $0x0;
	s5 =	sld [smem:$0x3FA6]  }
0x2b: {  	s6 =	sld [smem:$0x3FA7]  }
0x2c: {  	s7 =	sld [smem:$0x3FA8]  }
0x2d: {  	s3 =	simm.s32 $0x108;
	s8 =	sld [smem:$0x3FA9]  }
0x2e: {  	s3 =	simm.s32 @!p0 $0x1082;
	s9 =	sld [smem:$0x3FAA]  }
0x2f: {  	lr =	sadd.s32 s0, s3;
	s0 =	sld [smem:$0x3FA1]  }
0x30: {  	s3 =	sld [smem:$0x3FA4]  }
0x31: {  	[smem:$0x3FAD] =	sst s10  }
0x32: {  	s10 =	sld [smem:$0x3FAB];
	_ =	sdelay $0x3  }
0x33: {  	p0 =	seq.s32 s10, $0x1;
	s10 =	sld [smem:$0x3FAD];
	_ =	sdelay $0x3  }
0x34: {  	[smem:$0x3FAD] =	sst s10  }
0x35: {  	s10 =	sld [smem:$0x3FAC];
	_ =	sdelay $0x3  }
0x36: {  	p1 =	seq.s32 s10, $0x1;
	s10 =	sld [smem:$0x3FAD];
	_ =	sdelay $0x3  }
0x37: {  	[smem:$0x3FAD] =	sst s10  }
0x38: {  	s10 =	sld [smem:$0x3FAE]  }
0x39: {  	_ = 	snop;
	(pc) =	sbr.ind lr, $3  }
0x3a: {  	_ = 	snop  }
0x3b: {  	_ = 	snop  }
0x3c: {  	p2 =	seq.s32 s10, $0x1;
	s10 =	sld [smem:$0x3FAD]  }
0x3d: {  	_ =	shalt  }
0x3e: {  	_ =	shalt  }
0x3f: {  	_ =	shalt  }
0x40: {  	_ =	shalt  }
0x41: {  	_ =	shalt  }
0x42: {  	_ =	shalt  }
0x43: {  	_ =	shalt  }
0x44: {  	_ =	shalt  }
0x45: {  	_ =	shalt  }
0x46: {  	_ =	shalt  }
0x47: {  	_ =	shalt  }
0x48: {  	_ =	shalt  }
0x49: {  	_ =	shalt  }
0x4a: {  	_ =	shalt  }
0x4b: {  	_ =	shalt  }
0x4c: {  	_ =	shalt  }
0x4d: {  	_ =	shalt  }
0x4e: {  	_ =	shalt  }
0x4f: {  	_ =	shalt  }
0x50: {  	_ =	shalt  }
0x51: {  	_ =	shalt  }
0x52: {  	_ =	shalt  }
0x53: {  	_ =	shalt  }
0x54: {  	_ =	shalt  }
0x55: {  	_ =	shalt  }
0x56: {  	_ =	shalt  }
0x57: {  	_ =	shalt  }
0x58: {  	_ =	shalt  }
0x59: {  	_ =	shalt  }
0x5a: {  	_ =	shalt  }
0x5b: {  	_ =	shalt  }
0x5c: {  	_ =	shalt  }
0x5d: {  	_ =	shalt  }
0x5e: {  	_ =	shalt  }
0x5f: {  	_ =	shalt  }
0x60: {  	_ =	shalt  }
0x61: {  	_ =	shalt  }
0x62: {  	_ =	shalt  }
0x63: {  	_ =	shalt  }
0x64: {  	_ =	shalt  }
0x65: {  	_ =	shalt  }
0x66: {  	_ =	shalt  }
0x67: {  	_ =	shalt  }
0x68: {  	_ =	shalt  }
0x69: {  	_ =	shalt  }
0x6a: {  	_ =	shalt  }
0x6b: {  	_ =	shalt  }
0x6c: {  	_ =	shalt  }
0x6d: {  	_ =	shalt  }
0x6e: {  	_ =	shalt  }
0x6f: {  	_ =	shalt  }
0x70: {  	_ =	shalt  }
0x71: {  	_ =	shalt  }
0x72: {  	_ =	shalt  }
0x73: {  	_ =	shalt  }
0x74: {  	_ =	shalt  }
0x75: {  	_ =	shalt  }
0x76: {  	_ =	shalt  }
0x77: {  	_ =	shalt  }
0x78: {  	_ =	shalt  }
0x79: {  	_ =	shalt  }
0x7a: {  	_ =	shalt  }
0x7b: {  	_ =	shalt  }
0x7c: {  	_ =	shalt  }
0x7d: {  	_ =	shalt  }
0x7e: {  	_ =	shalt  }
0x7f: {  	_ =	shalt  }
0x80: {  	_ =	shalt  }
0x81: {  	_ =	shalt  }
0x82: {  	_ =	shalt  }
0x83: {  	_ =	shalt  }
0x84: {  	_ =	shalt  }
0x85: {  	_ =	shalt  }
0x86: {  	_ =	shalt  }
0x87: {  	_ =	shalt  }
.Lfunc_end0:
.L_simem_size_0:
called_computation_lowered:
.L_overlay_start_0:
0x88: {  	s2 =	sld [smem:$0x3FD9]  }
0x89: {  	s3 =	sld [smem:$0x3FFE];
	_ =	sdelay $0x1  }
0x8a: {  	s1 =	srdreg.scid  }
0x8b: {  	s0 =	sand.u32 $0x1, s1  }
0x8c: {  	s14 =	sshll.u32 s0, $0xA;
	s2 =	sadd.s32 s3, s2  }
0x8d: {  	s2 =	sadd.s32 s2, s14  }
0x8e: {  	[smem:$0x3FB9] =	sst s2  }
0x8f: {  	_ = 	snop  }
0x90: {  	s2 =	sld [smem:$0x3FD0];
	_ =	sdelay $0x2  }
0x91: {  	s15 =	simm.s32 $0xA;
	s4 =	simm.s32 $0x10  }
0x92: {  	[smem:s4], [sflag:s15] =	dma.local [hbm:s2], $0x1  }
0x93: {  	_ =	swait.eq [sflag:s15], $0x1  }
0x94: {  	[sflag:s15] =	ssyncset.done $0x0  }
0x95: {  	[sflag:s15] =	ssyncadd.s32 $0xFFFFFFFF  }
0x96: {  	s16 =	sld [smem:$0x10];
	(tm) =	ssettm $0x1  }
0x97: {  	s17 =	sld [smem:$0x3FFB];
	_ =	sdelay $0x3  }
0x98: {  	_ =	strace s17  }
0x99: {  	s3 =	sld [smem:$0x3FFC];
	_ =	sdelay $0x3  }
0x9a: {  	_ =	strace s3  }
0x9b: {  	s3 =	sld [smem:$0x3FFD];
	_ =	sdelay $0x3  }
0x9c: {  	_ =	strace s3  }
0x9d: {  	_ =	strace $0x8FFFFFFF  }
0x9e: {  	s18 =	sld [smem:$0x3FDB];
	_ =	sdelay $0x1  }
0x9f: {  	s19 =	simm.s32 $_scs_section_size  }
0xa0: {  	s5 =	simm.s32 $_size__tile_overlayer_lowered;
	s6 =	simm.s32 $_tile_overlayer_lowered  }
0xa1: {  	s22 =	simm.s32 $0x1BFF;
	s21 =	sshll.u32 s6, $0x1;
	s3 =	sadd.s32 s19, s18  }
0xa2: {  	s7 =	simm.s32 $0x0;
	s20 =	sshll.u32 s5, $0x1;
	s5 =	sadd.s32 s21, s3  }
0xa3: {  	[timem:s7], [sflag:s22] =	dma.local [hbm:s5], s20  }
0xa4: {  	_ =	swait.ge [sflag:s22], s20  }
0xa5: {  	s4 =	ssub.s32 $0x0, s20;
	[sflag:s22] =	ssyncset.done $0x0  }
0xa6: {  	[sflag:s22] =	ssyncadd.s32 s4;
	_ =	sdelay $0x1  }
0xa7: {  	s23 =	simm.s32 $0x1B8B  }
0xa8: {  	_ =	swait.ge [sflag:s23], $0x1  }
0xa9: {  	[sflag:s23] =	ssyncset.done $0x0  }
0xaa: {  	s25 =	simm.s32 $0x1B8E;
	s24 =	sld [smem:$0x3FFE];
	[sflag:s23] =	ssyncadd.s32 $0xFFFFFFFF  }
0xab: {  	s26 =	simm.s32 $execute0_lowered;
	[smem:$0x3FD2] =	sst s25  }
0xac: {  	s5 =	sshll.u32 s26, $0x1;
	_ =	strace $0x80000046;
	[dreg:$0x1] =	wrdreg $0xFFFFFFFF  }
0xad: {  	s28 =	simm.s32 $_size_execute0_lowered;
	s3 =	sadd.s32 s3, s5;
	[dreg:$0x0] =	wrdreg $0x0  }
0xae: {  	s5 =	sshll.u32 s28, $0x1;
	[dreg:$0x2] =	wrdreg s3  }
0xaf: {  	[dreg:$0x3] =	wrdreg s5  }
0xb0: {  	[dreg:$0x4] =	wrdreg $0xC0  }
0xb1: {  	_ =	task [dreg:s7], $0x5FFFF  }
0xb2: {  	[dreg:$0x1] =	wrdreg $0xFFFFFFFF  }
0xb3: {  	[dreg:$0x0] =	wrdreg $0x60  }
0xb4: {  	[dreg:$0x2] =	wrdreg s24  }
0xb5: {  	[dreg:$0x3] =	wrdreg s16  }
0xb6: {  	[dreg:$0x4] =	wrdreg $0x9  }
0xb7: {  	_ =	task.clear_ibuf [dreg:s7], $0x5FFFF;
	_ =	strace $0x90000046  }
0xb8: {  	s29 =	simm.s32 $0x9;
	_ =	strace $0x80000048  }
0xb9: {  	_ =	swait.ge [sflag:s29], $0x1  }
0xba: {  	[sflag:s29] =	ssyncadd.s32 $0xFFFFFFFF  }
0xbb: {  	_ =	strace $0x90000048  }
0xbc: {  	_ =	sfence  }
0xbd: {  	s30 =	sld [smem:$0x0];
	_ =	sdelay $0x2  }
0xbe: {  	s31 =	sshll.u32 s1, $0xD;
	s1 =	sshrl.u32 s1, $0x2  }
0xbf: {  	s3 =	sand.u32 $0x4000, s31;
	s1 =	sadd.s32 s1, s30  }
0xc0: {  	s0 =	sor.u32 s3, s0;
	s1 =	sshll.u32 s1, $0x11  }
0xc1: {  	s0 =	sor.u32 s1, s0  }
0xc2: {  	s0 =	sadd.s32 $0x8F2B, s0  }
0xc3: {  	[sflag:s0] =	ssyncadd.remote.s32 $0x1  }
0xc4: {  	_ =	sfence.sel $0xFFFF  }
0xc5: {  	[dreg:$0x0] =	wrdreg $0xFFFFFFFF;
	(pc) =	sbr.abs _section_cstart, $3  }
0xc6: {  	[dreg:$0x1] =	wrdreg $0xFFFFFFFF  }
0xc7: {  	_ =	task.clear_ibuf [dreg:s7], $0x2FFFF;
	_ =	strace $0x9FFFFFFF  }
0xc8: {  	(tm) =	ssettm $0x7FFFFFFF  }
0xc9: {  	_ =	shalt  }
tec
execute0_lowered:
.L_overlay_start_1:
0x0: {  	(tag) =	ssettag $0x1  }
0x1: {  	s1 =	srdreg.scid  }
0x2: {  	s0 =	stileid.u32;
	s1 =	sand.u32 $0x1, s1  }
0x3: {  	s5 =	rddreg [dreg:$0x0];
	s2 =	sshll.u32 s0, $0x5;
	s3 =	sshll.u32 s1, $0x4  }
0x4: {  	s4 =	rddreg [dreg:$0x1];
	s3 =	sor.u32 s3, s2;
	s2 =	simm.s32 $0x0  }
0x5: {  	s25 =	simm.s32 $0x880;
	[smem:$0x7FF] =	sst s2  }
0x6: {  	s26 =	simm.s32 $0x1080;
	_ =	strace $0x80000047;
	[dreg:$0x5] =	wrdreg s25  }
0x7: {  	s0 =	simm.s32 $0x1880;
	[dreg:$0x6] =	wrdreg s26  }
0x8: {  	s7 =	simm.s32 $0x3080;
	[dreg:$0x7] =	wrdreg s0  }
0x9: {  	s8 =	simm.s32 $0x3880;
	[dreg:$0xa] =	wrdreg s7  }
0xa: {  	s9 =	simm.s32 $0x4080;
	[dreg:$0xb] =	wrdreg s8  }
0xb: {  	s10 =	simm.s32 $0x4880;
	[dreg:$0xc] =	wrdreg s9  }
0xc: {  	s11 =	simm.s32 $0x5080;
	s12 =	simm.s32 $0x5880;
	[dreg:$0xd] =	wrdreg s10  }
0xd: {  	s13 =	simm.s32 $0x6080;
	s14 =	simm.s32 $0x6880;
	[dreg:$0xe] =	wrdreg s11  }
0xe: {  	s15 =	simm.s32 $0x7080;
	s16 =	simm.s32 $0x7880;
	[dreg:$0xf] =	wrdreg s12  }
0xf: {  	s17 =	simm.s32 $0x8080;
	s18 =	simm.s32 $0x8880;
	[dreg:$0x10] =	wrdreg s13  }
0x10: {  	s19 =	simm.s32 $0x9080;
	s21 =	simm.s32 $0x9880;
	[dreg:$0x11] =	wrdreg s14  }
0x11: {  	s22 =	simm.s32 $0xA080;
	s23 =	simm.s32 $0xA880;
	[dreg:$0x12] =	wrdreg s15  }
0x12: {  	s28 =	simm.s32 $0x16080;
	s29 =	simm.s32 $0x16880;
	[dreg:$0x13] =	wrdreg s16  }
0x13: {  	s30 =	simm.s32 $0x17080;
	s1 =	ssub.s32 $0x2, s1;
	[dreg:$0x14] =	wrdreg s17  }
0x14: {  	s31 =	simm.s32 $0x17880;
	s20 =	sshrl.u32 s1, $0x1;
	[dreg:$0x15] =	wrdreg s18  }
0x15: {  	s6 =	sand.u32 $0xF0, s3;
	s3 =	sadd.s32 s3, s5;
	[dreg:$0x16] =	wrdreg s19  }
0x16: {  	s1 =	ssub.s32 s1, s20;
	s20 =	simm.s32 $0x12880;
	[dreg:$0x17] =	wrdreg s21  }
0x17: {  	s6 =	smul.u32 $0x300, s6;
	s3 =	sadd.s32 $0x2C00, s3;
	[dreg:$0x18] =	wrdreg s22  }
0x18: {  	[dreg:$0x19] =	wrdreg s23;
	s7 =	simm.s32 $0xB080;
	s25 =	simm.s32 $0xC080  }
0x19: {  	s8 =	simm.s32 $0x80;
	s26 =	simm.s32 $0xC880;
	s10 =	simm.s32 $0xD880  }
0x1a: {  	s11 =	simm.s32 $0xE080;
	s12 =	simm.s32 $0xE880;
	s13 =	simm.s32 $0xF080  }
0x1b: {  	s14 =	simm.s32 $0xF880;
	s15 =	simm.s32 $0x10080;
	s16 =	simm.s32 $0x10880  }
0x1c: {  	s17 =	simm.s32 $0x11080;
	s18 =	simm.s32 $0x11880;
	[dreg:$0x3] =	wrdreg s3  }
0x1d: {  	s19 =	simm.s32 $0x12080;
	s21 =	simm.s32 $0x13080;
	[dreg:$0x1a] =	wrdreg s7  }
0x1e: {  	s22 =	simm.s32 $0x13880;
	s23 =	simm.s32 $0x14080;
	[dreg:$0x1c] =	wrdreg s25  }
0x1f: {  	s3 =	sadd.s32 $0x2E00, s5;
	[dreg:$0x1d] =	wrdreg s26;
	s24 =	sadd.s32 s4, s6  }
0x20: {  	s7 =	simm.s32 $0x2;
	s4 =	simm.s32 $0x2080;
	[dreg:$0x4] =	wrdreg s24  }
0x21: {  	s25 =	simm.s32 $0x15080;
	s6 =	simm.s32 $0x2880;
	[dreg:$0x8] =	wrdreg s4  }
0x22: {  	v2 =	vlaneseq.u32;
	s26 =	simm.s32 $0x15880;
	[dreg:$0x9] =	wrdreg s6;
	s4 =	sadd.s32 $0x2F00, s5  }
0x23: {  	vm0 =	vmmov $0xffff;
	v1 =	vshrl.u32 v2, $0x3;
	s5 =	sadd.s32 $0x3000, s5;
	s6 =	smax.u32 s1, $0x1;
	s24 =	simm.s32 $0xB880  }
0x24: {  	v0 =	vand.u32 $0x7, v2;
	v2 =	vor.u32 $0x8, v2;
	v1 =	vmul.u32 $0x8, v1;
	s1 =	simm.s32 $0x1;
	[dreg:$0x1b] =	wrdreg s24;
	s24 =	simm.s32 $0x14880  }
.LBB2_1:
0x25: {  	s0 =	rddreg [dreg:$0x3]  }
0x26: {  	[tilespmem:s2], [sflag:$0x2] =	stream.linear.gather [hbm4b:s0+s2], $0x80, $0x38;
	[tilespmem:$0x18080] =	vst v63  }
0x27: {  	_ =	swait.ge [sflag:s7], $0x80  }
0x28: {  	[sflag:s7] =	ssyncset.done $0x0  }
0x29: {  	s9 =	rddreg [dreg:$0x4];
	[sflag:s7] =	ssyncadd.s32 $0xFFFFFF80  }
0x2a: {  	[tilespmem:s8], [sflag:$0x2] =	stream.linear.gather [hbm4b:s9+s2], $0x18000, $0x38;
	[tilespmem:$0x18080] =	vst v63  }
0x2b: {  	_ =	swait.ge [sflag:s7], $0x18000  }
0x2c: {  	[sflag:s7] =	ssyncset.done $0x0  }
0x2d: {  	[sflag:s7] =	ssyncadd.s32 $0xFFFE8000  }
0x2e: {  	v3 =	vld [tilespmem:$0x0];
	_ =	sdelay $0x4  }
0x2f: {  	v4 =	vshrl.u32 v3, $0x3  }
0x30: {  	v4 =	vmul.u32 $0x30, v4  }
0x31: {  	v3 =	vand.u32 $0x7, v3  }
0x32: {  	v3 =	vor.u32 v3, v4  }
0x33: {  	v4 =	vperm.xlane v3, v0;
	_ =	sdelay $0x1  }
0x34: {  	v4 =	vadd.s32 v1, v4;
	_ =	sdelay $0x3  }
0x35: {  	v3 =	vperm.xlane v3, v2  }
0x36: {  	[hbm4b:s3+s2] =	stream.indirect_vreg.scatter [tilespmem:s8], [sflag:$0x1], $0x80, v4, vm0, $0xb8;
	[tilespmem:$0x18080] =	vst v63  }
0x37: {  	s0 =	rddreg [dreg:$0x5];
	v3 =	vadd.s32 v1, v3  }
0x38: {  	[hbm4b:s4+s2] =	stream.indirect_vreg.scatter [tilespmem:s0], [sflag:$0x1], $0x80, v4, vm0, $0xb8;
	[tilespmem:$0x18080] =	vst v63  }
0x39: {  	s9 =	rddreg [dreg:$0x6]  }
0x3a: {  	[hbm4b:s5+s2] =	stream.indirect_vreg.scatter [tilespmem:s9], [sflag:$0x1], $0x80, v4, vm0, $0xb8;
	[tilespmem:$0x18080] =	vst v63  }
0x3b: {  	s0 =	rddreg [dreg:$0x7]  }
0x3c: {  	[hbm4b:s3+s2] =	stream.indirect_vreg.scatter [tilespmem:s0], [sflag:$0x1], $0x80, v3, vm0, $0xb8;
	[tilespmem:$0x18080] =	vst v63  }
0x3d: {  	s9 =	rddreg [dreg:$0x8]  }
0x3e: {  	[hbm4b:s4+s2] =	stream.indirect_vreg.scatter [tilespmem:s9], [sflag:$0x1], $0x80, v3, vm0, $0xb8;
	[tilespmem:$0x18080] =	vst v63  }
0x3f: {  	s0 =	rddreg [dreg:$0x9]  }
0x40: {  	[hbm4b:s5+s2] =	stream.indirect_vreg.scatter [tilespmem:s0], [sflag:$0x1], $0x80, v3, vm0, $0xb8;
	[tilespmem:$0x18080] =	vst v63  }
0x41: {  	v3 =	vld [tilespmem:$0x10];
	_ =	sdelay $0x4  }
0x42: {  	v57 =	vshrl.u32 v3, $0x3  }
0x43: {  	v4 =	vmul.u32 $0x30, v57  }
0x44: {  	v3 =	vand.u32 $0x7, v3  }
0x45: {  	v3 =	vor.u32 v3, v4  }
0x46: {  	v4 =	vperm.xlane v3, v0;
	_ =	sdelay $0x1  }
0x47: {  	v4 =	vadd.s32 v1, v4;
	_ =	sdelay $0x3  }
0x48: {  	s0 =	rddreg [dreg:$0xa];
	v3 =	vperm.xlane v3, v2  }
0x49: {  	[hbm4b:s3+s2] =	stream.indirect_vreg.scatter [tilespmem:s0], [sflag:$0x1], $0x80, v4, vm0, $0xb8;
	[tilespmem:$0x18080] =	vst v63  }
0x4a: {  	s9 =	rddreg [dreg:$0xb];
	v3 =	vadd.s32 v1, v3  }
0x4b: {  	[hbm4b:s4+s2] =	stream.indirect_vreg.scatter [tilespmem:s9], [sflag:$0x1], $0x80, v4, vm0, $0xb8;
	[tilespmem:$0x18080] =	vst v63  }
0x4c: {  	s0 =	rddreg [dreg:$0xc]  }
0x4d: {  	[hbm4b:s5+s2] =	stream.indirect_vreg.scatter [tilespmem:s0], [sflag:$0x1], $0x80, v4, vm0, $0xb8;
	[tilespmem:$0x18080] =	vst v63  }
0x4e: {  	s9 =	rddreg [dreg:$0xd]  }
0x4f: {  	[hbm4b:s3+s2] =	stream.indirect_vreg.scatter [tilespmem:s9], [sflag:$0x1], $0x80, v3, vm0, $0xb8;
	[tilespmem:$0x18080] =	vst v63  }
0x50: {  	s0 =	rddreg [dreg:$0xe]  }
0x51: {  	[hbm4b:s4+s2] =	stream.indirect_vreg.scatter [tilespmem:s0], [sflag:$0x1], $0x80, v3, vm0, $0xb8;
	[tilespmem:$0x18080] =	vst v63  }
0x52: {  	s9 =	rddreg [dreg:$0xf]  }
0x53: {  	[hbm4b:s5+s2] =	stream.indirect_vreg.scatter [tilespmem:s9], [sflag:$0x1], $0x80, v3, vm0, $0xb8;
	[tilespmem:$0x18080] =	vst v63  }
0x54: {  	v3 =	vld [tilespmem:$0x20];
	_ =	sdelay $0x4  }
0x55: {  	v58 =	vshrl.u32 v3, $0x3  }
0x56: {  	v4 =	vmul.u32 $0x30, v58  }
0x57: {  	v3 =	vand.u32 $0x7, v3  }
0x58: {  	v3 =	vor.u32 v3, v4  }
0x59: {  	v4 =	vperm.xlane v3, v0;
	_ =	sdelay $0x1  }
0x5a: {  	v4 =	vadd.s32 v1, v4;
	_ =	sdelay $0x3  }
0x5b: {  	s0 =	rddreg [dreg:$0x10];
	v3 =	vperm.xlane v3, v2  }
0x5c: {  	[hbm4b:s3+s2] =	stream.indirect_vreg.scatter [tilespmem:s0], [sflag:$0x1], $0x80, v4, vm0, $0xb8;
	[tilespmem:$0x18080] =	vst v63  }
0x5d: {  	s9 =	rddreg [dreg:$0x11];
	v3 =	vadd.s32 v1, v3  }
0x5e: {  	[hbm4b:s4+s2] =	stream.indirect_vreg.scatter [tilespmem:s9], [sflag:$0x1], $0x80, v4, vm0, $0xb8;
	[tilespmem:$0x18080] =	vst v63  }
0x5f: {  	s0 =	rddreg [dreg:$0x12]  }
0x60: {  	[hbm4b:s5+s2] =	stream.indirect_vreg.scatter [tilespmem:s0], [sflag:$0x1], $0x80, v4, vm0, $0xb8;
	[tilespmem:$0x18080] =	vst v63  }
0x61: {  	s9 =	rddreg [dreg:$0x13]  }
0x62: {  	[hbm4b:s3+s2] =	stream.indirect_vreg.scatter [tilespmem:s9], [sflag:$0x1], $0x80, v3, vm0, $0xb8;
	[tilespmem:$0x18080] =	vst v63  }
0x63: {  	s0 =	rddreg [dreg:$0x14]  }
0x64: {  	[hbm4b:s4+s2] =	stream.indirect_vreg.scatter [tilespmem:s0], [sflag:$0x1], $0x80, v3, vm0, $0xb8;
	[tilespmem:$0x18080] =	vst v63  }
0x65: {  	s9 =	rddreg [dreg:$0x15]  }
0x66: {  	[hbm4b:s5+s2] =	stream.indirect_vreg.scatter [tilespmem:s9], [sflag:$0x1], $0x80, v3, vm0, $0xb8;
	[tilespmem:$0x18080] =	vst v63  }
0x67: {  	v3 =	vld [tilespmem:$0x30];
	_ =	sdelay $0x4  }
0x68: {  	v59 =	vshrl.u32 v3, $0x3  }
0x69: {  	v4 =	vmul.u32 $0x30, v59  }
0x6a: {  	v3 =	vand.u32 $0x7, v3  }
0x6b: {  	v3 =	vor.u32 v3, v4  }
0x6c: {  	v4 =	vperm.xlane v3, v0;
	_ =	sdelay $0x1  }
0x6d: {  	v4 =	vadd.s32 v1, v4;
	_ =	sdelay $0x3  }
0x6e: {  	s0 =	rddreg [dreg:$0x16];
	v3 =	vperm.xlane v3, v2  }
0x6f: {  	[hbm4b:s3+s2] =	stream.indirect_vreg.scatter [tilespmem:s0], [sflag:$0x1], $0x80, v4, vm0, $0xb8;
	[tilespmem:$0x18080] =	vst v63  }
0x70: {  	s9 =	rddreg [dreg:$0x17];
	v3 =	vadd.s32 v1, v3  }
0x71: {  	[hbm4b:s4+s2] =	stream.indirect_vreg.scatter [tilespmem:s9], [sflag:$0x1], $0x80, v4, vm0, $0xb8;
	[tilespmem:$0x18080] =	vst v63  }
0x72: {  	s0 =	rddreg [dreg:$0x18]  }
0x73: {  	[hbm4b:s5+s2] =	stream.indirect_vreg.scatter [tilespmem:s0], [sflag:$0x1], $0x80, v4, vm0, $0xb8;
	[tilespmem:$0x18080] =	vst v63  }
0x74: {  	s9 =	rddreg [dreg:$0x19]  }
0x75: {  	[hbm4b:s3+s2] =	stream.indirect_vreg.scatter [tilespmem:s9], [sflag:$0x1], $0x80, v3, vm0, $0xb8;
	[tilespmem:$0x18080] =	vst v63  }
0x76: {  	s0 =	rddreg [dreg:$0x1a]  }
0x77: {  	[hbm4b:s4+s2] =	stream.indirect_vreg.scatter [tilespmem:s0], [sflag:$0x1], $0x80, v3, vm0, $0xb8;
	[tilespmem:$0x18080] =	vst v63  }
0x78: {  	s9 =	rddreg [dreg:$0x1b]  }
0x79: {  	[hbm4b:s5+s2] =	stream.indirect_vreg.scatter [tilespmem:s9], [sflag:$0x1], $0x80, v3, vm0, $0xb8;
	[tilespmem:$0x18080] =	vst v63  }
0x7a: {  	v3 =	vld [tilespmem:$0x40];
	_ =	sdelay $0x4  }
0x7b: {  	v60 =	vshrl.u32 v3, $0x3  }
0x7c: {  	v4 =	vmul.u32 $0x30, v60  }
0x7d: {  	v3 =	vand.u32 $0x7, v3  }
0x7e: {  	v3 =	vor.u32 v3, v4  }
0x7f: {  	v4 =	vperm.xlane v3, v0;
	_ =	sdelay $0x1  }
0x80: {  	v4 =	vadd.s32 v1, v4;
	_ =	sdelay $0x3  }
0x81: {  	s0 =	rddreg [dreg:$0x1c];
	v3 =	vperm.xlane v3, v2  }
0x82: {  	[hbm4b:s3+s2] =	stream.indirect_vreg.scatter [tilespmem:s0], [sflag:$0x1], $0x80, v4, vm0, $0xb8;
	[tilespmem:$0x18080] =	vst v63  }
0x83: {  	s9 =	rddreg [dreg:$0x1d];
	v3 =	vadd.s32 v1, v3  }
0x84: {  	[hbm4b:s4+s2] =	stream.indirect_vreg.scatter [tilespmem:s9], [sflag:$0x1], $0x80, v4, vm0, $0xb8;
	[tilespmem:$0x18080] =	vst v63  }
0x85: {  	s9 =	simm.s32 $0xD080  }
0x86: {  	[hbm4b:s5+s2] =	stream.indirect_vreg.scatter [tilespmem:s9], [sflag:$0x1], $0x80, v4, vm0, $0xb8;
	[tilespmem:$0x18080] =	vst v63  }
0x87: {  	_ = 	snop  }
0x88: {  	[hbm4b:s3+s2] =	stream.indirect_vreg.scatter [tilespmem:s10], [sflag:$0x1], $0x80, v3, vm0, $0xb8;
	[tilespmem:$0x18080] =	vst v63  }
0x89: {  	_ = 	snop  }
0x8a: {  	[hbm4b:s4+s2] =	stream.indirect_vreg.scatter [tilespmem:s11], [sflag:$0x1], $0x80, v3, vm0, $0xb8;
	[tilespmem:$0x18080] =	vst v63  }
0x8b: {  	_ = 	snop  }
0x8c: {  	[hbm4b:s5+s2] =	stream.indirect_vreg.scatter [tilespmem:s12], [sflag:$0x1], $0x80, v3, vm0, $0xb8;
	[tilespmem:$0x18080] =	vst v63  }
0x8d: {  	v3 =	vld [tilespmem:$0x50];
	_ =	sdelay $0x4  }
0x8e: {  	v61 =	vshrl.u32 v3, $0x3  }
0x8f: {  	v4 =	vmul.u32 $0x30, v61  }
0x90: {  	v3 =	vand.u32 $0x7, v3  }
0x91: {  	v3 =	vor.u32 v3, v4  }
0x92: {  	v4 =	vperm.xlane v3, v0;
	_ =	sdelay $0x1  }
0x93: {  	v4 =	vadd.s32 v1, v4;
	_ =	sdelay $0x3  }
0x94: {  	v3 =	vperm.xlane v3, v2  }
0x95: {  	[hbm4b:s3+s2] =	stream.indirect_vreg.scatter [tilespmem:s13], [sflag:$0x1], $0x80, v4, vm0, $0xb8;
	[tilespmem:$0x18080] =	vst v63  }
0x96: {  	v3 =	vadd.s32 v1, v3  }
0x97: {  	[hbm4b:s4+s2] =	stream.indirect_vreg.scatter [tilespmem:s14], [sflag:$0x1], $0x80, v4, vm0, $0xb8;
	[tilespmem:$0x18080] =	vst v63  }
0x98: {  	_ = 	snop  }
0x99: {  	[hbm4b:s5+s2] =	stream.indirect_vreg.scatter [tilespmem:s15], [sflag:$0x1], $0x80, v4, vm0, $0xb8;
	[tilespmem:$0x18080] =	vst v63  }
0x9a: {  	_ = 	snop  }
0x9b: {  	[hbm4b:s3+s2] =	stream.indirect_vreg.scatter [tilespmem:s16], [sflag:$0x1], $0x80, v3, vm0, $0xb8;
	[tilespmem:$0x18080] =	vst v63  }
0x9c: {  	_ = 	snop  }
0x9d: {  	[hbm4b:s4+s2] =	stream.indirect_vreg.scatter [tilespmem:s17], [sflag:$0x1], $0x80, v3, vm0, $0xb8;
	[tilespmem:$0x18080] =	vst v63  }
0x9e: {  	_ = 	snop  }
0x9f: {  	[hbm4b:s5+s2] =	stream.indirect_vreg.scatter [tilespmem:s18], [sflag:$0x1], $0x80, v3, vm0, $0xb8;
	[tilespmem:$0x18080] =	vst v63  }
0xa0: {  	v3 =	vld [tilespmem:$0x60];
	_ =	sdelay $0x4  }
0xa1: {  	v62 =	vshrl.u32 v3, $0x3  }
0xa2: {  	v4 =	vmul.u32 $0x30, v62  }
0xa3: {  	v3 =	vand.u32 $0x7, v3  }
0xa4: {  	v3 =	vor.u32 v3, v4  }
0xa5: {  	v4 =	vperm.xlane v3, v0;
	_ =	sdelay $0x1  }
0xa6: {  	v4 =	vadd.s32 v1, v4;
	_ =	sdelay $0x3  }
0xa7: {  	v3 =	vperm.xlane v3, v2  }
0xa8: {  	[hbm4b:s3+s2] =	stream.indirect_vreg.scatter [tilespmem:s19], [sflag:$0x1], $0x80, v4, vm0, $0xb8;
	[tilespmem:$0x18080] =	vst v63  }
0xa9: {  	v3 =	vadd.s32 v1, v3  }
0xaa: {  	[hbm4b:s4+s2] =	stream.indirect_vreg.scatter [tilespmem:s20], [sflag:$0x1], $0x80, v4, vm0, $0xb8;
	[tilespmem:$0x18080] =	vst v63  }
0xab: {  	_ = 	snop  }
0xac: {  	[hbm4b:s5+s2] =	stream.indirect_vreg.scatter [tilespmem:s21], [sflag:$0x1], $0x80, v4, vm0, $0xb8;
	[tilespmem:$0x18080] =	vst v63  }
0xad: {  	_ = 	snop  }
0xae: {  	[hbm4b:s3+s2] =	stream.indirect_vreg.scatter [tilespmem:s22], [sflag:$0x1], $0x80, v3, vm0, $0xb8;
	[tilespmem:$0x18080] =	vst v63  }
0xaf: {  	_ = 	snop  }
0xb0: {  	[hbm4b:s4+s2] =	stream.indirect_vreg.scatter [tilespmem:s23], [sflag:$0x1], $0x80, v3, vm0, $0xb8;
	[tilespmem:$0x18080] =	vst v63  }
0xb1: {  	_ = 	snop  }
0xb2: {  	[hbm4b:s5+s2] =	stream.indirect_vreg.scatter [tilespmem:s24], [sflag:$0x1], $0x80, v3, vm0, $0xb8;
	[tilespmem:$0x18080] =	vst v63  }
0xb3: {  	v3 =	vld [tilespmem:$0x70];
	_ =	sdelay $0x4  }
0xb4: {  	v63 =	vshrl.u32 v3, $0x3  }
0xb5: {  	v4 =	vmul.u32 $0x30, v63  }
0xb6: {  	v3 =	vand.u32 $0x7, v3  }
0xb7: {  	v3 =	vor.u32 v3, v4  }
0xb8: {  	v4 =	vperm.xlane v3, v0;
	_ =	sdelay $0x1  }
0xb9: {  	v4 =	vadd.s32 v1, v4;
	_ =	sdelay $0x3  }
0xba: {  	v3 =	vperm.xlane v3, v2  }
0xbb: {  	[hbm4b:s3+s2] =	stream.indirect_vreg.scatter [tilespmem:s25], [sflag:$0x1], $0x80, v4, vm0, $0xb8;
	[tilespmem:$0x18080] =	vst v63  }
0xbc: {  	v3 =	vadd.s32 v1, v3  }
0xbd: {  	[hbm4b:s4+s2] =	stream.indirect_vreg.scatter [tilespmem:s26], [sflag:$0x1], $0x80, v4, vm0, $0xb8;
	[tilespmem:$0x18080] =	vst v63  }
0xbe: {  	_ = 	snop  }
0xbf: {  	[hbm4b:s5+s2] =	stream.indirect_vreg.scatter [tilespmem:s28], [sflag:$0x1], $0x80, v4, vm0, $0xb8;
	[tilespmem:$0x18080] =	vst v63  }
0xc0: {  	_ = 	snop  }
0xc1: {  	[hbm4b:s3+s2] =	stream.indirect_vreg.scatter [tilespmem:s29], [sflag:$0x1], $0x80, v3, vm0, $0xb8;
	[tilespmem:$0x18080] =	vst v63  }
0xc2: {  	p0 =	sne.s32 s6, $0x1  }
0xc3: {  	[hbm4b:s4+s2] =	stream.indirect_vreg.scatter [tilespmem:s30], [sflag:$0x1], $0x80, v3, vm0, $0xb8;
	[tilespmem:$0x18080] =	vst v63  }
.Ltmp0:
0xc4: {  	_ = 	snop;
	(pc) =	sbr.rel @p0 .LBB2_1-.Ltmp0, $4  }
0xc5: {  	[hbm4b:s5+s2] =	stream.indirect_vreg.scatter [tilespmem:s31], [sflag:$0x1], $0x80, v3, vm0, $0xb8;
	[tilespmem:$0x18080] =	vst v63  }
0xc6: {  	_ =	swait.ge [sflag:s1], $0x18000  }
0xc7: {  	[sflag:s1] =	ssyncset.done $0x0  }
0xc8: {  	s6 =	sadd.s32 $0xFFFFFFFF, s6;
	[sflag:s1] =	ssyncadd.s32 $0xFFFE8000  }
0xc9: {  	_ =	sfence.sel $0x180000  }
0xca: {  	[bflag:$0x0] =	sbarrier.arrive $0xFFFF  }
0xcb: {  	_ =	strace $0x90000047  }
0xcc: {  	s0 =	stileid.u32;
	[bflag:$0x2] =	sbarrier.arrive $0xFFFF  }
0xcd: {  	p0 =	sne.s32 s0, $0x0;
	s0 =	rddreg [dreg:$0x2]  }
0xce: {  	s0 =	sadd.s32 @!p0 $0x100000, s0  }
0xcf: {  	[sflag:s0] =	ssyncadd.tile.s32 @!p0 $0x1;
	_ =	shalt  }
.Lfunc_end2:
_tile_overlayer_lowered:
.L_overlay_start_2:
0xd0: {  	(tag) =	ssettag $0x2  }
0xd1: {  	s0 =	rddreg [dreg:$0x0];
	s2 =	stileid.u32  }
0xd2: {  	s1 =	rddreg [dreg:$0x1];
	p0 =	sne.s32 s2, $0x0  }
0xd3: {  	s3 =	rddreg [dreg:$0x2];
	[bflag:$0x3] =	sbarrier.arrive $0xFFFF;
	s2 =	simm.s32 @!p0 $0x1C02  }
0xd4: {  	[timem:s3], [sflag:s2] =	dma.local @!p0 [hbm:s0], s1  }
0xd5: {  	s0 =	simm.s32 @!p0 $0x2  }
0xd6: {  	_ =	swait.ge @!p0 [sflag:s0], s1  }
0xd7: {  	s1 =	ssub.s32 @!p0 $0x0, s1;
	[sflag:s0] =	ssyncset.done @!p0 $0x0  }
0xd8: {  	[sflag:s0] =	ssyncadd.s32 @!p0 s1  }
0xd9: {  	[bflag:$0x3] =	sbarrier.arrive $0xFFFF  }
0xda: {  	_ =	shalt  }

</sc_bundles>
